<compile_context>
chip_gen: v7x
topology: tpu7x:2x2x1
jax: 0.10.2.dev20260603
libtpu: 0.0.44.dev20260713+nightly
codegen_flags: <defaults>
</compile_context>

<pallas_src>
import functools

import jax
import jax.numpy as jnp
from jax import lax
from jax.experimental import pallas as pl
from jax.experimental.pallas import tpu as pltpu
from jax.experimental.pallas import tpu_sc as plsc

N = 10000
E = 320000
H = 64
D_IN_ = 128

NC = 2
NS = 16
NW = NC * NS
EDGES_PER_W = E // NW
CHUNK = 400
NP = 10240
N_PER_TILE = NP // NS

_sc_mesh = plsc.VectorSubcoreMesh(core_axis_name="c", subcore_axis_name="s",
                                 num_cores=NC, num_subcores=NS)


def _wid():
    return lax.axis_index("s") * NC + lax.axis_index("c")


N_TBL_SLAB = N // NS


@functools.partial(
    pl.kernel,
    out_type=jax.ShapeDtypeStruct((NC, NP, H), jnp.float32),
    mesh=_sc_mesh,
    compiler_params=pltpu.CompilerParams(use_tc_tiling_on_sc=False),
    scratch_types=[
        pltpu.VMEM((CHUNK,), jnp.int32),
        pltpu.VMEM((CHUNK, H), jnp.float32),
        pltpu.VMEM_SHARED((NP, H), jnp.float32),
    ],
)
def _sc_degree(dst_hbm, zeros_hbm, ones_hbm, out_hbm, dst_v, ones_v, acc_sh):
    cid = lax.axis_index("c")
    sid = lax.axis_index("s")
    base = _wid() * EDGES_PER_W
    pltpu.sync_copy(zeros_hbm.at[pl.ds(sid * N_PER_TILE, N_PER_TILE)],
                    acc_sh.at[pl.ds(sid * N_PER_TILE, N_PER_TILE)])
    pltpu.sync_copy(ones_hbm, ones_v)
    plsc.subcore_barrier()

    def body(k, _):
        off = base + k * CHUNK
        pltpu.sync_copy(dst_hbm.at[pl.ds(off, CHUNK)], dst_v)
        pltpu.sync_copy(ones_v, acc_sh.at[dst_v], add=True)
        return 0

    lax.fori_loop(0, EDGES_PER_W // CHUNK, body, 0)
    plsc.subcore_barrier()
    pltpu.sync_copy(acc_sh.at[pl.ds(sid * N_PER_TILE, N_PER_TILE)],
                    out_hbm.at[cid, pl.ds(sid * N_PER_TILE, N_PER_TILE)])


K2 = (EDGES_PER_W // CHUNK - 1) // 2


@functools.partial(
    pl.kernel,
    out_type=jax.ShapeDtypeStruct((NC, NP, H), jnp.float32),
    mesh=_sc_mesh,
    compiler_params=pltpu.CompilerParams(use_tc_tiling_on_sc=False),
    scratch_types=[
        pltpu.VMEM((CHUNK,), jnp.int32),
        pltpu.VMEM((CHUNK,), jnp.int32),
        pltpu.VMEM((CHUNK,), jnp.int32),
        pltpu.VMEM((CHUNK,), jnp.int32),
        pltpu.VMEM((CHUNK, H), jnp.float32),
        pltpu.VMEM((CHUNK, H), jnp.float32),
        pltpu.VMEM_SHARED((NP, H), jnp.float32),
        pltpu.SemaphoreType.DMA,
        pltpu.SemaphoreType.DMA,
    ],
)
def _sc_segsum(pre_hbm, src_hbm, dst_hbm, zeros_hbm, out_hbm,
               src_a, dst_a, src_b, dst_b, rows_a, rows_b, acc_sh,
               sem_a, sem_b):
    cid = lax.axis_index("c")
    sid = lax.axis_index("s")
    base = _wid() * EDGES_PER_W
    pltpu.sync_copy(zeros_hbm.at[pl.ds(sid * N_PER_TILE, N_PER_TILE)],
                    acc_sh.at[pl.ds(sid * N_PER_TILE, N_PER_TILE)])
    plsc.subcore_barrier()

    def load(off, s_v, d_v):
        pltpu.sync_copy(src_hbm.at[pl.ds(off, CHUNK)], s_v)
        pltpu.sync_copy(dst_hbm.at[pl.ds(off, CHUNK)], d_v)

    load(base, src_a, dst_a)
    pltpu.async_copy(pre_hbm.at[src_a], rows_a, sem_a)

    def body(k2, _):
        load(base + (2 * k2 + 1) * CHUNK, src_b, dst_b)
        pltpu.async_copy(pre_hbm.at[src_b], rows_b, sem_b)
        pltpu.make_async_copy(pre_hbm.at[src_a], rows_a, sem_a).wait()
        pltpu.sync_copy(rows_a, acc_sh.at[dst_a], add=True)

        load(base + (2 * k2 + 2) * CHUNK, src_a, dst_a)
        pltpu.async_copy(pre_hbm.at[src_a], rows_a, sem_a)

        pltpu.make_async_copy(pre_hbm.at[src_b], rows_b, sem_b).wait()
        pltpu.sync_copy(rows_b, acc_sh.at[dst_b], add=True)
        return 0

    lax.fori_loop(0, K2, body, 0)
    pltpu.make_async_copy(pre_hbm.at[src_a], rows_a, sem_a).wait()
    pltpu.sync_copy(rows_a, acc_sh.at[dst_a], add=True)
    plsc.subcore_barrier()
    pltpu.sync_copy(acc_sh.at[pl.ds(sid * N_PER_TILE, N_PER_TILE)],
                    out_hbm.at[cid, pl.ds(sid * N_PER_TILE, N_PER_TILE)])


@functools.partial(
    pl.kernel,
    out_type=jax.ShapeDtypeStruct((E, H), jnp.float32),
    mesh=_sc_mesh,
    compiler_params=pltpu.CompilerParams(use_tc_tiling_on_sc=False),
    scratch_types=[
        pltpu.VMEM((CHUNK,), jnp.int32),
        pltpu.VMEM((CHUNK,), jnp.int32),
        pltpu.VMEM((CHUNK,), jnp.int32),
        pltpu.VMEM((CHUNK,), jnp.int32),
        pltpu.VMEM((CHUNK, H), jnp.float32),
        pltpu.VMEM((CHUNK, H), jnp.float32),
        pltpu.VMEM_SHARED((N, H), jnp.float32),
        pltpu.SemaphoreType.DMA,
        pltpu.SemaphoreType.DMA,
        pltpu.SemaphoreType.DMA,
        pltpu.SemaphoreType.DMA,
    ],
)
def _sc_edge_gather(hs_hbm, hd_hbm, src_hbm, dst_hbm, out_hbm,
                    src_a, dst_a, src_b, dst_b, rows_a, rows_b, hs_sh,
                    sem_a1, sem_a2, sem_b1, sem_b2):
    sid = lax.axis_index("s")
    base = _wid() * EDGES_PER_W
    pltpu.sync_copy(hs_hbm.at[pl.ds(sid * N_TBL_SLAB, N_TBL_SLAB)],
                    hs_sh.at[pl.ds(sid * N_TBL_SLAB, N_TBL_SLAB)])
    plsc.subcore_barrier()

    def load(off, s_v, d_v):
        pltpu.sync_copy(src_hbm.at[pl.ds(off, CHUNK)], s_v)
        pltpu.sync_copy(dst_hbm.at[pl.ds(off, CHUNK)], d_v)

    load(base, src_a, dst_a)
    pltpu.async_copy(hs_sh.at[src_a], rows_a, sem_a1)

    def body(k2, _):
        off_a = base + 2 * k2 * CHUNK
        off_b = off_a + CHUNK
        load(off_b, src_b, dst_b)
        pltpu.async_copy(hs_sh.at[src_b], rows_b, sem_b1)
        pltpu.make_async_copy(hs_sh.at[src_a], rows_a, sem_a1).wait()
        pltpu.async_copy(hd_hbm.at[dst_a], rows_a, sem_a2, add=True).wait()
        pltpu.sync_copy(rows_a, out_hbm.at[pl.ds(off_a, CHUNK)])

        load(off_b + CHUNK, src_a, dst_a)
        pltpu.async_copy(hs_sh.at[src_a], rows_a, sem_a1)

        pltpu.make_async_copy(hs_sh.at[src_b], rows_b, sem_b1).wait()
        pltpu.async_copy(hd_hbm.at[dst_b], rows_b, sem_b2, add=True).wait()
        pltpu.sync_copy(rows_b, out_hbm.at[pl.ds(off_b, CHUNK)])
        return 0

    lax.fori_loop(0, K2, body, 0)
    off_last = base + EDGES_PER_W - CHUNK
    pltpu.make_async_copy(hs_sh.at[src_a], rows_a, sem_a1).wait()
    pltpu.async_copy(hd_hbm.at[dst_a], rows_a, sem_a2, add=True).wait()
    pltpu.sync_copy(rows_a, out_hbm.at[pl.ds(off_last, CHUNK)])


BN2 = 1000
NPK = N // 2


def _bd(m, k):
    a, b = m.shape
    out = jnp.zeros((k * a, k * b), m.dtype)
    for i in range(k):
        out = lax.dynamic_update_slice(out, m, (i * a, i * b))
    return out


def _tc_proj_body(x_ref, wl_ref, wr_ref, pre_ref, r_ref):
    x = x_ref[...]
    pre_ref[...] = jnp.dot(x, wl_ref[...], preferred_element_type=jnp.float32)
    r_ref[...] = jnp.dot(x, wr_ref[...], preferred_element_type=jnp.float32)


def _tc_proj(x2, wl_bd, wr_bd):
    d = x2.shape[1]
    return pl.pallas_call(
        _tc_proj_body,
        grid=(NPK // BN2,),
        in_specs=[
            pl.BlockSpec((BN2, d), lambda i: (i, 0)),
            pl.BlockSpec((d, 2 * H), lambda i: (0, 0)),
            pl.BlockSpec((d, 2 * H), lambda i: (0, 0)),
        ],
        out_specs=[
            pl.BlockSpec((BN2, 2 * H), lambda i: (i, 0)),
            pl.BlockSpec((BN2, 2 * H), lambda i: (i, 0)),
        ],
        out_shape=[
            jax.ShapeDtypeStruct((NPK, 2 * H), jnp.float32),
            jax.ShapeDtypeStruct((NPK, 2 * H), jnp.float32),
        ],
    )(x2, wl_bd, wr_bd)


def _tc_combine_body(acc_ref, deg_ref, r_ref, bl_ref, wa_ref, wb_ref,
                     outa_ref, outb_ref):
    deg = deg_ref[0] + deg_ref[1]
    inv = 1.0 / jnp.maximum(deg, 1.0)
    agg = acc_ref[0] + acc_ref[1]
    h = jnp.maximum(agg * inv + bl_ref[0] + r_ref[...], 0.0)
    outa_ref[...] = jnp.dot(h, wa_ref[...], preferred_element_type=jnp.float32)
    outb_ref[...] = jnp.dot(h, wb_ref[...], preferred_element_type=jnp.float32)


def _tc_combine(acc2, deg2, rp, bl2, wa_bd, wb_bd):
    return pl.pallas_call(
        _tc_combine_body,
        grid=(NPK // BN2,),
        in_specs=[
            pl.BlockSpec((NC, BN2, 2 * H), lambda i: (0, i, 0)),
            pl.BlockSpec((NC, BN2, 2 * H), lambda i: (0, i, 0)),
            pl.BlockSpec((BN2, 2 * H), lambda i: (i, 0)),
            pl.BlockSpec((1, 2 * H), lambda i: (0, 0)),
            pl.BlockSpec((2 * H, 2 * H), lambda i: (0, 0)),
            pl.BlockSpec((2 * H, 2 * H), lambda i: (0, 0)),
        ],
        out_specs=[
            pl.BlockSpec((BN2, 2 * H), lambda i: (i, 0)),
            pl.BlockSpec((BN2, 2 * H), lambda i: (i, 0)),
        ],
        out_shape=[
            jax.ShapeDtypeStruct((NPK, 2 * H), jnp.float32),
            jax.ShapeDtypeStruct((NPK, 2 * H), jnp.float32),
        ],
    )(acc2, deg2, rp, bl2, wa_bd, wb_bd)


BE8 = 2000
E8 = E // 8


def _tc_edge_mlp_body(g_ref, ea_ref, w1e_ref, b1_ref, w2_ref, b2_ref,
                      w3_ref, b3_ref, out_ref):
    z1 = g_ref[...] + jnp.dot(ea_ref[...], w1e_ref[...],
                              preferred_element_type=jnp.float32) + b1_ref[0]
    z1 = jnp.maximum(z1, 0.0)
    w2 = w2_ref[...]
    z2 = jnp.concatenate(
        [jnp.dot(z1[:, 128 * j:128 * (j + 1)], w2,
                 preferred_element_type=jnp.float32) for j in range(4)],
        axis=1)
    z2 = jnp.maximum(z2 + b2_ref[0], 0.0)
    w3 = w3_ref[...]
    z3 = jnp.concatenate(
        [jnp.dot(z2[:, 128 * j:128 * (j + 1)], w3,
                 preferred_element_type=jnp.float32) for j in range(2)],
        axis=1)
    out_ref[...] = z3 + b3_ref[0, 0]


def _tc_edge_mlp(g8, ea8, w1e_bd8, b1t, w2_bd2, b2t, w3_bd4, b3):
    return pl.pallas_call(
        _tc_edge_mlp_body,
        grid=(E8 // BE8,),
        in_specs=[
            pl.BlockSpec((BE8, 8 * H), lambda i: (i, 0)),
            pl.BlockSpec((BE8, 128), lambda i: (i, 0)),
            pl.BlockSpec((128, 8 * H), lambda i: (0, 0)),
            pl.BlockSpec((1, 8 * H), lambda i: (0, 0)),
            pl.BlockSpec((128, 64), lambda i: (0, 0)),
            pl.BlockSpec((1, 256), lambda i: (0, 0)),
            pl.BlockSpec((128, 4), lambda i: (0, 0)),
            pl.BlockSpec((1, 1), lambda i: (0, 0)),
        ],
        out_specs=pl.BlockSpec((BE8, 8), lambda i: (i, 0)),
        out_shape=jax.ShapeDtypeStruct((E8, 8), jnp.float32),
    )(g8, ea8, w1e_bd8, b1t, w2_bd2, b2t, w3_bd4, b3)


def kernel(x, edge_index, edge_attr, Wl1, bl1, Wr1, Wl2, bl2, Wr2,
           Wl3, bl3, Wr3, W1, b1, W2, b2, W3, b3):
    src = edge_index[0]
    dst = edge_index[1]

    zeros_n64 = jnp.zeros((NP, H), jnp.float32)
    ones_c64 = jnp.ones((CHUNK, H), jnp.float32)

    deg_acc = _sc_degree(dst, zeros_n64, ones_c64)
    deg2 = deg_acc.reshape(NC, NP // 2, 2 * H)

    x2 = x.reshape(NPK, 2 * D_IN_)

    pre1, r1 = _tc_proj(x2, _bd(Wl1.T, 2), _bd(Wr1.T, 2))
    acc1 = _sc_segsum(pre1.reshape(N, H), src, dst, zeros_n64)
    pre2, r2 = _tc_combine(acc1.reshape(NC, NP // 2, 2 * H), deg2, r1,
                           jnp.tile(bl1, 2).reshape(1, 2 * H),
                           _bd(Wl2.T, 2), _bd(Wr2.T, 2))
    acc2 = _sc_segsum(pre2.reshape(N, H), src, dst, zeros_n64)
    pre3, r3 = _tc_combine(acc2.reshape(NC, NP // 2, 2 * H), deg2, r2,
                           jnp.tile(bl2, 2).reshape(1, 2 * H),
                           _bd(Wl3.T, 2), _bd(Wr3.T, 2))
    acc3 = _sc_segsum(pre3.reshape(N, H), src, dst, zeros_n64)
    w1s_t = W1[:, :H].T
    w1d_t = W1[:, H:2 * H].T
    hs, hd = _tc_combine(acc3.reshape(NC, NP // 2, 2 * H), deg2, r3,
                         jnp.tile(bl3, 2).reshape(1, 2 * H),
                         _bd(w1s_t, 2), _bd(w1d_t, 2))

    g = _sc_edge_gather(hs.reshape(N, H), hd.reshape(N, H), src, dst)

    w1e_t = W1[:, 2 * H:].T
    logits8 = _tc_edge_mlp(
        g.reshape(E8, 8 * H), edge_attr.reshape(E8, 128),
        _bd(w1e_t, 8), jnp.tile(b1, 8).reshape(1, 8 * H),
        _bd(W2.T, 2), jnp.tile(b2, 8).reshape(1, 256),
        _bd(W3.T, 4), b3.reshape(1, 1))
    return logits8.reshape(E)

# --- scband reference (transcript-rebuilt; emitter-appended) ---
"""Pipeline reference for scband-edge-classifier-gnn-55551107006974 (READ-ONLY COPY).

The authoritative reference and input builder live on the scoring server;
editing this copy changes nothing except your own understanding.
"""

import jax, jax.numpy as jnp
import numpy as np

N = 10000
E = 320000
D_IN = 128
D_EDGE = 16
H = 64


def _sage(x, src, dst, Wl, bl, Wr):
    # PyG SAGEConv: out = lin_l(mean_aggr(x_src -> dst)) + lin_r(x)
    msg = x[src]
    agg = jax.ops.segment_sum(msg, dst, num_segments=N)
    deg = jax.ops.segment_sum(jnp.ones((dst.shape[0],), dtype=x.dtype), dst, num_segments=N)
    mean = agg / jnp.clip(deg, 1.0)[:, None]
    return mean @ Wl.T + bl + x @ Wr.T


def setup_inputs(seed: int = 0) -> dict:
    key = jax.random.key(seed)
    ks = jax.random.split(key, 24)
    inp = {}
    inp['x'] = jax.random.normal(ks[0], (N, D_IN), dtype=jnp.float32)
    inp['edge_index'] = jax.random.randint(ks[1], (2, E), 0, N, dtype=jnp.int32)
    inp['edge_attr'] = jax.random.normal(ks[2], (E, D_EDGE), dtype=jnp.float32)
    # SAGEConv params: lin_l (weight+bias, applied to aggregated), lin_r (weight only, root)
    s = 0.1
    inp['Wl1'] = jax.random.normal(ks[3], (H, D_IN), dtype=jnp.float32) * s
    inp['bl1'] = jnp.zeros((H,), dtype=jnp.float32)
    inp['Wr1'] = jax.random.normal(ks[4], (H, D_IN), dtype=jnp.float32) * s
    inp['Wl2'] = jax.random.normal(ks[5], (H, H), dtype=jnp.float32) * s
    inp['bl2'] = jnp.zeros((H,), dtype=jnp.float32)
    inp['Wr2'] = jax.random.normal(ks[6], (H, H), dtype=jnp.float32) * s
    inp['Wl3'] = jax.random.normal(ks[7], (H, H), dtype=jnp.float32) * s
    inp['bl3'] = jnp.zeros((H,), dtype=jnp.float32)
    inp['Wr3'] = jax.random.normal(ks[8], (H, H), dtype=jnp.float32) * s
    # edge MLP: (2H + D_EDGE) -> H -> H//2 -> 1
    inp['W1'] = jax.random.normal(ks[9], (H, 2 * H + D_EDGE), dtype=jnp.float32) * s
    inp['b1'] = jnp.zeros((H,), dtype=jnp.float32)
    inp['W2'] = jax.random.normal(ks[10], (H // 2, H), dtype=jnp.float32) * s
    inp['b2'] = jnp.zeros((H // 2,), dtype=jnp.float32)
    inp['W3'] = jax.random.normal(ks[11], (1, H // 2), dtype=jnp.float32) * s
    inp['b3'] = jnp.zeros((1,), dtype=jnp.float32)
    return inp


def reference(x, edge_index, edge_attr, Wl1, bl1, Wr1, Wl2, bl2, Wr2, Wl3, bl3, Wr3, W1, b1, W2, b2, W3, b3):
    src = edge_index[0]
    dst = edge_index[1]
    h = _sage(x, src, dst, Wl1, bl1, Wr1)
    h = jax.nn.relu(h)  # dropout is identity in eval mode
    h = _sage(h, src, dst, Wl2, bl2, Wr2)
    h = jax.nn.relu(h)
    h = _sage(h, src, dst, Wl3, bl3, Wr3)
    h = jax.nn.relu(h)
    x_src = h[src]
    x_dst = h[dst]
    edge_feat = jnp.concatenate([x_src, x_dst, edge_attr], axis=1)
    z = jax.nn.relu(edge_feat @ W1.T + b1)
    z = jax.nn.relu(z @ W2.T + b2)
    logits = (z @ W3.T + b3).squeeze(-1)
    return logits

if __name__ == "__main__":
    import jax
    _d = setup_inputs()
    print(jax.jit(kernel)(*tuple(_d.values())))

</pallas_src>

<mosaic_0001>
#map = affine_map<(d0, d1) -> (0)>
#map1 = affine_map<(d0, d1) -> (0, 0)>
#map2 = affine_map<(d0, d1) -> (0, 0, 0)>
module attributes {stable_mosaic.version = 14 : i64} {
  func.func @_sc_degree(%arg0: i32, %arg1: i32, %arg2: memref<320000xi32, #tpu.memory_space<hbm>>, %arg3: memref<10240x64xf32, #tpu.memory_space<hbm>>, %arg4: memref<400x64xf32, #tpu.memory_space<hbm>>, %arg5: memref<2x10240x64xf32, #tpu.memory_space<hbm>>, %arg6: memref<400xi32, #tpu.memory_space<vmem>>, %arg7: memref<400x64xf32, #tpu.memory_space<vmem>>, %arg8: memref<10240x64xf32, #tpu.memory_space<vmem_shared>>) attributes {dimension_semantics = [#tpu.dimension_semantics<core_parallel>, #tpu.dimension_semantics<subcore_parallel>], iteration_bounds = array<i64: 2, 16>, scalar_prefetch = 0 : i64, scratch_operands = 3 : i64, tpu.core_type = #tpu.core_type<sc_vector_subcore>, window_params = [{transform_indices = #map}, {transform_indices = #map1}, {transform_indices = #map1}, {transform_indices = #map2}]} {
    %mul3A = arith.constant 2 : i32
    %mul3A_0 = arith.muli %arg1, %mul3A : i32
    %add3A = arith.addi %mul3A_0, %arg0 : i32
    %mul3A_1 = arith.constant 10000 : i32
    %mul3A_2 = arith.muli %add3A, %mul3A_1 : i32
    %mul3A_3 = arith.constant 640 : i32
    %mul3A_4 = arith.muli %arg1, %mul3A_3 : i32
    %mul3A_5 = arith.constant 640 : i32
    %mul3A_6 = arith.muli %arg1, %mul3A_5 : i32
    "tpu.region"() ({
      %run_scoped3A = tpu.sem_alloc : memref<!tpu.dma_semaphore, #tpu.memory_space<semaphore_mem>>
      %dma_start3A = arith.constant 0 : i32
      %dma_start3A_18 = tpu.memref_slice %arg8[%mul3A_6, %dma_start3A] : memref<10240x64xf32, #tpu.memory_space<vmem_shared>> -> memref<640x64xf32, #tpu.memory_space<vmem_shared>>
      %dma_start3A_19 = arith.constant 0 : i32
      %dma_start3A_20 = tpu.memref_slice %arg3[%mul3A_4, %dma_start3A_19] : memref<10240x64xf32, #tpu.memory_space<hbm>> -> memref<640x64xf32, #tpu.memory_space<hbm>>
      tpu.enqueue_dma source(%dma_start3A_20 : memref<640x64xf32, #tpu.memory_space<hbm>>) target(%dma_start3A_18 : memref<640x64xf32, #tpu.memory_space<vmem_shared>>) target_semaphore(%run_scoped3A : memref<!tpu.dma_semaphore, #tpu.memory_space<semaphore_mem>>)
      %dma_wait3A = arith.constant 0 : i32
      %dma_wait3A_21 = tpu.memref_slice %arg8[%mul3A_6, %dma_wait3A] : memref<10240x64xf32, #tpu.memory_space<vmem_shared>> -> memref<640x64xf32, #tpu.memory_space<vmem_shared>>
      %dma_wait3A_22 = arith.constant 0 : i32
      %dma_wait3A_23 = tpu.memref_slice %arg3[%mul3A_4, %dma_wait3A_22] : memref<10240x64xf32, #tpu.memory_space<hbm>> -> memref<640x64xf32, #tpu.memory_space<hbm>>
      tpu.wait_dma2 semaphore(%run_scoped3A : memref<!tpu.dma_semaphore, #tpu.memory_space<semaphore_mem>>) src(%dma_wait3A_23 : memref<640x64xf32, #tpu.memory_space<hbm>>) dst(%dma_wait3A_21 : memref<640x64xf32, #tpu.memory_space<vmem_shared>>)
      tpu.yield
    }) : () -> ()
    "tpu.region"() ({
      %run_scoped3A = tpu.sem_alloc : memref<!tpu.dma_semaphore, #tpu.memory_space<semaphore_mem>>
      tpu.enqueue_dma source(%arg4 : memref<400x64xf32, #tpu.memory_space<hbm>>) target(%arg7 : memref<400x64xf32, #tpu.memory_space<vmem>>) target_semaphore(%run_scoped3A : memref<!tpu.dma_semaphore, #tpu.memory_space<semaphore_mem>>)
      tpu.wait_dma2 semaphore(%run_scoped3A : memref<!tpu.dma_semaphore, #tpu.memory_space<semaphore_mem>>) src(%arg4 : memref<400x64xf32, #tpu.memory_space<hbm>>) dst(%arg7 : memref<400x64xf32, #tpu.memory_space<vmem>>)
      tpu.yield
    }) : () -> ()
    %barrier3A = arith.constant 0 : index
    tpu.barrier barrier_id(%barrier3A)
    %scan3A = arith.constant 0 : i32
    %scan3A_7 = arith.constant 0 : i32
    %scan3A_8 = arith.constant 25 : i32
    %scan3A_9 = arith.addi %scan3A_7, %scan3A_8 : i32
    %scan3A_10 = arith.constant 1 : i32
    %scan3A_11 = scf.for %scan3A_18 = %scan3A_7 to %scan3A_9 step %scan3A_10 iter_args(%scan3A_19 = %scan3A) -> (i32)  : i32 {
      %mul3A_20 = arith.constant 400 : i32
      %mul3A_21 = arith.muli %scan3A_18, %mul3A_20 : i32
      %add3A_22 = arith.addi %mul3A_2, %mul3A_21 : i32
      "tpu.region"() ({
        %run_scoped3A = tpu.sem_alloc : memref<!tpu.dma_semaphore, #tpu.memory_space<semaphore_mem>>
        %dma_start3A = tpu.memref_slice %arg2[%add3A_22] : memref<320000xi32, #tpu.memory_space<hbm>> -> memref<400xi32, #tpu.memory_space<hbm>>
        %dma_start3A_24 = tpu.memref_slice %arg2[%add3A_22] : memref<320000xi32, #tpu.memory_space<hbm>> -> memref<400xi32, #tpu.memory_space<hbm>>
        tpu.enqueue_dma source(%dma_start3A_24 : memref<400xi32, #tpu.memory_space<hbm>>) target(%arg6 : memref<400xi32, #tpu.memory_space<vmem>>) target_semaphore(%run_scoped3A : memref<!tpu.dma_semaphore, #tpu.memory_space<semaphore_mem>>)
        %dma_wait3A = tpu.memref_slice %arg2[%add3A_22] : memref<320000xi32, #tpu.memory_space<hbm>> -> memref<400xi32, #tpu.memory_space<hbm>>
        %dma_wait3A_25 = tpu.memref_slice %arg2[%add3A_22] : memref<320000xi32, #tpu.memory_space<hbm>> -> memref<400xi32, #tpu.memory_space<hbm>>
        tpu.wait_dma2 semaphore(%run_scoped3A : memref<!tpu.dma_semaphore, #tpu.memory_space<semaphore_mem>>) src(%dma_wait3A_25 : memref<400xi32, #tpu.memory_space<hbm>>) dst(%arg6 : memref<400xi32, #tpu.memory_space<vmem>>)
        tpu.yield
      }) : () -> ()
      "tpu.region"() ({
        %run_scoped3A = tpu.sem_alloc : memref<!tpu.dma_semaphore, #tpu.memory_space<semaphore_mem>>
        %dma_start3A = arith.constant 0 : i32
        %dma_start3A_24 = arith.constant 0 : i32
        %dma_start3A_25 = tpu.memref_slice %arg8[%dma_start3A, %dma_start3A_24] : memref<10240x64xf32, #tpu.memory_space<vmem_shared>> -> memref<10240x64xf32, #tpu.memory_space<vmem_shared>>
        tpu.enqueue_indirect_dma source(%arg7 : memref<400x64xf32, #tpu.memory_space<vmem>>) target(%dma_start3A_25 : memref<10240x64xf32, #tpu.memory_space<vmem_shared>>) offsets(%arg6 : memref<400xi32, #tpu.memory_space<vmem>>) semaphore(%run_scoped3A : memref<!tpu.dma_semaphore, #tpu.memory_space<semaphore_mem>>) {add = true}
        %dma_wait3A = arith.constant 0 : i32
        %dma_wait3A_26 = arith.constant 0 : i32
        %dma_wait3A_27 = tpu.memref_slice %arg8[%dma_wait3A, %dma_wait3A_26] : memref<10240x64xf32, #tpu.memory_space<vmem_shared>> -> memref<10240x64xf32, #tpu.memory_space<vmem_shared>>
        tpu.wait_indirect_dma semaphore(%run_scoped3A : memref<!tpu.dma_semaphore, #tpu.memory_space<semaphore_mem>>) src(%arg7 : memref<400x64xf32, #tpu.memory_space<vmem>>) dst(%dma_wait3A_27 : memref<10240x64xf32, #tpu.memory_space<vmem_shared>>)
        tpu.yield
      }) : () -> ()
      %scan3A_23 = arith.constant 0 : i32
      scf.yield %scan3A_23 : i32
    }
    %scan3A_12 = arith.constant 25 : i32
    %barrier3A_13 = arith.constant 0 : index
    tpu.barrier barrier_id(%barrier3A_13)
    %mul3A_14 = arith.constant 640 : i32
    %mul3A_15 = arith.muli %arg1, %mul3A_14 : i32
    %mul3A_16 = arith.constant 640 : i32
    %mul3A_17 = arith.muli %arg1, %mul3A_16 : i32
    "tpu.region"() ({
      %run_scoped3A = tpu.sem_alloc : memref<!tpu.dma_semaphore, #tpu.memory_space<semaphore_mem>>
      %dma_start3A = arith.constant 0 : i32
      %dma_start3A_18 = tpu.memref_slice %arg5[%arg0, %mul3A_17, %dma_start3A] : memref<2x10240x64xf32, #tpu.memory_space<hbm>> -> memref<1x640x64xf32, #tpu.memory_space<hbm>>
      %dma_start3A_19 = tpu.memref_squeeze %dma_start3A_18 : memref<1x640x64xf32, #tpu.memory_space<hbm>> -> memref<640x64xf32, #tpu.memory_space<hbm>>
      %dma_start3A_20 = arith.constant 0 : i32
      %dma_start3A_21 = tpu.memref_slice %arg8[%mul3A_15, %dma_start3A_20] : memref<10240x64xf32, #tpu.memory_space<vmem_shared>> -> memref<640x64xf32, #tpu.memory_space<vmem_shared>>
      tpu.enqueue_dma source(%dma_start3A_21 : memref<640x64xf32, #tpu.memory_space<vmem_shared>>) target(%dma_start3A_19 : memref<640x64xf32, #tpu.memory_space<hbm>>) target_semaphore(%run_scoped3A : memref<!tpu.dma_semaphore, #tpu.memory_space<semaphore_mem>>)
      %dma_wait3A = arith.constant 0 : i32
      %dma_wait3A_22 = tpu.memref_slice %arg5[%arg0, %mul3A_17, %dma_wait3A] : memref<2x10240x64xf32, #tpu.memory_space<hbm>> -> memref<1x640x64xf32, #tpu.memory_space<hbm>>
      %dma_wait3A_23 = tpu.memref_squeeze %dma_wait3A_22 : memref<1x640x64xf32, #tpu.memory_space<hbm>> -> memref<640x64xf32, #tpu.memory_space<hbm>>
      %dma_wait3A_24 = arith.constant 0 : i32
      %dma_wait3A_25 = tpu.memref_slice %arg8[%mul3A_15, %dma_wait3A_24] : memref<10240x64xf32, #tpu.memory_space<vmem_shared>> -> memref<640x64xf32, #tpu.memory_space<vmem_shared>>
      tpu.wait_dma2 semaphore(%run_scoped3A : memref<!tpu.dma_semaphore, #tpu.memory_space<semaphore_mem>>) src(%dma_wait3A_25 : memref<640x64xf32, #tpu.memory_space<vmem_shared>>) dst(%dma_wait3A_23 : memref<640x64xf32, #tpu.memory_space<hbm>>)
      tpu.yield
    }) : () -> ()
    return
  }
}

#map = affine_map<(d0, d1) -> (0, 0)>
#map1 = affine_map<(d0, d1) -> (0)>
#map2 = affine_map<(d0, d1) -> (0, 0, 0)>
module attributes {stable_mosaic.version = 14 : i64} {
  func.func @_sc_segsum(%arg0: i32, %arg1: i32, %arg2: memref<10000x64xf32, #tpu.memory_space<hbm>>, %arg3: memref<320000xi32, #tpu.memory_space<hbm>>, %arg4: memref<320000xi32, #tpu.memory_space<hbm>>, %arg5: memref<10240x64xf32, #tpu.memory_space<hbm>>, %arg6: memref<2x10240x64xf32, #tpu.memory_space<hbm>>, %arg7: memref<400xi32, #tpu.memory_space<vmem>>, %arg8: memref<400xi32, #tpu.memory_space<vmem>>, %arg9: memref<400xi32, #tpu.memory_space<vmem>>, %arg10: memref<400xi32, #tpu.memory_space<vmem>>, %arg11: memref<400x64xf32, #tpu.memory_space<vmem>>, %arg12: memref<400x64xf32, #tpu.memory_space<vmem>>, %arg13: memref<10240x64xf32, #tpu.memory_space<vmem_shared>>, %arg14: memref<!tpu.dma_semaphore, #tpu.memory_space<semaphore_mem>>, %arg15: memref<!tpu.dma_semaphore, #tpu.memory_space<semaphore_mem>>) attributes {dimension_semantics = [#tpu.dimension_semantics<core_parallel>, #tpu.dimension_semantics<subcore_parallel>], iteration_bounds = array<i64: 2, 16>, scalar_prefetch = 0 : i64, scratch_operands = 9 : i64, tpu.core_type = #tpu.core_type<sc_vector_subcore>, window_params = [{transform_indices = #map}, {transform_indices = #map1}, {transform_indices = #map1}, {transform_indices = #map}, {transform_indices = #map2}]} {
    %mul3A = arith.constant 2 : i32
    %mul3A_0 = arith.muli %arg1, %mul3A : i32
    %add3A = arith.addi %mul3A_0, %arg0 : i32
    %mul3A_1 = arith.constant 10000 : i32
    %mul3A_2 = arith.muli %add3A, %mul3A_1 : i32
    %mul3A_3 = arith.constant 640 : i32
    %mul3A_4 = arith.muli %arg1, %mul3A_3 : i32
    %mul3A_5 = arith.constant 640 : i32
    %mul3A_6 = arith.muli %arg1, %mul3A_5 : i32
    "tpu.region"() ({
      %run_scoped3A = tpu.sem_alloc : memref<!tpu.dma_semaphore, #tpu.memory_space<semaphore_mem>>
      %dma_start3A_22 = arith.constant 0 : i32
      %dma_start3A_23 = tpu.memref_slice %arg13[%mul3A_6, %dma_start3A_22] : memref<10240x64xf32, #tpu.memory_space<vmem_shared>> -> memref<640x64xf32, #tpu.memory_space<vmem_shared>>
      %dma_start3A_24 = arith.constant 0 : i32
      %dma_start3A_25 = tpu.memref_slice %arg5[%mul3A_4, %dma_start3A_24] : memref<10240x64xf32, #tpu.memory_space<hbm>> -> memref<640x64xf32, #tpu.memory_space<hbm>>
      tpu.enqueue_dma source(%dma_start3A_25 : memref<640x64xf32, #tpu.memory_space<hbm>>) target(%dma_start3A_23 : memref<640x64xf32, #tpu.memory_space<vmem_shared>>) target_semaphore(%run_scoped3A : memref<!tpu.dma_semaphore, #tpu.memory_space<semaphore_mem>>)
      %dma_wait3A_26 = arith.constant 0 : i32
      %dma_wait3A_27 = tpu.memref_slice %arg13[%mul3A_6, %dma_wait3A_26] : memref<10240x64xf32, #tpu.memory_space<vmem_shared>> -> memref<640x64xf32, #tpu.memory_space<vmem_shared>>
      %dma_wait3A_28 = arith.constant 0 : i32
      %dma_wait3A_29 = tpu.memref_slice %arg5[%mul3A_4, %dma_wait3A_28] : memref<10240x64xf32, #tpu.memory_space<hbm>> -> memref<640x64xf32, #tpu.memory_space<hbm>>
      tpu.wait_dma2 semaphore(%run_scoped3A : memref<!tpu.dma_semaphore, #tpu.memory_space<semaphore_mem>>) src(%dma_wait3A_29 : memref<640x64xf32, #tpu.memory_space<hbm>>) dst(%dma_wait3A_27 : memref<640x64xf32, #tpu.memory_space<vmem_shared>>)
      tpu.yield
    }) : () -> ()
    %barrier3A = arith.constant 0 : index
    tpu.barrier barrier_id(%barrier3A)
    "tpu.region"() ({
      %run_scoped3A = tpu.sem_alloc : memref<!tpu.dma_semaphore, #tpu.memory_space<semaphore_mem>>
      %dma_start3A_22 = tpu.memref_slice %arg3[%mul3A_2] : memref<320000xi32, #tpu.memory_space<hbm>> -> memref<400xi32, #tpu.memory_space<hbm>>
      %dma_start3A_23 = tpu.memref_slice %arg3[%mul3A_2] : memref<320000xi32, #tpu.memory_space<hbm>> -> memref<400xi32, #tpu.memory_space<hbm>>
      tpu.enqueue_dma source(%dma_start3A_23 : memref<400xi32, #tpu.memory_space<hbm>>) target(%arg7 : memref<400xi32, #tpu.memory_space<vmem>>) target_semaphore(%run_scoped3A : memref<!tpu.dma_semaphore, #tpu.memory_space<semaphore_mem>>)
      %dma_wait3A_24 = tpu.memref_slice %arg3[%mul3A_2] : memref<320000xi32, #tpu.memory_space<hbm>> -> memref<400xi32, #tpu.memory_space<hbm>>
      %dma_wait3A_25 = tpu.memref_slice %arg3[%mul3A_2] : memref<320000xi32, #tpu.memory_space<hbm>> -> memref<400xi32, #tpu.memory_space<hbm>>
      tpu.wait_dma2 semaphore(%run_scoped3A : memref<!tpu.dma_semaphore, #tpu.memory_space<semaphore_mem>>) src(%dma_wait3A_25 : memref<400xi32, #tpu.memory_space<hbm>>) dst(%arg7 : memref<400xi32, #tpu.memory_space<vmem>>)
      tpu.yield
    }) : () -> ()
    "tpu.region"() ({
      %run_scoped3A = tpu.sem_alloc : memref<!tpu.dma_semaphore, #tpu.memory_space<semaphore_mem>>
      %dma_start3A_22 = tpu.memref_slice %arg4[%mul3A_2] : memref<320000xi32, #tpu.memory_space<hbm>> -> memref<400xi32, #tpu.memory_space<hbm>>
      %dma_start3A_23 = tpu.memref_slice %arg4[%mul3A_2] : memref<320000xi32, #tpu.memory_space<hbm>> -> memref<400xi32, #tpu.memory_space<hbm>>
      tpu.enqueue_dma source(%dma_start3A_23 : memref<400xi32, #tpu.memory_space<hbm>>) target(%arg8 : memref<400xi32, #tpu.memory_space<vmem>>) target_semaphore(%run_scoped3A : memref<!tpu.dma_semaphore, #tpu.memory_space<semaphore_mem>>)
      %dma_wait3A_24 = tpu.memref_slice %arg4[%mul3A_2] : memref<320000xi32, #tpu.memory_space<hbm>> -> memref<400xi32, #tpu.memory_space<hbm>>
      %dma_wait3A_25 = tpu.memref_slice %arg4[%mul3A_2] : memref<320000xi32, #tpu.memory_space<hbm>> -> memref<400xi32, #tpu.memory_space<hbm>>
      tpu.wait_dma2 semaphore(%run_scoped3A : memref<!tpu.dma_semaphore, #tpu.memory_space<semaphore_mem>>) src(%dma_wait3A_25 : memref<400xi32, #tpu.memory_space<hbm>>) dst(%arg8 : memref<400xi32, #tpu.memory_space<vmem>>)
      tpu.yield
    }) : () -> ()
    %dma_start3A = arith.constant 0 : i32
    %dma_start3A_7 = arith.constant 0 : i32
    %dma_start3A_8 = tpu.memref_slice %arg2[%dma_start3A, %dma_start3A_7] : memref<10000x64xf32, #tpu.memory_space<hbm>> -> memref<10000x64xf32, #tpu.memory_space<hbm>>
    tpu.enqueue_indirect_dma source(%dma_start3A_8 : memref<10000x64xf32, #tpu.memory_space<hbm>>) target(%arg11 : memref<400x64xf32, #tpu.memory_space<vmem>>) offsets(%arg7 : memref<400xi32, #tpu.memory_space<vmem>>) semaphore(%arg14 : memref<!tpu.dma_semaphore, #tpu.memory_space<semaphore_mem>>)
    %scan3A = arith.constant 0 : i32
    %scan3A_9 = arith.constant 0 : i32
    %scan3A_10 = arith.constant 12 : i32
    %scan3A_11 = arith.addi %scan3A_9, %scan3A_10 : i32
    %scan3A_12 = arith.constant 1 : i32
    %scan3A_13 = scf.for %scan3A_22 = %scan3A_9 to %scan3A_11 step %scan3A_12 iter_args(%scan3A_23 = %scan3A) -> (i32)  : i32 {
      %mul3A_24 = arith.constant 2 : i32
      %mul3A_25 = arith.muli %mul3A_24, %scan3A_22 : i32
      %add3A_26 = arith.constant 1 : i32
      %add3A_27 = arith.addi %mul3A_25, %add3A_26 : i32
      %mul3A_28 = arith.constant 400 : i32
      %mul3A_29 = arith.muli %add3A_27, %mul3A_28 : i32
      %add3A_30 = arith.addi %mul3A_2, %mul3A_29 : i32
      "tpu.region"() ({
        %run_scoped3A = tpu.sem_alloc : memref<!tpu.dma_semaphore, #tpu.memory_space<semaphore_mem>>
        %dma_start3A_51 = tpu.memref_slice %arg3[%add3A_30] : memref<320000xi32, #tpu.memory_space<hbm>> -> memref<400xi32, #tpu.memory_space<hbm>>
        %dma_start3A_52 = tpu.memref_slice %arg3[%add3A_30] : memref<320000xi32, #tpu.memory_space<hbm>> -> memref<400xi32, #tpu.memory_space<hbm>>
        tpu.enqueue_dma source(%dma_start3A_52 : memref<400xi32, #tpu.memory_space<hbm>>) target(%arg9 : memref<400xi32, #tpu.memory_space<vmem>>) target_semaphore(%run_scoped3A : memref<!tpu.dma_semaphore, #tpu.memory_space<semaphore_mem>>)
        %dma_wait3A_53 = tpu.memref_slice %arg3[%add3A_30] : memref<320000xi32, #tpu.memory_space<hbm>> -> memref<400xi32, #tpu.memory_space<hbm>>
        %dma_wait3A_54 = tpu.memref_slice %arg3[%add3A_30] : memref<320000xi32, #tpu.memory_space<hbm>> -> memref<400xi32, #tpu.memory_space<hbm>>
        tpu.wait_dma2 semaphore(%run_scoped3A : memref<!tpu.dma_semaphore, #tpu.memory_space<semaphore_mem>>) src(%dma_wait3A_54 : memref<400xi32, #tpu.memory_space<hbm>>) dst(%arg9 : memref<400xi32, #tpu.memory_space<vmem>>)
        tpu.yield
      }) : () -> ()
      "tpu.region"() ({
        %run_scoped3A = tpu.sem_alloc : memref<!tpu.dma_semaphore, #tpu.memory_space<semaphore_mem>>
        %dma_start3A_51 = tpu.memref_slice %arg4[%add3A_30] : memref<320000xi32, #tpu.memory_space<hbm>> -> memref<400xi32, #tpu.memory_space<hbm>>
        %dma_start3A_52 = tpu.memref_slice %arg4[%add3A_30] : memref<320000xi32, #tpu.memory_space<hbm>> -> memref<400xi32, #tpu.memory_space<hbm>>
        tpu.enqueue_dma source(%dma_start3A_52 : memref<400xi32, #tpu.memory_space<hbm>>) target(%arg10 : memref<400xi32, #tpu.memory_space<vmem>>) target_semaphore(%run_scoped3A : memref<!tpu.dma_semaphore, #tpu.memory_space<semaphore_mem>>)
        %dma_wait3A_53 = tpu.memref_slice %arg4[%add3A_30] : memref<320000xi32, #tpu.memory_space<hbm>> -> memref<400xi32, #tpu.memory_space<hbm>>
        %dma_wait3A_54 = tpu.memref_slice %arg4[%add3A_30] : memref<320000xi32, #tpu.memory_space<hbm>> -> memref<400xi32, #tpu.memory_space<hbm>>
        tpu.wait_dma2 semaphore(%run_scoped3A : memref<!tpu.dma_semaphore, #tpu.memory_space<semaphore_mem>>) src(%dma_wait3A_54 : memref<400xi32, #tpu.memory_space<hbm>>) dst(%arg10 : memref<400xi32, #tpu.memory_space<vmem>>)
        tpu.yield
      }) : () -> ()
      %dma_start3A_31 = arith.constant 0 : i32
      %dma_start3A_32 = arith.constant 0 : i32
      %dma_start3A_33 = tpu.memref_slice %arg2[%dma_start3A_31, %dma_start3A_32] : memref<10000x64xf32, #tpu.memory_space<hbm>> -> memref<10000x64xf32, #tpu.memory_space<hbm>>
      tpu.enqueue_indirect_dma source(%dma_start3A_33 : memref<10000x64xf32, #tpu.memory_space<hbm>>) target(%arg12 : memref<400x64xf32, #tpu.memory_space<vmem>>) offsets(%arg9 : memref<400xi32, #tpu.memory_space<vmem>>) semaphore(%arg15 : memref<!tpu.dma_semaphore, #tpu.memory_space<semaphore_mem>>)
      %dma_wait3A_34 = arith.constant 0 : i32
      %dma_wait3A_35 = arith.constant 0 : i32
      %dma_wait3A_36 = tpu.memref_slice %arg2[%dma_wait3A_34, %dma_wait3A_35] : memref<10000x64xf32, #tpu.memory_space<hbm>> -> memref<10000x64xf32, #tpu.memory_space<hbm>>
      tpu.wait_indirect_dma semaphore(%arg14 : memref<!tpu.dma_semaphore, #tpu.memory_space<semaphore_mem>>) src(%dma_wait3A_36 : memref<10000x64xf32, #tpu.memory_space<hbm>>) dst(%arg11 : memref<400x64xf32, #tpu.memory_space<vmem>>)
      "tpu.region"() ({
        %run_scoped3A = tpu.sem_alloc : memref<!tpu.dma_semaphore, #tpu.memory_space<semaphore_mem>>
        %dma_start3A_51 = arith.constant 0 : i32
        %dma_start3A_52 = arith.constant 0 : i32
        %dma_start3A_53 = tpu.memref_slice %arg13[%dma_start3A_51, %dma_start3A_52] : memref<10240x64xf32, #tpu.memory_space<vmem_shared>> -> memref<10240x64xf32, #tpu.memory_space<vmem_shared>>
        tpu.enqueue_indirect_dma source(%arg11 : memref<400x64xf32, #tpu.memory_space<vmem>>) target(%dma_start3A_53 : memref<10240x64xf32, #tpu.memory_space<vmem_shared>>) offsets(%arg8 : memref<400xi32, #tpu.memory_space<vmem>>) semaphore(%run_scoped3A : memref<!tpu.dma_semaphore, #tpu.memory_space<semaphore_mem>>) {add = true}
        %dma_wait3A_54 = arith.constant 0 : i32
        %dma_wait3A_55 = arith.constant 0 : i32
        %dma_wait3A_56 = tpu.memref_slice %arg13[%dma_wait3A_54, %dma_wait3A_55] : memref<10240x64xf32, #tpu.memory_space<vmem_shared>> -> memref<10240x64xf32, #tpu.memory_space<vmem_shared>>
        tpu.wait_indirect_dma semaphore(%run_scoped3A : memref<!tpu.dma_semaphore, #tpu.memory_space<semaphore_mem>>) src(%arg11 : memref<400x64xf32, #tpu.memory_space<vmem>>) dst(%dma_wait3A_56 : memref<10240x64xf32, #tpu.memory_space<vmem_shared>>)
        tpu.yield
      }) : () -> ()
      %mul3A_37 = arith.constant 2 : i32
      %mul3A_38 = arith.muli %mul3A_37, %scan3A_22 : i32
      %add3A_39 = arith.constant 2 : i32
      %add3A_40 = arith.addi %mul3A_38, %add3A_39 : i32
      %mul3A_41 = arith.constant 400 : i32
      %mul3A_42 = arith.muli %add3A_40, %mul3A_41 : i32
      %add3A_43 = arith.addi %mul3A_2, %mul3A_42 : i32
      "tpu.region"() ({
        %run_scoped3A = tpu.sem_alloc : memref<!tpu.dma_semaphore, #tpu.memory_space<semaphore_mem>>
        %dma_start3A_51 = tpu.memref_slice %arg3[%add3A_43] : memref<320000xi32, #tpu.memory_space<hbm>> -> memref<400xi32, #tpu.memory_space<hbm>>
        %dma_start3A_52 = tpu.memref_slice %arg3[%add3A_43] : memref<320000xi32, #tpu.memory_space<hbm>> -> memref<400xi32, #tpu.memory_space<hbm>>
        tpu.enqueue_dma source(%dma_start3A_52 : memref<400xi32, #tpu.memory_space<hbm>>) target(%arg7 : memref<400xi32, #tpu.memory_space<vmem>>) target_semaphore(%run_scoped3A : memref<!tpu.dma_semaphore, #tpu.memory_space<semaphore_mem>>)
        %dma_wait3A_53 = tpu.memref_slice %arg3[%add3A_43] : memref<320000xi32, #tpu.memory_space<hbm>> -> memref<400xi32, #tpu.memory_space<hbm>>
        %dma_wait3A_54 = tpu.memref_slice %arg3[%add3A_43] : memref<320000xi32, #tpu.memory_space<hbm>> -> memref<400xi32, #tpu.memory_space<hbm>>
        tpu.wait_dma2 semaphore(%run_scoped3A : memref<!tpu.dma_semaphore, #tpu.memory_space<semaphore_mem>>) src(%dma_wait3A_54 : memref<400xi32, #tpu.memory_space<hbm>>) dst(%arg7 : memref<400xi32, #tpu.memory_space<vmem>>)
        tpu.yield
      }) : () -> ()
      "tpu.region"() ({
        %run_scoped3A = tpu.sem_alloc : memref<!tpu.dma_semaphore, #tpu.memory_space<semaphore_mem>>
        %dma_start3A_51 = tpu.memref_slice %arg4[%add3A_43] : memref<320000xi32, #tpu.memory_space<hbm>> -> memref<400xi32, #tpu.memory_space<hbm>>
        %dma_start3A_52 = tpu.memref_slice %arg4[%add3A_43] : memref<320000xi32, #tpu.memory_space<hbm>> -> memref<400xi32, #tpu.memory_space<hbm>>
        tpu.enqueue_dma source(%dma_start3A_52 : memref<400xi32, #tpu.memory_space<hbm>>) target(%arg8 : memref<400xi32, #tpu.memory_space<vmem>>) target_semaphore(%run_scoped3A : memref<!tpu.dma_semaphore, #tpu.memory_space<semaphore_mem>>)
        %dma_wait3A_53 = tpu.memref_slice %arg4[%add3A_43] : memref<320000xi32, #tpu.memory_space<hbm>> -> memref<400xi32, #tpu.memory_space<hbm>>
        %dma_wait3A_54 = tpu.memref_slice %arg4[%add3A_43] : memref<320000xi32, #tpu.memory_space<hbm>> -> memref<400xi32, #tpu.memory_space<hbm>>
        tpu.wait_dma2 semaphore(%run_scoped3A : memref<!tpu.dma_semaphore, #tpu.memory_space<semaphore_mem>>) src(%dma_wait3A_54 : memref<400xi32, #tpu.memory_space<hbm>>) dst(%arg8 : memref<400xi32, #tpu.memory_space<vmem>>)
        tpu.yield
      }) : () -> ()
      %dma_start3A_44 = arith.constant 0 : i32
      %dma_start3A_45 = arith.constant 0 : i32
      %dma_start3A_46 = tpu.memref_slice %arg2[%dma_start3A_44, %dma_start3A_45] : memref<10000x64xf32, #tpu.memory_space<hbm>> -> memref<10000x64xf32, #tpu.memory_space<hbm>>
      tpu.enqueue_indirect_dma source(%dma_start3A_46 : memref<10000x64xf32, #tpu.memory_space<hbm>>) target(%arg11 : memref<400x64xf32, #tpu.memory_space<vmem>>) offsets(%arg7 : memref<400xi32, #tpu.memory_space<vmem>>) semaphore(%arg14 : memref<!tpu.dma_semaphore, #tpu.memory_space<semaphore_mem>>)
      %dma_wait3A_47 = arith.constant 0 : i32
      %dma_wait3A_48 = arith.constant 0 : i32
      %dma_wait3A_49 = tpu.memref_slice %arg2[%dma_wait3A_47, %dma_wait3A_48] : memref<10000x64xf32, #tpu.memory_space<hbm>> -> memref<10000x64xf32, #tpu.memory_space<hbm>>
      tpu.wait_indirect_dma semaphore(%arg15 : memref<!tpu.dma_semaphore, #tpu.memory_space<semaphore_mem>>) src(%dma_wait3A_49 : memref<10000x64xf32, #tpu.memory_space<hbm>>) dst(%arg12 : memref<400x64xf32, #tpu.memory_space<vmem>>)
      "tpu.region"() ({
        %run_scoped3A = tpu.sem_alloc : memref<!tpu.dma_semaphore, #tpu.memory_space<semaphore_mem>>
        %dma_start3A_51 = arith.constant 0 : i32
        %dma_start3A_52 = arith.constant 0 : i32
        %dma_start3A_53 = tpu.memref_slice %arg13[%dma_start3A_51, %dma_start3A_52] : memref<10240x64xf32, #tpu.memory_space<vmem_shared>> -> memref<10240x64xf32, #tpu.memory_space<vmem_shared>>
        tpu.enqueue_indirect_dma source(%arg12 : memref<400x64xf32, #tpu.memory_space<vmem>>) target(%dma_start3A_53 : memref<10240x64xf32, #tpu.memory_space<vmem_shared>>) offsets(%arg10 : memref<400xi32, #tpu.memory_space<vmem>>) semaphore(%run_scoped3A : memref<!tpu.dma_semaphore, #tpu.memory_space<semaphore_mem>>) {add = true}
        %dma_wait3A_54 = arith.constant 0 : i32
        %dma_wait3A_55 = arith.constant 0 : i32
        %dma_wait3A_56 = tpu.memref_slice %arg13[%dma_wait3A_54, %dma_wait3A_55] : memref<10240x64xf32, #tpu.memory_space<vmem_shared>> -> memref<10240x64xf32, #tpu.memory_space<vmem_shared>>
        tpu.wait_indirect_dma semaphore(%run_scoped3A : memref<!tpu.dma_semaphore, #tpu.memory_space<semaphore_mem>>) src(%arg12 : memref<400x64xf32, #tpu.memory_space<vmem>>) dst(%dma_wait3A_56 : memref<10240x64xf32, #tpu.memory_space<vmem_shared>>)
        tpu.yield
      }) : () -> ()
      %scan3A_50 = arith.constant 0 : i32
      scf.yield %scan3A_50 : i32
    }
    %scan3A_14 = arith.constant 12 : i32
    %dma_wait3A = arith.constant 0 : i32
    %dma_wait3A_15 = arith.constant 0 : i32
    %dma_wait3A_16 = tpu.memref_slice %arg2[%dma_wait3A, %dma_wait3A_15] : memref<10000x64xf32, #tpu.memory_space<hbm>> -> memref<10000x64xf32, #tpu.memory_space<hbm>>
    tpu.wait_indirect_dma semaphore(%arg14 : memref<!tpu.dma_semaphore, #tpu.memory_space<semaphore_mem>>) src(%dma_wait3A_16 : memref<10000x64xf32, #tpu.memory_space<hbm>>) dst(%arg11 : memref<400x64xf32, #tpu.memory_space<vmem>>)
    "tpu.region"() ({
      %run_scoped3A = tpu.sem_alloc : memref<!tpu.dma_semaphore, #tpu.memory_space<semaphore_mem>>
      %dma_start3A_22 = arith.constant 0 : i32
      %dma_start3A_23 = arith.constant 0 : i32
      %dma_start3A_24 = tpu.memref_slice %arg13[%dma_start3A_22, %dma_start3A_23] : memref<10240x64xf32, #tpu.memory_space<vmem_shared>> -> memref<10240x64xf32, #tpu.memory_space<vmem_shared>>
      tpu.enqueue_indirect_dma source(%arg11 : memref<400x64xf32, #tpu.memory_space<vmem>>) target(%dma_start3A_24 : memref<10240x64xf32, #tpu.memory_space<vmem_shared>>) offsets(%arg8 : memref<400xi32, #tpu.memory_space<vmem>>) semaphore(%run_scoped3A : memref<!tpu.dma_semaphore, #tpu.memory_space<semaphore_mem>>) {add = true}
      %dma_wait3A_25 = arith.constant 0 : i32
      %dma_wait3A_26 = arith.constant 0 : i32
      %dma_wait3A_27 = tpu.memref_slice %arg13[%dma_wait3A_25, %dma_wait3A_26] : memref<10240x64xf32, #tpu.memory_space<vmem_shared>> -> memref<10240x64xf32, #tpu.memory_space<vmem_shared>>
      tpu.wait_indirect_dma semaphore(%run_scoped3A : memref<!tpu.dma_semaphore, #tpu.memory_space<semaphore_mem>>) src(%arg11 : memref<400x64xf32, #tpu.memory_space<vmem>>) dst(%dma_wait3A_27 : memref<10240x64xf32, #tpu.memory_space<vmem_shared>>)
      tpu.yield
    }) : () -> ()
    %barrier3A_17 = arith.constant 0 : index
    tpu.barrier barrier_id(%barrier3A_17)
    %mul3A_18 = arith.constant 640 : i32
    %mul3A_19 = arith.muli %arg1, %mul3A_18 : i32
    %mul3A_20 = arith.constant 640 : i32
    %mul3A_21 = arith.muli %arg1, %mul3A_20 : i32
    "tpu.region"() ({
      %run_scoped3A = tpu.sem_alloc : memref<!tpu.dma_semaphore, #tpu.memory_space<semaphore_mem>>
      %dma_start3A_22 = arith.constant 0 : i32
      %dma_start3A_23 = tpu.memref_slice %arg6[%arg0, %mul3A_21, %dma_start3A_22] : memref<2x10240x64xf32, #tpu.memory_space<hbm>> -> memref<1x640x64xf32, #tpu.memory_space<hbm>>
      %dma_start3A_24 = tpu.memref_squeeze %dma_start3A_23 : memref<1x640x64xf32, #tpu.memory_space<hbm>> -> memref<640x64xf32, #tpu.memory_space<hbm>>
      %dma_start3A_25 = arith.constant 0 : i32
      %dma_start3A_26 = tpu.memref_slice %arg13[%mul3A_19, %dma_start3A_25] : memref<10240x64xf32, #tpu.memory_space<vmem_shared>> -> memref<640x64xf32, #tpu.memory_space<vmem_shared>>
      tpu.enqueue_dma source(%dma_start3A_26 : memref<640x64xf32, #tpu.memory_space<vmem_shared>>) target(%dma_start3A_24 : memref<640x64xf32, #tpu.memory_space<hbm>>) target_semaphore(%run_scoped3A : memref<!tpu.dma_semaphore, #tpu.memory_space<semaphore_mem>>)
      %dma_wait3A_27 = arith.constant 0 : i32
      %dma_wait3A_28 = tpu.memref_slice %arg6[%arg0, %mul3A_21, %dma_wait3A_27] : memref<2x10240x64xf32, #tpu.memory_space<hbm>> -> memref<1x640x64xf32, #tpu.memory_space<hbm>>
      %dma_wait3A_29 = tpu.memref_squeeze %dma_wait3A_28 : memref<1x640x64xf32, #tpu.memory_space<hbm>> -> memref<640x64xf32, #tpu.memory_space<hbm>>
      %dma_wait3A_30 = arith.constant 0 : i32
      %dma_wait3A_31 = tpu.memref_slice %arg13[%mul3A_19, %dma_wait3A_30] : memref<10240x64xf32, #tpu.memory_space<vmem_shared>> -> memref<640x64xf32, #tpu.memory_space<vmem_shared>>
      tpu.wait_dma2 semaphore(%run_scoped3A : memref<!tpu.dma_semaphore, #tpu.memory_space<semaphore_mem>>) src(%dma_wait3A_31 : memref<640x64xf32, #tpu.memory_space<vmem_shared>>) dst(%dma_wait3A_29 : memref<640x64xf32, #tpu.memory_space<hbm>>)
      tpu.yield
    }) : () -> ()
    return
  }
}

#map = affine_map<(d0, d1) -> (0, 0)>
#map1 = affine_map<(d0, d1) -> (0)>
#map2 = affine_map<(d0, d1) -> (0, 0, 0)>
module attributes {stable_mosaic.version = 14 : i64} {
  func.func @_sc_segsum(%arg0: i32, %arg1: i32, %arg2: memref<10000x64xf32, #tpu.memory_space<hbm>>, %arg3: memref<320000xi32, #tpu.memory_space<hbm>>, %arg4: memref<320000xi32, #tpu.memory_space<hbm>>, %arg5: memref<10240x64xf32, #tpu.memory_space<hbm>>, %arg6: memref<2x10240x64xf32, #tpu.memory_space<hbm>>, %arg7: memref<400xi32, #tpu.memory_space<vmem>>, %arg8: memref<400xi32, #tpu.memory_space<vmem>>, %arg9: memref<400xi32, #tpu.memory_space<vmem>>, %arg10: memref<400xi32, #tpu.memory_space<vmem>>, %arg11: memref<400x64xf32, #tpu.memory_space<vmem>>, %arg12: memref<400x64xf32, #tpu.memory_space<vmem>>, %arg13: memref<10240x64xf32, #tpu.memory_space<vmem_shared>>, %arg14: memref<!tpu.dma_semaphore, #tpu.memory_space<semaphore_mem>>, %arg15: memref<!tpu.dma_semaphore, #tpu.memory_space<semaphore_mem>>) attributes {dimension_semantics = [#tpu.dimension_semantics<core_parallel>, #tpu.dimension_semantics<subcore_parallel>], iteration_bounds = array<i64: 2, 16>, scalar_prefetch = 0 : i64, scratch_operands = 9 : i64, tpu.core_type = #tpu.core_type<sc_vector_subcore>, window_params = [{transform_indices = #map}, {transform_indices = #map1}, {transform_indices = #map1}, {transform_indices = #map}, {transform_indices = #map2}]} {
    %mul3A = arith.constant 2 : i32
    %mul3A_0 = arith.muli %arg1, %mul3A : i32
    %add3A = arith.addi %mul3A_0, %arg0 : i32
    %mul3A_1 = arith.constant 10000 : i32
    %mul3A_2 = arith.muli %add3A, %mul3A_1 : i32
    %mul3A_3 = arith.constant 640 : i32
    %mul3A_4 = arith.muli %arg1, %mul3A_3 : i32
    %mul3A_5 = arith.constant 640 : i32
    %mul3A_6 = arith.muli %arg1, %mul3A_5 : i32
    "tpu.region"() ({
      %run_scoped3A = tpu.sem_alloc : memref<!tpu.dma_semaphore, #tpu.memory_space<semaphore_mem>>
      %dma_start3A_22 = arith.constant 0 : i32
      %dma_start3A_23 = tpu.memref_slice %arg13[%mul3A_6, %dma_start3A_22] : memref<10240x64xf32, #tpu.memory_space<vmem_shared>> -> memref<640x64xf32, #tpu.memory_space<vmem_shared>>
      %dma_start3A_24 = arith.constant 0 : i32
      %dma_start3A_25 = tpu.memref_slice %arg5[%mul3A_4, %dma_start3A_24] : memref<10240x64xf32, #tpu.memory_space<hbm>> -> memref<640x64xf32, #tpu.memory_space<hbm>>
      tpu.enqueue_dma source(%dma_start3A_25 : memref<640x64xf32, #tpu.memory_space<hbm>>) target(%dma_start3A_23 : memref<640x64xf32, #tpu.memory_space<vmem_shared>>) target_semaphore(%run_scoped3A : memref<!tpu.dma_semaphore, #tpu.memory_space<semaphore_mem>>)
      %dma_wait3A_26 = arith.constant 0 : i32
      %dma_wait3A_27 = tpu.memref_slice %arg13[%mul3A_6, %dma_wait3A_26] : memref<10240x64xf32, #tpu.memory_space<vmem_shared>> -> memref<640x64xf32, #tpu.memory_space<vmem_shared>>
      %dma_wait3A_28 = arith.constant 0 : i32
      %dma_wait3A_29 = tpu.memref_slice %arg5[%mul3A_4, %dma_wait3A_28] : memref<10240x64xf32, #tpu.memory_space<hbm>> -> memref<640x64xf32, #tpu.memory_space<hbm>>
      tpu.wait_dma2 semaphore(%run_scoped3A : memref<!tpu.dma_semaphore, #tpu.memory_space<semaphore_mem>>) src(%dma_wait3A_29 : memref<640x64xf32, #tpu.memory_space<hbm>>) dst(%dma_wait3A_27 : memref<640x64xf32, #tpu.memory_space<vmem_shared>>)
      tpu.yield
    }) : () -> ()
    %barrier3A = arith.constant 0 : index
    tpu.barrier barrier_id(%barrier3A)
    "tpu.region"() ({
      %run_scoped3A = tpu.sem_alloc : memref<!tpu.dma_semaphore, #tpu.memory_space<semaphore_mem>>
      %dma_start3A_22 = tpu.memref_slice %arg3[%mul3A_2] : memref<320000xi32, #tpu.memory_space<hbm>> -> memref<400xi32, #tpu.memory_space<hbm>>
      %dma_start3A_23 = tpu.memref_slice %arg3[%mul3A_2] : memref<320000xi32, #tpu.memory_space<hbm>> -> memref<400xi32, #tpu.memory_space<hbm>>
      tpu.enqueue_dma source(%dma_start3A_23 : memref<400xi32, #tpu.memory_space<hbm>>) target(%arg7 : memref<400xi32, #tpu.memory_space<vmem>>) target_semaphore(%run_scoped3A : memref<!tpu.dma_semaphore, #tpu.memory_space<semaphore_mem>>)
      %dma_wait3A_24 = tpu.memref_slice %arg3[%mul3A_2] : memref<320000xi32, #tpu.memory_space<hbm>> -> memref<400xi32, #tpu.memory_space<hbm>>
      %dma_wait3A_25 = tpu.memref_slice %arg3[%mul3A_2] : memref<320000xi32, #tpu.memory_space<hbm>> -> memref<400xi32, #tpu.memory_space<hbm>>
      tpu.wait_dma2 semaphore(%run_scoped3A : memref<!tpu.dma_semaphore, #tpu.memory_space<semaphore_mem>>) src(%dma_wait3A_25 : memref<400xi32, #tpu.memory_space<hbm>>) dst(%arg7 : memref<400xi32, #tpu.memory_space<vmem>>)
      tpu.yield
    }) : () -> ()
    "tpu.region"() ({
      %run_scoped3A = tpu.sem_alloc : memref<!tpu.dma_semaphore, #tpu.memory_space<semaphore_mem>>
      %dma_start3A_22 = tpu.memref_slice %arg4[%mul3A_2] : memref<320000xi32, #tpu.memory_space<hbm>> -> memref<400xi32, #tpu.memory_space<hbm>>
      %dma_start3A_23 = tpu.memref_slice %arg4[%mul3A_2] : memref<320000xi32, #tpu.memory_space<hbm>> -> memref<400xi32, #tpu.memory_space<hbm>>
      tpu.enqueue_dma source(%dma_start3A_23 : memref<400xi32, #tpu.memory_space<hbm>>) target(%arg8 : memref<400xi32, #tpu.memory_space<vmem>>) target_semaphore(%run_scoped3A : memref<!tpu.dma_semaphore, #tpu.memory_space<semaphore_mem>>)
      %dma_wait3A_24 = tpu.memref_slice %arg4[%mul3A_2] : memref<320000xi32, #tpu.memory_space<hbm>> -> memref<400xi32, #tpu.memory_space<hbm>>
      %dma_wait3A_25 = tpu.memref_slice %arg4[%mul3A_2] : memref<320000xi32, #tpu.memory_space<hbm>> -> memref<400xi32, #tpu.memory_space<hbm>>
      tpu.wait_dma2 semaphore(%run_scoped3A : memref<!tpu.dma_semaphore, #tpu.memory_space<semaphore_mem>>) src(%dma_wait3A_25 : memref<400xi32, #tpu.memory_space<hbm>>) dst(%arg8 : memref<400xi32, #tpu.memory_space<vmem>>)
      tpu.yield
    }) : () -> ()
    %dma_start3A = arith.constant 0 : i32
    %dma_start3A_7 = arith.constant 0 : i32
    %dma_start3A_8 = tpu.memref_slice %arg2[%dma_start3A, %dma_start3A_7] : memref<10000x64xf32, #tpu.memory_space<hbm>> -> memref<10000x64xf32, #tpu.memory_space<hbm>>
    tpu.enqueue_indirect_dma source(%dma_start3A_8 : memref<10000x64xf32, #tpu.memory_space<hbm>>) target(%arg11 : memref<400x64xf32, #tpu.memory_space<vmem>>) offsets(%arg7 : memref<400xi32, #tpu.memory_space<vmem>>) semaphore(%arg14 : memref<!tpu.dma_semaphore, #tpu.memory_space<semaphore_mem>>)
    %scan3A = arith.constant 0 : i32
    %scan3A_9 = arith.constant 0 : i32
    %scan3A_10 = arith.constant 12 : i32
    %scan3A_11 = arith.addi %scan3A_9, %scan3A_10 : i32
    %scan3A_12 = arith.constant 1 : i32
    %scan3A_13 = scf.for %scan3A_22 = %scan3A_9 to %scan3A_11 step %scan3A_12 iter_args(%scan3A_23 = %scan3A) -> (i32)  : i32 {
      %mul3A_24 = arith.constant 2 : i32
      %mul3A_25 = arith.muli %mul3A_24, %scan3A_22 : i32
      %add3A_26 = arith.constant 1 : i32
      %add3A_27 = arith.addi %mul3A_25, %add3A_26 : i32
      %mul3A_28 = arith.constant 400 : i32
      %mul3A_29 = arith.muli %add3A_27, %mul3A_28 : i32
      %add3A_30 = arith.addi %mul3A_2, %mul3A_29 : i32
      "tpu.region"() ({
        %run_scoped3A = tpu.sem_alloc : memref<!tpu.dma_semaphore, #tpu.memory_space<semaphore_mem>>
        %dma_start3A_51 = tpu.memref_slice %arg3[%add3A_30] : memref<320000xi32, #tpu.memory_space<hbm>> -> memref<400xi32, #tpu.memory_space<hbm>>
        %dma_start3A_52 = tpu.memref_slice %arg3[%add3A_30] : memref<320000xi32, #tpu.memory_space<hbm>> -> memref<400xi32, #tpu.memory_space<hbm>>
        tpu.enqueue_dma source(%dma_start3A_52 : memref<400xi32, #tpu.memory_space<hbm>>) target(%arg9 : memref<400xi32, #tpu.memory_space<vmem>>) target_semaphore(%run_scoped3A : memref<!tpu.dma_semaphore, #tpu.memory_space<semaphore_mem>>)
        %dma_wait3A_53 = tpu.memref_slice %arg3[%add3A_30] : memref<320000xi32, #tpu.memory_space<hbm>> -> memref<400xi32, #tpu.memory_space<hbm>>
        %dma_wait3A_54 = tpu.memref_slice %arg3[%add3A_30] : memref<320000xi32, #tpu.memory_space<hbm>> -> memref<400xi32, #tpu.memory_space<hbm>>
        tpu.wait_dma2 semaphore(%run_scoped3A : memref<!tpu.dma_semaphore, #tpu.memory_space<semaphore_mem>>) src(%dma_wait3A_54 : memref<400xi32, #tpu.memory_space<hbm>>) dst(%arg9 : memref<400xi32, #tpu.memory_space<vmem>>)
        tpu.yield
      }) : () -> ()
      "tpu.region"() ({
        %run_scoped3A = tpu.sem_alloc : memref<!tpu.dma_semaphore, #tpu.memory_space<semaphore_mem>>
        %dma_start3A_51 = tpu.memref_slice %arg4[%add3A_30] : memref<320000xi32, #tpu.memory_space<hbm>> -> memref<400xi32, #tpu.memory_space<hbm>>
        %dma_start3A_52 = tpu.memref_slice %arg4[%add3A_30] : memref<320000xi32, #tpu.memory_space<hbm>> -> memref<400xi32, #tpu.memory_space<hbm>>
        tpu.enqueue_dma source(%dma_start3A_52 : memref<400xi32, #tpu.memory_space<hbm>>) target(%arg10 : memref<400xi32, #tpu.memory_space<vmem>>) target_semaphore(%run_scoped3A : memref<!tpu.dma_semaphore, #tpu.memory_space<semaphore_mem>>)
        %dma_wait3A_53 = tpu.memref_slice %arg4[%add3A_30] : memref<320000xi32, #tpu.memory_space<hbm>> -> memref<400xi32, #tpu.memory_space<hbm>>
        %dma_wait3A_54 = tpu.memref_slice %arg4[%add3A_30] : memref<320000xi32, #tpu.memory_space<hbm>> -> memref<400xi32, #tpu.memory_space<hbm>>
        tpu.wait_dma2 semaphore(%run_scoped3A : memref<!tpu.dma_semaphore, #tpu.memory_space<semaphore_mem>>) src(%dma_wait3A_54 : memref<400xi32, #tpu.memory_space<hbm>>) dst(%arg10 : memref<400xi32, #tpu.memory_space<vmem>>)
        tpu.yield
      }) : () -> ()
      %dma_start3A_31 = arith.constant 0 : i32
      %dma_start3A_32 = arith.constant 0 : i32
      %dma_start3A_33 = tpu.memref_slice %arg2[%dma_start3A_31, %dma_start3A_32] : memref<10000x64xf32, #tpu.memory_space<hbm>> -> memref<10000x64xf32, #tpu.memory_space<hbm>>
      tpu.enqueue_indirect_dma source(%dma_start3A_33 : memref<10000x64xf32, #tpu.memory_space<hbm>>) target(%arg12 : memref<400x64xf32, #tpu.memory_space<vmem>>) offsets(%arg9 : memref<400xi32, #tpu.memory_space<vmem>>) semaphore(%arg15 : memref<!tpu.dma_semaphore, #tpu.memory_space<semaphore_mem>>)
      %dma_wait3A_34 = arith.constant 0 : i32
      %dma_wait3A_35 = arith.constant 0 : i32
      %dma_wait3A_36 = tpu.memref_slice %arg2[%dma_wait3A_34, %dma_wait3A_35] : memref<10000x64xf32, #tpu.memory_space<hbm>> -> memref<10000x64xf32, #tpu.memory_space<hbm>>
      tpu.wait_indirect_dma semaphore(%arg14 : memref<!tpu.dma_semaphore, #tpu.memory_space<semaphore_mem>>) src(%dma_wait3A_36 : memref<10000x64xf32, #tpu.memory_space<hbm>>) dst(%arg11 : memref<400x64xf32, #tpu.memory_space<vmem>>)
      "tpu.region"() ({
        %run_scoped3A = tpu.sem_alloc : memref<!tpu.dma_semaphore, #tpu.memory_space<semaphore_mem>>
        %dma_start3A_51 = arith.constant 0 : i32
        %dma_start3A_52 = arith.constant 0 : i32
        %dma_start3A_53 = tpu.memref_slice %arg13[%dma_start3A_51, %dma_start3A_52] : memref<10240x64xf32, #tpu.memory_space<vmem_shared>> -> memref<10240x64xf32, #tpu.memory_space<vmem_shared>>
        tpu.enqueue_indirect_dma source(%arg11 : memref<400x64xf32, #tpu.memory_space<vmem>>) target(%dma_start3A_53 : memref<10240x64xf32, #tpu.memory_space<vmem_shared>>) offsets(%arg8 : memref<400xi32, #tpu.memory_space<vmem>>) semaphore(%run_scoped3A : memref<!tpu.dma_semaphore, #tpu.memory_space<semaphore_mem>>) {add = true}
        %dma_wait3A_54 = arith.constant 0 : i32
        %dma_wait3A_55 = arith.constant 0 : i32
        %dma_wait3A_56 = tpu.memref_slice %arg13[%dma_wait3A_54, %dma_wait3A_55] : memref<10240x64xf32, #tpu.memory_space<vmem_shared>> -> memref<10240x64xf32, #tpu.memory_space<vmem_shared>>
        tpu.wait_indirect_dma semaphore(%run_scoped3A : memref<!tpu.dma_semaphore, #tpu.memory_space<semaphore_mem>>) src(%arg11 : memref<400x64xf32, #tpu.memory_space<vmem>>) dst(%dma_wait3A_56 : memref<10240x64xf32, #tpu.memory_space<vmem_shared>>)
        tpu.yield
      }) : () -> ()
      %mul3A_37 = arith.constant 2 : i32
      %mul3A_38 = arith.muli %mul3A_37, %scan3A_22 : i32
      %add3A_39 = arith.constant 2 : i32
      %add3A_40 = arith.addi %mul3A_38, %add3A_39 : i32
      %mul3A_41 = arith.constant 400 : i32
      %mul3A_42 = arith.muli %add3A_40, %mul3A_41 : i32
      %add3A_43 = arith.addi %mul3A_2, %mul3A_42 : i32
      "tpu.region"() ({
        %run_scoped3A = tpu.sem_alloc : memref<!tpu.dma_semaphore, #tpu.memory_space<semaphore_mem>>
        %dma_start3A_51 = tpu.memref_slice %arg3[%add3A_43] : memref<320000xi32, #tpu.memory_space<hbm>> -> memref<400xi32, #tpu.memory_space<hbm>>
        %dma_start3A_52 = tpu.memref_slice %arg3[%add3A_43] : memref<320000xi32, #tpu.memory_space<hbm>> -> memref<400xi32, #tpu.memory_space<hbm>>
        tpu.enqueue_dma source(%dma_start3A_52 : memref<400xi32, #tpu.memory_space<hbm>>) target(%arg7 : memref<400xi32, #tpu.memory_space<vmem>>) target_semaphore(%run_scoped3A : memref<!tpu.dma_semaphore, #tpu.memory_space<semaphore_mem>>)
        %dma_wait3A_53 = tpu.memref_slice %arg3[%add3A_43] : memref<320000xi32, #tpu.memory_space<hbm>> -> memref<400xi32, #tpu.memory_space<hbm>>
        %dma_wait3A_54 = tpu.memref_slice %arg3[%add3A_43] : memref<320000xi32, #tpu.memory_space<hbm>> -> memref<400xi32, #tpu.memory_space<hbm>>
        tpu.wait_dma2 semaphore(%run_scoped3A : memref<!tpu.dma_semaphore, #tpu.memory_space<semaphore_mem>>) src(%dma_wait3A_54 : memref<400xi32, #tpu.memory_space<hbm>>) dst(%arg7 : memref<400xi32, #tpu.memory_space<vmem>>)
        tpu.yield
      }) : () -> ()
      "tpu.region"() ({
        %run_scoped3A = tpu.sem_alloc : memref<!tpu.dma_semaphore, #tpu.memory_space<semaphore_mem>>
        %dma_start3A_51 = tpu.memref_slice %arg4[%add3A_43] : memref<320000xi32, #tpu.memory_space<hbm>> -> memref<400xi32, #tpu.memory_space<hbm>>
        %dma_start3A_52 = tpu.memref_slice %arg4[%add3A_43] : memref<320000xi32, #tpu.memory_space<hbm>> -> memref<400xi32, #tpu.memory_space<hbm>>
        tpu.enqueue_dma source(%dma_start3A_52 : memref<400xi32, #tpu.memory_space<hbm>>) target(%arg8 : memref<400xi32, #tpu.memory_space<vmem>>) target_semaphore(%run_scoped3A : memref<!tpu.dma_semaphore, #tpu.memory_space<semaphore_mem>>)
        %dma_wait3A_53 = tpu.memref_slice %arg4[%add3A_43] : memref<320000xi32, #tpu.memory_space<hbm>> -> memref<400xi32, #tpu.memory_space<hbm>>
        %dma_wait3A_54 = tpu.memref_slice %arg4[%add3A_43] : memref<320000xi32, #tpu.memory_space<hbm>> -> memref<400xi32, #tpu.memory_space<hbm>>
        tpu.wait_dma2 semaphore(%run_scoped3A : memref<!tpu.dma_semaphore, #tpu.memory_space<semaphore_mem>>) src(%dma_wait3A_54 : memref<400xi32, #tpu.memory_space<hbm>>) dst(%arg8 : memref<400xi32, #tpu.memory_space<vmem>>)
        tpu.yield
      }) : () -> ()
      %dma_start3A_44 = arith.constant 0 : i32
      %dma_start3A_45 = arith.constant 0 : i32
      %dma_start3A_46 = tpu.memref_slice %arg2[%dma_start3A_44, %dma_start3A_45] : memref<10000x64xf32, #tpu.memory_space<hbm>> -> memref<10000x64xf32, #tpu.memory_space<hbm>>
      tpu.enqueue_indirect_dma source(%dma_start3A_46 : memref<10000x64xf32, #tpu.memory_space<hbm>>) target(%arg11 : memref<400x64xf32, #tpu.memory_space<vmem>>) offsets(%arg7 : memref<400xi32, #tpu.memory_space<vmem>>) semaphore(%arg14 : memref<!tpu.dma_semaphore, #tpu.memory_space<semaphore_mem>>)
      %dma_wait3A_47 = arith.constant 0 : i32
      %dma_wait3A_48 = arith.constant 0 : i32
      %dma_wait3A_49 = tpu.memref_slice %arg2[%dma_wait3A_47, %dma_wait3A_48] : memref<10000x64xf32, #tpu.memory_space<hbm>> -> memref<10000x64xf32, #tpu.memory_space<hbm>>
      tpu.wait_indirect_dma semaphore(%arg15 : memref<!tpu.dma_semaphore, #tpu.memory_space<semaphore_mem>>) src(%dma_wait3A_49 : memref<10000x64xf32, #tpu.memory_space<hbm>>) dst(%arg12 : memref<400x64xf32, #tpu.memory_space<vmem>>)
      "tpu.region"() ({
        %run_scoped3A = tpu.sem_alloc : memref<!tpu.dma_semaphore, #tpu.memory_space<semaphore_mem>>
        %dma_start3A_51 = arith.constant 0 : i32
        %dma_start3A_52 = arith.constant 0 : i32
        %dma_start3A_53 = tpu.memref_slice %arg13[%dma_start3A_51, %dma_start3A_52] : memref<10240x64xf32, #tpu.memory_space<vmem_shared>> -> memref<10240x64xf32, #tpu.memory_space<vmem_shared>>
        tpu.enqueue_indirect_dma source(%arg12 : memref<400x64xf32, #tpu.memory_space<vmem>>) target(%dma_start3A_53 : memref<10240x64xf32, #tpu.memory_space<vmem_shared>>) offsets(%arg10 : memref<400xi32, #tpu.memory_space<vmem>>) semaphore(%run_scoped3A : memref<!tpu.dma_semaphore, #tpu.memory_space<semaphore_mem>>) {add = true}
        %dma_wait3A_54 = arith.constant 0 : i32
        %dma_wait3A_55 = arith.constant 0 : i32
        %dma_wait3A_56 = tpu.memref_slice %arg13[%dma_wait3A_54, %dma_wait3A_55] : memref<10240x64xf32, #tpu.memory_space<vmem_shared>> -> memref<10240x64xf32, #tpu.memory_space<vmem_shared>>
        tpu.wait_indirect_dma semaphore(%run_scoped3A : memref<!tpu.dma_semaphore, #tpu.memory_space<semaphore_mem>>) src(%arg12 : memref<400x64xf32, #tpu.memory_space<vmem>>) dst(%dma_wait3A_56 : memref<10240x64xf32, #tpu.memory_space<vmem_shared>>)
        tpu.yield
      }) : () -> ()
      %scan3A_50 = arith.constant 0 : i32
      scf.yield %scan3A_50 : i32
    }
    %scan3A_14 = arith.constant 12 : i32
    %dma_wait3A = arith.constant 0 : i32
    %dma_wait3A_15 = arith.constant 0 : i32
    %dma_wait3A_16 = tpu.memref_slice %arg2[%dma_wait3A, %dma_wait3A_15] : memref<10000x64xf32, #tpu.memory_space<hbm>> -> memref<10000x64xf32, #tpu.memory_space<hbm>>
    tpu.wait_indirect_dma semaphore(%arg14 : memref<!tpu.dma_semaphore, #tpu.memory_space<semaphore_mem>>) src(%dma_wait3A_16 : memref<10000x64xf32, #tpu.memory_space<hbm>>) dst(%arg11 : memref<400x64xf32, #tpu.memory_space<vmem>>)
    "tpu.region"() ({
      %run_scoped3A = tpu.sem_alloc : memref<!tpu.dma_semaphore, #tpu.memory_space<semaphore_mem>>
      %dma_start3A_22 = arith.constant 0 : i32
      %dma_start3A_23 = arith.constant 0 : i32
      %dma_start3A_24 = tpu.memref_slice %arg13[%dma_start3A_22, %dma_start3A_23] : memref<10240x64xf32, #tpu.memory_space<vmem_shared>> -> memref<10240x64xf32, #tpu.memory_space<vmem_shared>>
      tpu.enqueue_indirect_dma source(%arg11 : memref<400x64xf32, #tpu.memory_space<vmem>>) target(%dma_start3A_24 : memref<10240x64xf32, #tpu.memory_space<vmem_shared>>) offsets(%arg8 : memref<400xi32, #tpu.memory_space<vmem>>) semaphore(%run_scoped3A : memref<!tpu.dma_semaphore, #tpu.memory_space<semaphore_mem>>) {add = true}
      %dma_wait3A_25 = arith.constant 0 : i32
      %dma_wait3A_26 = arith.constant 0 : i32
      %dma_wait3A_27 = tpu.memref_slice %arg13[%dma_wait3A_25, %dma_wait3A_26] : memref<10240x64xf32, #tpu.memory_space<vmem_shared>> -> memref<10240x64xf32, #tpu.memory_space<vmem_shared>>
      tpu.wait_indirect_dma semaphore(%run_scoped3A : memref<!tpu.dma_semaphore, #tpu.memory_space<semaphore_mem>>) src(%arg11 : memref<400x64xf32, #tpu.memory_space<vmem>>) dst(%dma_wait3A_27 : memref<10240x64xf32, #tpu.memory_space<vmem_shared>>)
      tpu.yield
    }) : () -> ()
    %barrier3A_17 = arith.constant 0 : index
    tpu.barrier barrier_id(%barrier3A_17)
    %mul3A_18 = arith.constant 640 : i32
    %mul3A_19 = arith.muli %arg1, %mul3A_18 : i32
    %mul3A_20 = arith.constant 640 : i32
    %mul3A_21 = arith.muli %arg1, %mul3A_20 : i32
    "tpu.region"() ({
      %run_scoped3A = tpu.sem_alloc : memref<!tpu.dma_semaphore, #tpu.memory_space<semaphore_mem>>
      %dma_start3A_22 = arith.constant 0 : i32
      %dma_start3A_23 = tpu.memref_slice %arg6[%arg0, %mul3A_21, %dma_start3A_22] : memref<2x10240x64xf32, #tpu.memory_space<hbm>> -> memref<1x640x64xf32, #tpu.memory_space<hbm>>
      %dma_start3A_24 = tpu.memref_squeeze %dma_start3A_23 : memref<1x640x64xf32, #tpu.memory_space<hbm>> -> memref<640x64xf32, #tpu.memory_space<hbm>>
      %dma_start3A_25 = arith.constant 0 : i32
      %dma_start3A_26 = tpu.memref_slice %arg13[%mul3A_19, %dma_start3A_25] : memref<10240x64xf32, #tpu.memory_space<vmem_shared>> -> memref<640x64xf32, #tpu.memory_space<vmem_shared>>
      tpu.enqueue_dma source(%dma_start3A_26 : memref<640x64xf32, #tpu.memory_space<vmem_shared>>) target(%dma_start3A_24 : memref<640x64xf32, #tpu.memory_space<hbm>>) target_semaphore(%run_scoped3A : memref<!tpu.dma_semaphore, #tpu.memory_space<semaphore_mem>>)
      %dma_wait3A_27 = arith.constant 0 : i32
      %dma_wait3A_28 = tpu.memref_slice %arg6[%arg0, %mul3A_21, %dma_wait3A_27] : memref<2x10240x64xf32, #tpu.memory_space<hbm>> -> memref<1x640x64xf32, #tpu.memory_space<hbm>>
      %dma_wait3A_29 = tpu.memref_squeeze %dma_wait3A_28 : memref<1x640x64xf32, #tpu.memory_space<hbm>> -> memref<640x64xf32, #tpu.memory_space<hbm>>
      %dma_wait3A_30 = arith.constant 0 : i32
      %dma_wait3A_31 = tpu.memref_slice %arg13[%mul3A_19, %dma_wait3A_30] : memref<10240x64xf32, #tpu.memory_space<vmem_shared>> -> memref<640x64xf32, #tpu.memory_space<vmem_shared>>
      tpu.wait_dma2 semaphore(%run_scoped3A : memref<!tpu.dma_semaphore, #tpu.memory_space<semaphore_mem>>) src(%dma_wait3A_31 : memref<640x64xf32, #tpu.memory_space<vmem_shared>>) dst(%dma_wait3A_29 : memref<640x64xf32, #tpu.memory_space<hbm>>)
      tpu.yield
    }) : () -> ()
    return
  }
}

#map = affine_map<(d0, d1) -> (0, 0)>
#map1 = affine_map<(d0, d1) -> (0)>
#map2 = affine_map<(d0, d1) -> (0, 0, 0)>
module attributes {stable_mosaic.version = 14 : i64} {
  func.func @_sc_segsum(%arg0: i32, %arg1: i32, %arg2: memref<10000x64xf32, #tpu.memory_space<hbm>>, %arg3: memref<320000xi32, #tpu.memory_space<hbm>>, %arg4: memref<320000xi32, #tpu.memory_space<hbm>>, %arg5: memref<10240x64xf32, #tpu.memory_space<hbm>>, %arg6: memref<2x10240x64xf32, #tpu.memory_space<hbm>>, %arg7: memref<400xi32, #tpu.memory_space<vmem>>, %arg8: memref<400xi32, #tpu.memory_space<vmem>>, %arg9: memref<400xi32, #tpu.memory_space<vmem>>, %arg10: memref<400xi32, #tpu.memory_space<vmem>>, %arg11: memref<400x64xf32, #tpu.memory_space<vmem>>, %arg12: memref<400x64xf32, #tpu.memory_space<vmem>>, %arg13: memref<10240x64xf32, #tpu.memory_space<vmem_shared>>, %arg14: memref<!tpu.dma_semaphore, #tpu.memory_space<semaphore_mem>>, %arg15: memref<!tpu.dma_semaphore, #tpu.memory_space<semaphore_mem>>) attributes {dimension_semantics = [#tpu.dimension_semantics<core_parallel>, #tpu.dimension_semantics<subcore_parallel>], iteration_bounds = array<i64: 2, 16>, scalar_prefetch = 0 : i64, scratch_operands = 9 : i64, tpu.core_type = #tpu.core_type<sc_vector_subcore>, window_params = [{transform_indices = #map}, {transform_indices = #map1}, {transform_indices = #map1}, {transform_indices = #map}, {transform_indices = #map2}]} {
    %mul3A = arith.constant 2 : i32
    %mul3A_0 = arith.muli %arg1, %mul3A : i32
    %add3A = arith.addi %mul3A_0, %arg0 : i32
    %mul3A_1 = arith.constant 10000 : i32
    %mul3A_2 = arith.muli %add3A, %mul3A_1 : i32
    %mul3A_3 = arith.constant 640 : i32
    %mul3A_4 = arith.muli %arg1, %mul3A_3 : i32
    %mul3A_5 = arith.constant 640 : i32
    %mul3A_6 = arith.muli %arg1, %mul3A_5 : i32
    "tpu.region"() ({
      %run_scoped3A = tpu.sem_alloc : memref<!tpu.dma_semaphore, #tpu.memory_space<semaphore_mem>>
      %dma_start3A_22 = arith.constant 0 : i32
      %dma_start3A_23 = tpu.memref_slice %arg13[%mul3A_6, %dma_start3A_22] : memref<10240x64xf32, #tpu.memory_space<vmem_shared>> -> memref<640x64xf32, #tpu.memory_space<vmem_shared>>
      %dma_start3A_24 = arith.constant 0 : i32
      %dma_start3A_25 = tpu.memref_slice %arg5[%mul3A_4, %dma_start3A_24] : memref<10240x64xf32, #tpu.memory_space<hbm>> -> memref<640x64xf32, #tpu.memory_space<hbm>>
      tpu.enqueue_dma source(%dma_start3A_25 : memref<640x64xf32, #tpu.memory_space<hbm>>) target(%dma_start3A_23 : memref<640x64xf32, #tpu.memory_space<vmem_shared>>) target_semaphore(%run_scoped3A : memref<!tpu.dma_semaphore, #tpu.memory_space<semaphore_mem>>)
      %dma_wait3A_26 = arith.constant 0 : i32
      %dma_wait3A_27 = tpu.memref_slice %arg13[%mul3A_6, %dma_wait3A_26] : memref<10240x64xf32, #tpu.memory_space<vmem_shared>> -> memref<640x64xf32, #tpu.memory_space<vmem_shared>>
      %dma_wait3A_28 = arith.constant 0 : i32
      %dma_wait3A_29 = tpu.memref_slice %arg5[%mul3A_4, %dma_wait3A_28] : memref<10240x64xf32, #tpu.memory_space<hbm>> -> memref<640x64xf32, #tpu.memory_space<hbm>>
      tpu.wait_dma2 semaphore(%run_scoped3A : memref<!tpu.dma_semaphore, #tpu.memory_space<semaphore_mem>>) src(%dma_wait3A_29 : memref<640x64xf32, #tpu.memory_space<hbm>>) dst(%dma_wait3A_27 : memref<640x64xf32, #tpu.memory_space<vmem_shared>>)
      tpu.yield
    }) : () -> ()
    %barrier3A = arith.constant 0 : index
    tpu.barrier barrier_id(%barrier3A)
    "tpu.region"() ({
      %run_scoped3A = tpu.sem_alloc : memref<!tpu.dma_semaphore, #tpu.memory_space<semaphore_mem>>
      %dma_start3A_22 = tpu.memref_slice %arg3[%mul3A_2] : memref<320000xi32, #tpu.memory_space<hbm>> -> memref<400xi32, #tpu.memory_space<hbm>>
      %dma_start3A_23 = tpu.memref_slice %arg3[%mul3A_2] : memref<320000xi32, #tpu.memory_space<hbm>> -> memref<400xi32, #tpu.memory_space<hbm>>
      tpu.enqueue_dma source(%dma_start3A_23 : memref<400xi32, #tpu.memory_space<hbm>>) target(%arg7 : memref<400xi32, #tpu.memory_space<vmem>>) target_semaphore(%run_scoped3A : memref<!tpu.dma_semaphore, #tpu.memory_space<semaphore_mem>>)
      %dma_wait3A_24 = tpu.memref_slice %arg3[%mul3A_2] : memref<320000xi32, #tpu.memory_space<hbm>> -> memref<400xi32, #tpu.memory_space<hbm>>
      %dma_wait3A_25 = tpu.memref_slice %arg3[%mul3A_2] : memref<320000xi32, #tpu.memory_space<hbm>> -> memref<400xi32, #tpu.memory_space<hbm>>
      tpu.wait_dma2 semaphore(%run_scoped3A : memref<!tpu.dma_semaphore, #tpu.memory_space<semaphore_mem>>) src(%dma_wait3A_25 : memref<400xi32, #tpu.memory_space<hbm>>) dst(%arg7 : memref<400xi32, #tpu.memory_space<vmem>>)
      tpu.yield
    }) : () -> ()
    "tpu.region"() ({
      %run_scoped3A = tpu.sem_alloc : memref<!tpu.dma_semaphore, #tpu.memory_space<semaphore_mem>>
      %dma_start3A_22 = tpu.memref_slice %arg4[%mul3A_2] : memref<320000xi32, #tpu.memory_space<hbm>> -> memref<400xi32, #tpu.memory_space<hbm>>
      %dma_start3A_23 = tpu.memref_slice %arg4[%mul3A_2] : memref<320000xi32, #tpu.memory_space<hbm>> -> memref<400xi32, #tpu.memory_space<hbm>>
      tpu.enqueue_dma source(%dma_start3A_23 : memref<400xi32, #tpu.memory_space<hbm>>) target(%arg8 : memref<400xi32, #tpu.memory_space<vmem>>) target_semaphore(%run_scoped3A : memref<!tpu.dma_semaphore, #tpu.memory_space<semaphore_mem>>)
      %dma_wait3A_24 = tpu.memref_slice %arg4[%mul3A_2] : memref<320000xi32, #tpu.memory_space<hbm>> -> memref<400xi32, #tpu.memory_space<hbm>>
      %dma_wait3A_25 = tpu.memref_slice %arg4[%mul3A_2] : memref<320000xi32, #tpu.memory_space<hbm>> -> memref<400xi32, #tpu.memory_space<hbm>>
      tpu.wait_dma2 semaphore(%run_scoped3A : memref<!tpu.dma_semaphore, #tpu.memory_space<semaphore_mem>>) src(%dma_wait3A_25 : memref<400xi32, #tpu.memory_space<hbm>>) dst(%arg8 : memref<400xi32, #tpu.memory_space<vmem>>)
      tpu.yield
    }) : () -> ()
    %dma_start3A = arith.constant 0 : i32
    %dma_start3A_7 = arith.constant 0 : i32
    %dma_start3A_8 = tpu.memref_slice %arg2[%dma_start3A, %dma_start3A_7] : memref<10000x64xf32, #tpu.memory_space<hbm>> -> memref<10000x64xf32, #tpu.memory_space<hbm>>
    tpu.enqueue_indirect_dma source(%dma_start3A_8 : memref<10000x64xf32, #tpu.memory_space<hbm>>) target(%arg11 : memref<400x64xf32, #tpu.memory_space<vmem>>) offsets(%arg7 : memref<400xi32, #tpu.memory_space<vmem>>) semaphore(%arg14 : memref<!tpu.dma_semaphore, #tpu.memory_space<semaphore_mem>>)
    %scan3A = arith.constant 0 : i32
    %scan3A_9 = arith.constant 0 : i32
    %scan3A_10 = arith.constant 12 : i32
    %scan3A_11 = arith.addi %scan3A_9, %scan3A_10 : i32
    %scan3A_12 = arith.constant 1 : i32
    %scan3A_13 = scf.for %scan3A_22 = %scan3A_9 to %scan3A_11 step %scan3A_12 iter_args(%scan3A_23 = %scan3A) -> (i32)  : i32 {
      %mul3A_24 = arith.constant 2 : i32
      %mul3A_25 = arith.muli %mul3A_24, %scan3A_22 : i32
      %add3A_26 = arith.constant 1 : i32
      %add3A_27 = arith.addi %mul3A_25, %add3A_26 : i32
      %mul3A_28 = arith.constant 400 : i32
      %mul3A_29 = arith.muli %add3A_27, %mul3A_28 : i32
      %add3A_30 = arith.addi %mul3A_2, %mul3A_29 : i32
      "tpu.region"() ({
        %run_scoped3A = tpu.sem_alloc : memref<!tpu.dma_semaphore, #tpu.memory_space<semaphore_mem>>
        %dma_start3A_51 = tpu.memref_slice %arg3[%add3A_30] : memref<320000xi32, #tpu.memory_space<hbm>> -> memref<400xi32, #tpu.memory_space<hbm>>
        %dma_start3A_52 = tpu.memref_slice %arg3[%add3A_30] : memref<320000xi32, #tpu.memory_space<hbm>> -> memref<400xi32, #tpu.memory_space<hbm>>
        tpu.enqueue_dma source(%dma_start3A_52 : memref<400xi32, #tpu.memory_space<hbm>>) target(%arg9 : memref<400xi32, #tpu.memory_space<vmem>>) target_semaphore(%run_scoped3A : memref<!tpu.dma_semaphore, #tpu.memory_space<semaphore_mem>>)
        %dma_wait3A_53 = tpu.memref_slice %arg3[%add3A_30] : memref<320000xi32, #tpu.memory_space<hbm>> -> memref<400xi32, #tpu.memory_space<hbm>>
        %dma_wait3A_54 = tpu.memref_slice %arg3[%add3A_30] : memref<320000xi32, #tpu.memory_space<hbm>> -> memref<400xi32, #tpu.memory_space<hbm>>
        tpu.wait_dma2 semaphore(%run_scoped3A : memref<!tpu.dma_semaphore, #tpu.memory_space<semaphore_mem>>) src(%dma_wait3A_54 : memref<400xi32, #tpu.memory_space<hbm>>) dst(%arg9 : memref<400xi32, #tpu.memory_space<vmem>>)
        tpu.yield
      }) : () -> ()
      "tpu.region"() ({
        %run_scoped3A = tpu.sem_alloc : memref<!tpu.dma_semaphore, #tpu.memory_space<semaphore_mem>>
        %dma_start3A_51 = tpu.memref_slice %arg4[%add3A_30] : memref<320000xi32, #tpu.memory_space<hbm>> -> memref<400xi32, #tpu.memory_space<hbm>>
        %dma_start3A_52 = tpu.memref_slice %arg4[%add3A_30] : memref<320000xi32, #tpu.memory_space<hbm>> -> memref<400xi32, #tpu.memory_space<hbm>>
        tpu.enqueue_dma source(%dma_start3A_52 : memref<400xi32, #tpu.memory_space<hbm>>) target(%arg10 : memref<400xi32, #tpu.memory_space<vmem>>) target_semaphore(%run_scoped3A : memref<!tpu.dma_semaphore, #tpu.memory_space<semaphore_mem>>)
        %dma_wait3A_53 = tpu.memref_slice %arg4[%add3A_30] : memref<320000xi32, #tpu.memory_space<hbm>> -> memref<400xi32, #tpu.memory_space<hbm>>
        %dma_wait3A_54 = tpu.memref_slice %arg4[%add3A_30] : memref<320000xi32, #tpu.memory_space<hbm>> -> memref<400xi32, #tpu.memory_space<hbm>>
        tpu.wait_dma2 semaphore(%run_scoped3A : memref<!tpu.dma_semaphore, #tpu.memory_space<semaphore_mem>>) src(%dma_wait3A_54 : memref<400xi32, #tpu.memory_space<hbm>>) dst(%arg10 : memref<400xi32, #tpu.memory_space<vmem>>)
        tpu.yield
      }) : () -> ()
      %dma_start3A_31 = arith.constant 0 : i32
      %dma_start3A_32 = arith.constant 0 : i32
      %dma_start3A_33 = tpu.memref_slice %arg2[%dma_start3A_31, %dma_start3A_32] : memref<10000x64xf32, #tpu.memory_space<hbm>> -> memref<10000x64xf32, #tpu.memory_space<hbm>>
      tpu.enqueue_indirect_dma source(%dma_start3A_33 : memref<10000x64xf32, #tpu.memory_space<hbm>>) target(%arg12 : memref<400x64xf32, #tpu.memory_space<vmem>>) offsets(%arg9 : memref<400xi32, #tpu.memory_space<vmem>>) semaphore(%arg15 : memref<!tpu.dma_semaphore, #tpu.memory_space<semaphore_mem>>)
      %dma_wait3A_34 = arith.constant 0 : i32
      %dma_wait3A_35 = arith.constant 0 : i32
      %dma_wait3A_36 = tpu.memref_slice %arg2[%dma_wait3A_34, %dma_wait3A_35] : memref<10000x64xf32, #tpu.memory_space<hbm>> -> memref<10000x64xf32, #tpu.memory_space<hbm>>
      tpu.wait_indirect_dma semaphore(%arg14 : memref<!tpu.dma_semaphore, #tpu.memory_space<semaphore_mem>>) src(%dma_wait3A_36 : memref<10000x64xf32, #tpu.memory_space<hbm>>) dst(%arg11 : memref<400x64xf32, #tpu.memory_space<vmem>>)
      "tpu.region"() ({
        %run_scoped3A = tpu.sem_alloc : memref<!tpu.dma_semaphore, #tpu.memory_space<semaphore_mem>>
        %dma_start3A_51 = arith.constant 0 : i32
        %dma_start3A_52 = arith.constant 0 : i32
        %dma_start3A_53 = tpu.memref_slice %arg13[%dma_start3A_51, %dma_start3A_52] : memref<10240x64xf32, #tpu.memory_space<vmem_shared>> -> memref<10240x64xf32, #tpu.memory_space<vmem_shared>>
        tpu.enqueue_indirect_dma source(%arg11 : memref<400x64xf32, #tpu.memory_space<vmem>>) target(%dma_start3A_53 : memref<10240x64xf32, #tpu.memory_space<vmem_shared>>) offsets(%arg8 : memref<400xi32, #tpu.memory_space<vmem>>) semaphore(%run_scoped3A : memref<!tpu.dma_semaphore, #tpu.memory_space<semaphore_mem>>) {add = true}
        %dma_wait3A_54 = arith.constant 0 : i32
        %dma_wait3A_55 = arith.constant 0 : i32
        %dma_wait3A_56 = tpu.memref_slice %arg13[%dma_wait3A_54, %dma_wait3A_55] : memref<10240x64xf32, #tpu.memory_space<vmem_shared>> -> memref<10240x64xf32, #tpu.memory_space<vmem_shared>>
        tpu.wait_indirect_dma semaphore(%run_scoped3A : memref<!tpu.dma_semaphore, #tpu.memory_space<semaphore_mem>>) src(%arg11 : memref<400x64xf32, #tpu.memory_space<vmem>>) dst(%dma_wait3A_56 : memref<10240x64xf32, #tpu.memory_space<vmem_shared>>)
        tpu.yield
      }) : () -> ()
      %mul3A_37 = arith.constant 2 : i32
      %mul3A_38 = arith.muli %mul3A_37, %scan3A_22 : i32
      %add3A_39 = arith.constant 2 : i32
      %add3A_40 = arith.addi %mul3A_38, %add3A_39 : i32
      %mul3A_41 = arith.constant 400 : i32
      %mul3A_42 = arith.muli %add3A_40, %mul3A_41 : i32
      %add3A_43 = arith.addi %mul3A_2, %mul3A_42 : i32
      "tpu.region"() ({
        %run_scoped3A = tpu.sem_alloc : memref<!tpu.dma_semaphore, #tpu.memory_space<semaphore_mem>>
        %dma_start3A_51 = tpu.memref_slice %arg3[%add3A_43] : memref<320000xi32, #tpu.memory_space<hbm>> -> memref<400xi32, #tpu.memory_space<hbm>>
        %dma_start3A_52 = tpu.memref_slice %arg3[%add3A_43] : memref<320000xi32, #tpu.memory_space<hbm>> -> memref<400xi32, #tpu.memory_space<hbm>>
        tpu.enqueue_dma source(%dma_start3A_52 : memref<400xi32, #tpu.memory_space<hbm>>) target(%arg7 : memref<400xi32, #tpu.memory_space<vmem>>) target_semaphore(%run_scoped3A : memref<!tpu.dma_semaphore, #tpu.memory_space<semaphore_mem>>)
        %dma_wait3A_53 = tpu.memref_slice %arg3[%add3A_43] : memref<320000xi32, #tpu.memory_space<hbm>> -> memref<400xi32, #tpu.memory_space<hbm>>
        %dma_wait3A_54 = tpu.memref_slice %arg3[%add3A_43] : memref<320000xi32, #tpu.memory_space<hbm>> -> memref<400xi32, #tpu.memory_space<hbm>>
        tpu.wait_dma2 semaphore(%run_scoped3A : memref<!tpu.dma_semaphore, #tpu.memory_space<semaphore_mem>>) src(%dma_wait3A_54 : memref<400xi32, #tpu.memory_space<hbm>>) dst(%arg7 : memref<400xi32, #tpu.memory_space<vmem>>)
        tpu.yield
      }) : () -> ()
      "tpu.region"() ({
        %run_scoped3A = tpu.sem_alloc : memref<!tpu.dma_semaphore, #tpu.memory_space<semaphore_mem>>
        %dma_start3A_51 = tpu.memref_slice %arg4[%add3A_43] : memref<320000xi32, #tpu.memory_space<hbm>> -> memref<400xi32, #tpu.memory_space<hbm>>
        %dma_start3A_52 = tpu.memref_slice %arg4[%add3A_43] : memref<320000xi32, #tpu.memory_space<hbm>> -> memref<400xi32, #tpu.memory_space<hbm>>
        tpu.enqueue_dma source(%dma_start3A_52 : memref<400xi32, #tpu.memory_space<hbm>>) target(%arg8 : memref<400xi32, #tpu.memory_space<vmem>>) target_semaphore(%run_scoped3A : memref<!tpu.dma_semaphore, #tpu.memory_space<semaphore_mem>>)
        %dma_wait3A_53 = tpu.memref_slice %arg4[%add3A_43] : memref<320000xi32, #tpu.memory_space<hbm>> -> memref<400xi32, #tpu.memory_space<hbm>>
        %dma_wait3A_54 = tpu.memref_slice %arg4[%add3A_43] : memref<320000xi32, #tpu.memory_space<hbm>> -> memref<400xi32, #tpu.memory_space<hbm>>
        tpu.wait_dma2 semaphore(%run_scoped3A : memref<!tpu.dma_semaphore, #tpu.memory_space<semaphore_mem>>) src(%dma_wait3A_54 : memref<400xi32, #tpu.memory_space<hbm>>) dst(%arg8 : memref<400xi32, #tpu.memory_space<vmem>>)
        tpu.yield
      }) : () -> ()
      %dma_start3A_44 = arith.constant 0 : i32
      %dma_start3A_45 = arith.constant 0 : i32
      %dma_start3A_46 = tpu.memref_slice %arg2[%dma_start3A_44, %dma_start3A_45] : memref<10000x64xf32, #tpu.memory_space<hbm>> -> memref<10000x64xf32, #tpu.memory_space<hbm>>
      tpu.enqueue_indirect_dma source(%dma_start3A_46 : memref<10000x64xf32, #tpu.memory_space<hbm>>) target(%arg11 : memref<400x64xf32, #tpu.memory_space<vmem>>) offsets(%arg7 : memref<400xi32, #tpu.memory_space<vmem>>) semaphore(%arg14 : memref<!tpu.dma_semaphore, #tpu.memory_space<semaphore_mem>>)
      %dma_wait3A_47 = arith.constant 0 : i32
      %dma_wait3A_48 = arith.constant 0 : i32
      %dma_wait3A_49 = tpu.memref_slice %arg2[%dma_wait3A_47, %dma_wait3A_48] : memref<10000x64xf32, #tpu.memory_space<hbm>> -> memref<10000x64xf32, #tpu.memory_space<hbm>>
      tpu.wait_indirect_dma semaphore(%arg15 : memref<!tpu.dma_semaphore, #tpu.memory_space<semaphore_mem>>) src(%dma_wait3A_49 : memref<10000x64xf32, #tpu.memory_space<hbm>>) dst(%arg12 : memref<400x64xf32, #tpu.memory_space<vmem>>)
      "tpu.region"() ({
        %run_scoped3A = tpu.sem_alloc : memref<!tpu.dma_semaphore, #tpu.memory_space<semaphore_mem>>
        %dma_start3A_51 = arith.constant 0 : i32
        %dma_start3A_52 = arith.constant 0 : i32
        %dma_start3A_53 = tpu.memref_slice %arg13[%dma_start3A_51, %dma_start3A_52] : memref<10240x64xf32, #tpu.memory_space<vmem_shared>> -> memref<10240x64xf32, #tpu.memory_space<vmem_shared>>
        tpu.enqueue_indirect_dma source(%arg12 : memref<400x64xf32, #tpu.memory_space<vmem>>) target(%dma_start3A_53 : memref<10240x64xf32, #tpu.memory_space<vmem_shared>>) offsets(%arg10 : memref<400xi32, #tpu.memory_space<vmem>>) semaphore(%run_scoped3A : memref<!tpu.dma_semaphore, #tpu.memory_space<semaphore_mem>>) {add = true}
        %dma_wait3A_54 = arith.constant 0 : i32
        %dma_wait3A_55 = arith.constant 0 : i32
        %dma_wait3A_56 = tpu.memref_slice %arg13[%dma_wait3A_54, %dma_wait3A_55] : memref<10240x64xf32, #tpu.memory_space<vmem_shared>> -> memref<10240x64xf32, #tpu.memory_space<vmem_shared>>
        tpu.wait_indirect_dma semaphore(%run_scoped3A : memref<!tpu.dma_semaphore, #tpu.memory_space<semaphore_mem>>) src(%arg12 : memref<400x64xf32, #tpu.memory_space<vmem>>) dst(%dma_wait3A_56 : memref<10240x64xf32, #tpu.memory_space<vmem_shared>>)
        tpu.yield
      }) : () -> ()
      %scan3A_50 = arith.constant 0 : i32
      scf.yield %scan3A_50 : i32
    }
    %scan3A_14 = arith.constant 12 : i32
    %dma_wait3A = arith.constant 0 : i32
    %dma_wait3A_15 = arith.constant 0 : i32
    %dma_wait3A_16 = tpu.memref_slice %arg2[%dma_wait3A, %dma_wait3A_15] : memref<10000x64xf32, #tpu.memory_space<hbm>> -> memref<10000x64xf32, #tpu.memory_space<hbm>>
    tpu.wait_indirect_dma semaphore(%arg14 : memref<!tpu.dma_semaphore, #tpu.memory_space<semaphore_mem>>) src(%dma_wait3A_16 : memref<10000x64xf32, #tpu.memory_space<hbm>>) dst(%arg11 : memref<400x64xf32, #tpu.memory_space<vmem>>)
    "tpu.region"() ({
      %run_scoped3A = tpu.sem_alloc : memref<!tpu.dma_semaphore, #tpu.memory_space<semaphore_mem>>
      %dma_start3A_22 = arith.constant 0 : i32
      %dma_start3A_23 = arith.constant 0 : i32
      %dma_start3A_24 = tpu.memref_slice %arg13[%dma_start3A_22, %dma_start3A_23] : memref<10240x64xf32, #tpu.memory_space<vmem_shared>> -> memref<10240x64xf32, #tpu.memory_space<vmem_shared>>
      tpu.enqueue_indirect_dma source(%arg11 : memref<400x64xf32, #tpu.memory_space<vmem>>) target(%dma_start3A_24 : memref<10240x64xf32, #tpu.memory_space<vmem_shared>>) offsets(%arg8 : memref<400xi32, #tpu.memory_space<vmem>>) semaphore(%run_scoped3A : memref<!tpu.dma_semaphore, #tpu.memory_space<semaphore_mem>>) {add = true}
      %dma_wait3A_25 = arith.constant 0 : i32
      %dma_wait3A_26 = arith.constant 0 : i32
      %dma_wait3A_27 = tpu.memref_slice %arg13[%dma_wait3A_25, %dma_wait3A_26] : memref<10240x64xf32, #tpu.memory_space<vmem_shared>> -> memref<10240x64xf32, #tpu.memory_space<vmem_shared>>
      tpu.wait_indirect_dma semaphore(%run_scoped3A : memref<!tpu.dma_semaphore, #tpu.memory_space<semaphore_mem>>) src(%arg11 : memref<400x64xf32, #tpu.memory_space<vmem>>) dst(%dma_wait3A_27 : memref<10240x64xf32, #tpu.memory_space<vmem_shared>>)
      tpu.yield
    }) : () -> ()
    %barrier3A_17 = arith.constant 0 : index
    tpu.barrier barrier_id(%barrier3A_17)
    %mul3A_18 = arith.constant 640 : i32
    %mul3A_19 = arith.muli %arg1, %mul3A_18 : i32
    %mul3A_20 = arith.constant 640 : i32
    %mul3A_21 = arith.muli %arg1, %mul3A_20 : i32
    "tpu.region"() ({
      %run_scoped3A = tpu.sem_alloc : memref<!tpu.dma_semaphore, #tpu.memory_space<semaphore_mem>>
      %dma_start3A_22 = arith.constant 0 : i32
      %dma_start3A_23 = tpu.memref_slice %arg6[%arg0, %mul3A_21, %dma_start3A_22] : memref<2x10240x64xf32, #tpu.memory_space<hbm>> -> memref<1x640x64xf32, #tpu.memory_space<hbm>>
      %dma_start3A_24 = tpu.memref_squeeze %dma_start3A_23 : memref<1x640x64xf32, #tpu.memory_space<hbm>> -> memref<640x64xf32, #tpu.memory_space<hbm>>
      %dma_start3A_25 = arith.constant 0 : i32
      %dma_start3A_26 = tpu.memref_slice %arg13[%mul3A_19, %dma_start3A_25] : memref<10240x64xf32, #tpu.memory_space<vmem_shared>> -> memref<640x64xf32, #tpu.memory_space<vmem_shared>>
      tpu.enqueue_dma source(%dma_start3A_26 : memref<640x64xf32, #tpu.memory_space<vmem_shared>>) target(%dma_start3A_24 : memref<640x64xf32, #tpu.memory_space<hbm>>) target_semaphore(%run_scoped3A : memref<!tpu.dma_semaphore, #tpu.memory_space<semaphore_mem>>)
      %dma_wait3A_27 = arith.constant 0 : i32
      %dma_wait3A_28 = tpu.memref_slice %arg6[%arg0, %mul3A_21, %dma_wait3A_27] : memref<2x10240x64xf32, #tpu.memory_space<hbm>> -> memref<1x640x64xf32, #tpu.memory_space<hbm>>
      %dma_wait3A_29 = tpu.memref_squeeze %dma_wait3A_28 : memref<1x640x64xf32, #tpu.memory_space<hbm>> -> memref<640x64xf32, #tpu.memory_space<hbm>>
      %dma_wait3A_30 = arith.constant 0 : i32
      %dma_wait3A_31 = tpu.memref_slice %arg13[%mul3A_19, %dma_wait3A_30] : memref<10240x64xf32, #tpu.memory_space<vmem_shared>> -> memref<640x64xf32, #tpu.memory_space<vmem_shared>>
      tpu.wait_dma2 semaphore(%run_scoped3A : memref<!tpu.dma_semaphore, #tpu.memory_space<semaphore_mem>>) src(%dma_wait3A_31 : memref<640x64xf32, #tpu.memory_space<vmem_shared>>) dst(%dma_wait3A_29 : memref<640x64xf32, #tpu.memory_space<hbm>>)
      tpu.yield
    }) : () -> ()
    return
  }
}

#map = affine_map<(d0, d1) -> (0, 0)>
#map1 = affine_map<(d0, d1) -> (0)>
module attributes {stable_mosaic.version = 14 : i64} {
  func.func @_sc_edge_gather(%arg0: i32, %arg1: i32, %arg2: memref<10000x64xf32, #tpu.memory_space<hbm>>, %arg3: memref<10000x64xf32, #tpu.memory_space<hbm>>, %arg4: memref<320000xi32, #tpu.memory_space<hbm>>, %arg5: memref<320000xi32, #tpu.memory_space<hbm>>, %arg6: memref<320000x64xf32, #tpu.memory_space<hbm>>, %arg7: memref<400xi32, #tpu.memory_space<vmem>>, %arg8: memref<400xi32, #tpu.memory_space<vmem>>, %arg9: memref<400xi32, #tpu.memory_space<vmem>>, %arg10: memref<400xi32, #tpu.memory_space<vmem>>, %arg11: memref<400x64xf32, #tpu.memory_space<vmem>>, %arg12: memref<400x64xf32, #tpu.memory_space<vmem>>, %arg13: memref<10000x64xf32, #tpu.memory_space<vmem_shared>>, %arg14: memref<!tpu.dma_semaphore, #tpu.memory_space<semaphore_mem>>, %arg15: memref<!tpu.dma_semaphore, #tpu.memory_space<semaphore_mem>>, %arg16: memref<!tpu.dma_semaphore, #tpu.memory_space<semaphore_mem>>, %arg17: memref<!tpu.dma_semaphore, #tpu.memory_space<semaphore_mem>>) attributes {dimension_semantics = [#tpu.dimension_semantics<core_parallel>, #tpu.dimension_semantics<subcore_parallel>], iteration_bounds = array<i64: 2, 16>, scalar_prefetch = 0 : i64, scratch_operands = 11 : i64, tpu.core_type = #tpu.core_type<sc_vector_subcore>, window_params = [{transform_indices = #map}, {transform_indices = #map}, {transform_indices = #map1}, {transform_indices = #map1}, {transform_indices = #map}]} {
    %mul3A = arith.constant 2 : i32
    %mul3A_0 = arith.muli %arg1, %mul3A : i32
    %add3A = arith.addi %mul3A_0, %arg0 : i32
    %mul3A_1 = arith.constant 10000 : i32
    %mul3A_2 = arith.muli %add3A, %mul3A_1 : i32
    %mul3A_3 = arith.constant 625 : i32
    %mul3A_4 = arith.muli %arg1, %mul3A_3 : i32
    %mul3A_5 = arith.constant 625 : i32
    %mul3A_6 = arith.muli %arg1, %mul3A_5 : i32
    "tpu.region"() ({
      %run_scoped3A = tpu.sem_alloc : memref<!tpu.dma_semaphore, #tpu.memory_space<semaphore_mem>>
      %dma_start3A_26 = arith.constant 0 : i32
      %dma_start3A_27 = tpu.memref_slice %arg13[%mul3A_6, %dma_start3A_26] : memref<10000x64xf32, #tpu.memory_space<vmem_shared>> -> memref<625x64xf32, #tpu.memory_space<vmem_shared>>
      %dma_start3A_28 = arith.constant 0 : i32
      %dma_start3A_29 = tpu.memref_slice %arg2[%mul3A_4, %dma_start3A_28] : memref<10000x64xf32, #tpu.memory_space<hbm>> -> memref<625x64xf32, #tpu.memory_space<hbm>>
      tpu.enqueue_dma source(%dma_start3A_29 : memref<625x64xf32, #tpu.memory_space<hbm>>) target(%dma_start3A_27 : memref<625x64xf32, #tpu.memory_space<vmem_shared>>) target_semaphore(%run_scoped3A : memref<!tpu.dma_semaphore, #tpu.memory_space<semaphore_mem>>)
      %dma_wait3A_30 = arith.constant 0 : i32
      %dma_wait3A_31 = tpu.memref_slice %arg13[%mul3A_6, %dma_wait3A_30] : memref<10000x64xf32, #tpu.memory_space<vmem_shared>> -> memref<625x64xf32, #tpu.memory_space<vmem_shared>>
      %dma_wait3A_32 = arith.constant 0 : i32
      %dma_wait3A_33 = tpu.memref_slice %arg2[%mul3A_4, %dma_wait3A_32] : memref<10000x64xf32, #tpu.memory_space<hbm>> -> memref<625x64xf32, #tpu.memory_space<hbm>>
      tpu.wait_dma2 semaphore(%run_scoped3A : memref<!tpu.dma_semaphore, #tpu.memory_space<semaphore_mem>>) src(%dma_wait3A_33 : memref<625x64xf32, #tpu.memory_space<hbm>>) dst(%dma_wait3A_31 : memref<625x64xf32, #tpu.memory_space<vmem_shared>>)
      tpu.yield
    }) : () -> ()
    %barrier3A = arith.constant 0 : index
    tpu.barrier barrier_id(%barrier3A)
    "tpu.region"() ({
      %run_scoped3A = tpu.sem_alloc : memref<!tpu.dma_semaphore, #tpu.memory_space<semaphore_mem>>
      %dma_start3A_26 = tpu.memref_slice %arg4[%mul3A_2] : memref<320000xi32, #tpu.memory_space<hbm>> -> memref<400xi32, #tpu.memory_space<hbm>>
      %dma_start3A_27 = tpu.memref_slice %arg4[%mul3A_2] : memref<320000xi32, #tpu.memory_space<hbm>> -> memref<400xi32, #tpu.memory_space<hbm>>
      tpu.enqueue_dma source(%dma_start3A_27 : memref<400xi32, #tpu.memory_space<hbm>>) target(%arg7 : memref<400xi32, #tpu.memory_space<vmem>>) target_semaphore(%run_scoped3A : memref<!tpu.dma_semaphore, #tpu.memory_space<semaphore_mem>>)
      %dma_wait3A_28 = tpu.memref_slice %arg4[%mul3A_2] : memref<320000xi32, #tpu.memory_space<hbm>> -> memref<400xi32, #tpu.memory_space<hbm>>
      %dma_wait3A_29 = tpu.memref_slice %arg4[%mul3A_2] : memref<320000xi32, #tpu.memory_space<hbm>> -> memref<400xi32, #tpu.memory_space<hbm>>
      tpu.wait_dma2 semaphore(%run_scoped3A : memref<!tpu.dma_semaphore, #tpu.memory_space<semaphore_mem>>) src(%dma_wait3A_29 : memref<400xi32, #tpu.memory_space<hbm>>) dst(%arg7 : memref<400xi32, #tpu.memory_space<vmem>>)
      tpu.yield
    }) : () -> ()
    "tpu.region"() ({
      %run_scoped3A = tpu.sem_alloc : memref<!tpu.dma_semaphore, #tpu.memory_space<semaphore_mem>>
      %dma_start3A_26 = tpu.memref_slice %arg5[%mul3A_2] : memref<320000xi32, #tpu.memory_space<hbm>> -> memref<400xi32, #tpu.memory_space<hbm>>
      %dma_start3A_27 = tpu.memref_slice %arg5[%mul3A_2] : memref<320000xi32, #tpu.memory_space<hbm>> -> memref<400xi32, #tpu.memory_space<hbm>>
      tpu.enqueue_dma source(%dma_start3A_27 : memref<400xi32, #tpu.memory_space<hbm>>) target(%arg8 : memref<400xi32, #tpu.memory_space<vmem>>) target_semaphore(%run_scoped3A : memref<!tpu.dma_semaphore, #tpu.memory_space<semaphore_mem>>)
      %dma_wait3A_28 = tpu.memref_slice %arg5[%mul3A_2] : memref<320000xi32, #tpu.memory_space<hbm>> -> memref<400xi32, #tpu.memory_space<hbm>>
      %dma_wait3A_29 = tpu.memref_slice %arg5[%mul3A_2] : memref<320000xi32, #tpu.memory_space<hbm>> -> memref<400xi32, #tpu.memory_space<hbm>>
      tpu.wait_dma2 semaphore(%run_scoped3A : memref<!tpu.dma_semaphore, #tpu.memory_space<semaphore_mem>>) src(%dma_wait3A_29 : memref<400xi32, #tpu.memory_space<hbm>>) dst(%arg8 : memref<400xi32, #tpu.memory_space<vmem>>)
      tpu.yield
    }) : () -> ()
    %dma_start3A = arith.constant 0 : i32
    %dma_start3A_7 = arith.constant 0 : i32
    %dma_start3A_8 = tpu.memref_slice %arg13[%dma_start3A, %dma_start3A_7] : memref<10000x64xf32, #tpu.memory_space<vmem_shared>> -> memref<10000x64xf32, #tpu.memory_space<vmem_shared>>
    tpu.enqueue_indirect_dma source(%dma_start3A_8 : memref<10000x64xf32, #tpu.memory_space<vmem_shared>>) target(%arg11 : memref<400x64xf32, #tpu.memory_space<vmem>>) offsets(%arg7 : memref<400xi32, #tpu.memory_space<vmem>>) semaphore(%arg14 : memref<!tpu.dma_semaphore, #tpu.memory_space<semaphore_mem>>)
    %scan3A = arith.constant 0 : i32
    %scan3A_9 = arith.constant 0 : i32
    %scan3A_10 = arith.constant 12 : i32
    %scan3A_11 = arith.addi %scan3A_9, %scan3A_10 : i32
    %scan3A_12 = arith.constant 1 : i32
    %scan3A_13 = scf.for %scan3A_26 = %scan3A_9 to %scan3A_11 step %scan3A_12 iter_args(%scan3A_27 = %scan3A) -> (i32)  : i32 {
      %mul3A_28 = arith.constant 2 : i32
      %mul3A_29 = arith.muli %mul3A_28, %scan3A_26 : i32
      %mul3A_30 = arith.constant 400 : i32
      %mul3A_31 = arith.muli %mul3A_29, %mul3A_30 : i32
      %add3A_32 = arith.addi %mul3A_2, %mul3A_31 : i32
      %add3A_33 = arith.constant 400 : i32
      %add3A_34 = arith.addi %add3A_32, %add3A_33 : i32
      "tpu.region"() ({
        %run_scoped3A = tpu.sem_alloc : memref<!tpu.dma_semaphore, #tpu.memory_space<semaphore_mem>>
        %dma_start3A_62 = tpu.memref_slice %arg4[%add3A_34] : memref<320000xi32, #tpu.memory_space<hbm>> -> memref<400xi32, #tpu.memory_space<hbm>>
        %dma_start3A_63 = tpu.memref_slice %arg4[%add3A_34] : memref<320000xi32, #tpu.memory_space<hbm>> -> memref<400xi32, #tpu.memory_space<hbm>>
        tpu.enqueue_dma source(%dma_start3A_63 : memref<400xi32, #tpu.memory_space<hbm>>) target(%arg9 : memref<400xi32, #tpu.memory_space<vmem>>) target_semaphore(%run_scoped3A : memref<!tpu.dma_semaphore, #tpu.memory_space<semaphore_mem>>)
        %dma_wait3A_64 = tpu.memref_slice %arg4[%add3A_34] : memref<320000xi32, #tpu.memory_space<hbm>> -> memref<400xi32, #tpu.memory_space<hbm>>
        %dma_wait3A_65 = tpu.memref_slice %arg4[%add3A_34] : memref<320000xi32, #tpu.memory_space<hbm>> -> memref<400xi32, #tpu.memory_space<hbm>>
        tpu.wait_dma2 semaphore(%run_scoped3A : memref<!tpu.dma_semaphore, #tpu.memory_space<semaphore_mem>>) src(%dma_wait3A_65 : memref<400xi32, #tpu.memory_space<hbm>>) dst(%arg9 : memref<400xi32, #tpu.memory_space<vmem>>)
        tpu.yield
      }) : () -> ()
      "tpu.region"() ({
        %run_scoped3A = tpu.sem_alloc : memref<!tpu.dma_semaphore, #tpu.memory_space<semaphore_mem>>
        %dma_start3A_62 = tpu.memref_slice %arg5[%add3A_34] : memref<320000xi32, #tpu.memory_space<hbm>> -> memref<400xi32, #tpu.memory_space<hbm>>
        %dma_start3A_63 = tpu.memref_slice %arg5[%add3A_34] : memref<320000xi32, #tpu.memory_space<hbm>> -> memref<400xi32, #tpu.memory_space<hbm>>
        tpu.enqueue_dma source(%dma_start3A_63 : memref<400xi32, #tpu.memory_space<hbm>>) target(%arg10 : memref<400xi32, #tpu.memory_space<vmem>>) target_semaphore(%run_scoped3A : memref<!tpu.dma_semaphore, #tpu.memory_space<semaphore_mem>>)
        %dma_wait3A_64 = tpu.memref_slice %arg5[%add3A_34] : memref<320000xi32, #tpu.memory_space<hbm>> -> memref<400xi32, #tpu.memory_space<hbm>>
        %dma_wait3A_65 = tpu.memref_slice %arg5[%add3A_34] : memref<320000xi32, #tpu.memory_space<hbm>> -> memref<400xi32, #tpu.memory_space<hbm>>
        tpu.wait_dma2 semaphore(%run_scoped3A : memref<!tpu.dma_semaphore, #tpu.memory_space<semaphore_mem>>) src(%dma_wait3A_65 : memref<400xi32, #tpu.memory_space<hbm>>) dst(%arg10 : memref<400xi32, #tpu.memory_space<vmem>>)
        tpu.yield
      }) : () -> ()
      %dma_start3A_35 = arith.constant 0 : i32
      %dma_start3A_36 = arith.constant 0 : i32
      %dma_start3A_37 = tpu.memref_slice %arg13[%dma_start3A_35, %dma_start3A_36] : memref<10000x64xf32, #tpu.memory_space<vmem_shared>> -> memref<10000x64xf32, #tpu.memory_space<vmem_shared>>
      tpu.enqueue_indirect_dma source(%dma_start3A_37 : memref<10000x64xf32, #tpu.memory_space<vmem_shared>>) target(%arg12 : memref<400x64xf32, #tpu.memory_space<vmem>>) offsets(%arg9 : memref<400xi32, #tpu.memory_space<vmem>>) semaphore(%arg16 : memref<!tpu.dma_semaphore, #tpu.memory_space<semaphore_mem>>)
      %dma_wait3A_38 = arith.constant 0 : i32
      %dma_wait3A_39 = arith.constant 0 : i32
      %dma_wait3A_40 = tpu.memref_slice %arg13[%dma_wait3A_38, %dma_wait3A_39] : memref<10000x64xf32, #tpu.memory_space<vmem_shared>> -> memref<10000x64xf32, #tpu.memory_space<vmem_shared>>
      tpu.wait_indirect_dma semaphore(%arg14 : memref<!tpu.dma_semaphore, #tpu.memory_space<semaphore_mem>>) src(%dma_wait3A_40 : memref<10000x64xf32, #tpu.memory_space<vmem_shared>>) dst(%arg11 : memref<400x64xf32, #tpu.memory_space<vmem>>)
      %dma_start3A_41 = arith.constant 0 : i32
      %dma_start3A_42 = arith.constant 0 : i32
      %dma_start3A_43 = tpu.memref_slice %arg3[%dma_start3A_41, %dma_start3A_42] : memref<10000x64xf32, #tpu.memory_space<hbm>> -> memref<10000x64xf32, #tpu.memory_space<hbm>>
      tpu.enqueue_indirect_dma source(%dma_start3A_43 : memref<10000x64xf32, #tpu.memory_space<hbm>>) target(%arg11 : memref<400x64xf32, #tpu.memory_space<vmem>>) offsets(%arg8 : memref<400xi32, #tpu.memory_space<vmem>>) semaphore(%arg15 : memref<!tpu.dma_semaphore, #tpu.memory_space<semaphore_mem>>) {add = true}
      %dma_wait3A_44 = arith.constant 0 : i32
      %dma_wait3A_45 = arith.constant 0 : i32
      %dma_wait3A_46 = tpu.memref_slice %arg3[%dma_wait3A_44, %dma_wait3A_45] : memref<10000x64xf32, #tpu.memory_space<hbm>> -> memref<10000x64xf32, #tpu.memory_space<hbm>>
      tpu.wait_indirect_dma semaphore(%arg15 : memref<!tpu.dma_semaphore, #tpu.memory_space<semaphore_mem>>) src(%dma_wait3A_46 : memref<10000x64xf32, #tpu.memory_space<hbm>>) dst(%arg11 : memref<400x64xf32, #tpu.memory_space<vmem>>)
      "tpu.region"() ({
        %run_scoped3A = tpu.sem_alloc : memref<!tpu.dma_semaphore, #tpu.memory_space<semaphore_mem>>
        %dma_start3A_62 = arith.constant 0 : i32
        %dma_start3A_63 = tpu.memref_slice %arg6[%add3A_32, %dma_start3A_62] : memref<320000x64xf32, #tpu.memory_space<hbm>> -> memref<400x64xf32, #tpu.memory_space<hbm>>
        %dma_start3A_64 = arith.constant 0 : i32
        %dma_start3A_65 = tpu.memref_slice %arg6[%add3A_32, %dma_start3A_64] : memref<320000x64xf32, #tpu.memory_space<hbm>> -> memref<400x64xf32, #tpu.memory_space<hbm>>
        tpu.enqueue_dma source(%arg11 : memref<400x64xf32, #tpu.memory_space<vmem>>) target(%dma_start3A_65 : memref<400x64xf32, #tpu.memory_space<hbm>>) target_semaphore(%run_scoped3A : memref<!tpu.dma_semaphore, #tpu.memory_space<semaphore_mem>>)
        %dma_wait3A_66 = arith.constant 0 : i32
        %dma_wait3A_67 = tpu.memref_slice %arg6[%add3A_32, %dma_wait3A_66] : memref<320000x64xf32, #tpu.memory_space<hbm>> -> memref<400x64xf32, #tpu.memory_space<hbm>>
        %dma_wait3A_68 = arith.constant 0 : i32
        %dma_wait3A_69 = tpu.memref_slice %arg6[%add3A_32, %dma_wait3A_68] : memref<320000x64xf32, #tpu.memory_space<hbm>> -> memref<400x64xf32, #tpu.memory_space<hbm>>
        tpu.wait_dma2 semaphore(%run_scoped3A : memref<!tpu.dma_semaphore, #tpu.memory_space<semaphore_mem>>) src(%arg11 : memref<400x64xf32, #tpu.memory_space<vmem>>) dst(%dma_wait3A_69 : memref<400x64xf32, #tpu.memory_space<hbm>>)
        tpu.yield
      }) : () -> ()
      %add3A_47 = arith.constant 400 : i32
      %add3A_48 = arith.addi %add3A_34, %add3A_47 : i32
      "tpu.region"() ({
        %run_scoped3A = tpu.sem_alloc : memref<!tpu.dma_semaphore, #tpu.memory_space<semaphore_mem>>
        %dma_start3A_62 = tpu.memref_slice %arg4[%add3A_48] : memref<320000xi32, #tpu.memory_space<hbm>> -> memref<400xi32, #tpu.memory_space<hbm>>
        %dma_start3A_63 = tpu.memref_slice %arg4[%add3A_48] : memref<320000xi32, #tpu.memory_space<hbm>> -> memref<400xi32, #tpu.memory_space<hbm>>
        tpu.enqueue_dma source(%dma_start3A_63 : memref<400xi32, #tpu.memory_space<hbm>>) target(%arg7 : memref<400xi32, #tpu.memory_space<vmem>>) target_semaphore(%run_scoped3A : memref<!tpu.dma_semaphore, #tpu.memory_space<semaphore_mem>>)
        %dma_wait3A_64 = tpu.memref_slice %arg4[%add3A_48] : memref<320000xi32, #tpu.memory_space<hbm>> -> memref<400xi32, #tpu.memory_space<hbm>>
        %dma_wait3A_65 = tpu.memref_slice %arg4[%add3A_48] : memref<320000xi32, #tpu.memory_space<hbm>> -> memref<400xi32, #tpu.memory_space<hbm>>
        tpu.wait_dma2 semaphore(%run_scoped3A : memref<!tpu.dma_semaphore, #tpu.memory_space<semaphore_mem>>) src(%dma_wait3A_65 : memref<400xi32, #tpu.memory_space<hbm>>) dst(%arg7 : memref<400xi32, #tpu.memory_space<vmem>>)
        tpu.yield
      }) : () -> ()
      "tpu.region"() ({
        %run_scoped3A = tpu.sem_alloc : memref<!tpu.dma_semaphore, #tpu.memory_space<semaphore_mem>>
        %dma_start3A_62 = tpu.memref_slice %arg5[%add3A_48] : memref<320000xi32, #tpu.memory_space<hbm>> -> memref<400xi32, #tpu.memory_space<hbm>>
        %dma_start3A_63 = tpu.memref_slice %arg5[%add3A_48] : memref<320000xi32, #tpu.memory_space<hbm>> -> memref<400xi32, #tpu.memory_space<hbm>>
        tpu.enqueue_dma source(%dma_start3A_63 : memref<400xi32, #tpu.memory_space<hbm>>) target(%arg8 : memref<400xi32, #tpu.memory_space<vmem>>) target_semaphore(%run_scoped3A : memref<!tpu.dma_semaphore, #tpu.memory_space<semaphore_mem>>)
        %dma_wait3A_64 = tpu.memref_slice %arg5[%add3A_48] : memref<320000xi32, #tpu.memory_space<hbm>> -> memref<400xi32, #tpu.memory_space<hbm>>
        %dma_wait3A_65 = tpu.memref_slice %arg5[%add3A_48] : memref<320000xi32, #tpu.memory_space<hbm>> -> memref<400xi32, #tpu.memory_space<hbm>>
        tpu.wait_dma2 semaphore(%run_scoped3A : memref<!tpu.dma_semaphore, #tpu.memory_space<semaphore_mem>>) src(%dma_wait3A_65 : memref<400xi32, #tpu.memory_space<hbm>>) dst(%arg8 : memref<400xi32, #tpu.memory_space<vmem>>)
        tpu.yield
      }) : () -> ()
      %dma_start3A_49 = arith.constant 0 : i32
      %dma_start3A_50 = arith.constant 0 : i32
      %dma_start3A_51 = tpu.memref_slice %arg13[%dma_start3A_49, %dma_start3A_50] : memref<10000x64xf32, #tpu.memory_space<vmem_shared>> -> memref<10000x64xf32, #tpu.memory_space<vmem_shared>>
      tpu.enqueue_indirect_dma source(%dma_start3A_51 : memref<10000x64xf32, #tpu.memory_space<vmem_shared>>) target(%arg11 : memref<400x64xf32, #tpu.memory_space<vmem>>) offsets(%arg7 : memref<400xi32, #tpu.memory_space<vmem>>) semaphore(%arg14 : memref<!tpu.dma_semaphore, #tpu.memory_space<semaphore_mem>>)
      %dma_wait3A_52 = arith.constant 0 : i32
      %dma_wait3A_53 = arith.constant 0 : i32
      %dma_wait3A_54 = tpu.memref_slice %arg13[%dma_wait3A_52, %dma_wait3A_53] : memref<10000x64xf32, #tpu.memory_space<vmem_shared>> -> memref<10000x64xf32, #tpu.memory_space<vmem_shared>>
      tpu.wait_indirect_dma semaphore(%arg16 : memref<!tpu.dma_semaphore, #tpu.memory_space<semaphore_mem>>) src(%dma_wait3A_54 : memref<10000x64xf32, #tpu.memory_space<vmem_shared>>) dst(%arg12 : memref<400x64xf32, #tpu.memory_space<vmem>>)
      %dma_start3A_55 = arith.constant 0 : i32
      %dma_start3A_56 = arith.constant 0 : i32
      %dma_start3A_57 = tpu.memref_slice %arg3[%dma_start3A_55, %dma_start3A_56] : memref<10000x64xf32, #tpu.memory_space<hbm>> -> memref<10000x64xf32, #tpu.memory_space<hbm>>
      tpu.enqueue_indirect_dma source(%dma_start3A_57 : memref<10000x64xf32, #tpu.memory_space<hbm>>) target(%arg12 : memref<400x64xf32, #tpu.memory_space<vmem>>) offsets(%arg10 : memref<400xi32, #tpu.memory_space<vmem>>) semaphore(%arg17 : memref<!tpu.dma_semaphore, #tpu.memory_space<semaphore_mem>>) {add = true}
      %dma_wait3A_58 = arith.constant 0 : i32
      %dma_wait3A_59 = arith.constant 0 : i32
      %dma_wait3A_60 = tpu.memref_slice %arg3[%dma_wait3A_58, %dma_wait3A_59] : memref<10000x64xf32, #tpu.memory_space<hbm>> -> memref<10000x64xf32, #tpu.memory_space<hbm>>
      tpu.wait_indirect_dma semaphore(%arg17 : memref<!tpu.dma_semaphore, #tpu.memory_space<semaphore_mem>>) src(%dma_wait3A_60 : memref<10000x64xf32, #tpu.memory_space<hbm>>) dst(%arg12 : memref<400x64xf32, #tpu.memory_space<vmem>>)
      "tpu.region"() ({
        %run_scoped3A = tpu.sem_alloc : memref<!tpu.dma_semaphore, #tpu.memory_space<semaphore_mem>>
        %dma_start3A_62 = arith.constant 0 : i32
        %dma_start3A_63 = tpu.memref_slice %arg6[%add3A_34, %dma_start3A_62] : memref<320000x64xf32, #tpu.memory_space<hbm>> -> memref<400x64xf32, #tpu.memory_space<hbm>>
        %dma_start3A_64 = arith.constant 0 : i32
        %dma_start3A_65 = tpu.memref_slice %arg6[%add3A_34, %dma_start3A_64] : memref<320000x64xf32, #tpu.memory_space<hbm>> -> memref<400x64xf32, #tpu.memory_space<hbm>>
        tpu.enqueue_dma source(%arg12 : memref<400x64xf32, #tpu.memory_space<vmem>>) target(%dma_start3A_65 : memref<400x64xf32, #tpu.memory_space<hbm>>) target_semaphore(%run_scoped3A : memref<!tpu.dma_semaphore, #tpu.memory_space<semaphore_mem>>)
        %dma_wait3A_66 = arith.constant 0 : i32
        %dma_wait3A_67 = tpu.memref_slice %arg6[%add3A_34, %dma_wait3A_66] : memref<320000x64xf32, #tpu.memory_space<hbm>> -> memref<400x64xf32, #tpu.memory_space<hbm>>
        %dma_wait3A_68 = arith.constant 0 : i32
        %dma_wait3A_69 = tpu.memref_slice %arg6[%add3A_34, %dma_wait3A_68] : memref<320000x64xf32, #tpu.memory_space<hbm>> -> memref<400x64xf32, #tpu.memory_space<hbm>>
        tpu.wait_dma2 semaphore(%run_scoped3A : memref<!tpu.dma_semaphore, #tpu.memory_space<semaphore_mem>>) src(%arg12 : memref<400x64xf32, #tpu.memory_space<vmem>>) dst(%dma_wait3A_69 : memref<400x64xf32, #tpu.memory_space<hbm>>)
        tpu.yield
      }) : () -> ()
      %scan3A_61 = arith.constant 0 : i32
      scf.yield %scan3A_61 : i32
    }
    %scan3A_14 = arith.constant 12 : i32
    %add3A_15 = arith.constant 10000 : i32
    %add3A_16 = arith.addi %mul3A_2, %add3A_15 : i32
    %sub3A = arith.constant 400 : i32
    %sub3A_17 = arith.subi %add3A_16, %sub3A : i32
    %dma_wait3A = arith.constant 0 : i32
    %dma_wait3A_18 = arith.constant 0 : i32
    %dma_wait3A_19 = tpu.memref_slice %arg13[%dma_wait3A, %dma_wait3A_18] : memref<10000x64xf32, #tpu.memory_space<vmem_shared>> -> memref<10000x64xf32, #tpu.memory_space<vmem_shared>>
    tpu.wait_indirect_dma semaphore(%arg14 : memref<!tpu.dma_semaphore, #tpu.memory_space<semaphore_mem>>) src(%dma_wait3A_19 : memref<10000x64xf32, #tpu.memory_space<vmem_shared>>) dst(%arg11 : memref<400x64xf32, #tpu.memory_space<vmem>>)
    %dma_start3A_20 = arith.constant 0 : i32
    %dma_start3A_21 = arith.constant 0 : i32
    %dma_start3A_22 = tpu.memref_slice %arg3[%dma_start3A_20, %dma_start3A_21] : memref<10000x64xf32, #tpu.memory_space<hbm>> -> memref<10000x64xf32, #tpu.memory_space<hbm>>
    tpu.enqueue_indirect_dma source(%dma_start3A_22 : memref<10000x64xf32, #tpu.memory_space<hbm>>) target(%arg11 : memref<400x64xf32, #tpu.memory_space<vmem>>) offsets(%arg8 : memref<400xi32, #tpu.memory_space<vmem>>) semaphore(%arg15 : memref<!tpu.dma_semaphore, #tpu.memory_space<semaphore_mem>>) {add = true}
    %dma_wait3A_23 = arith.constant 0 : i32
    %dma_wait3A_24 = arith.constant 0 : i32
    %dma_wait3A_25 = tpu.memref_slice %arg3[%dma_wait3A_23, %dma_wait3A_24] : memref<10000x64xf32, #tpu.memory_space<hbm>> -> memref<10000x64xf32, #tpu.memory_space<hbm>>
    tpu.wait_indirect_dma semaphore(%arg15 : memref<!tpu.dma_semaphore, #tpu.memory_space<semaphore_mem>>) src(%dma_wait3A_25 : memref<10000x64xf32, #tpu.memory_space<hbm>>) dst(%arg11 : memref<400x64xf32, #tpu.memory_space<vmem>>)
    "tpu.region"() ({
      %run_scoped3A = tpu.sem_alloc : memref<!tpu.dma_semaphore, #tpu.memory_space<semaphore_mem>>
      %dma_start3A_26 = arith.constant 0 : i32
      %dma_start3A_27 = tpu.memref_slice %arg6[%sub3A_17, %dma_start3A_26] : memref<320000x64xf32, #tpu.memory_space<hbm>> -> memref<400x64xf32, #tpu.memory_space<hbm>>
      %dma_start3A_28 = arith.constant 0 : i32
      %dma_start3A_29 = tpu.memref_slice %arg6[%sub3A_17, %dma_start3A_28] : memref<320000x64xf32, #tpu.memory_space<hbm>> -> memref<400x64xf32, #tpu.memory_space<hbm>>
      tpu.enqueue_dma source(%arg11 : memref<400x64xf32, #tpu.memory_space<vmem>>) target(%dma_start3A_29 : memref<400x64xf32, #tpu.memory_space<hbm>>) target_semaphore(%run_scoped3A : memref<!tpu.dma_semaphore, #tpu.memory_space<semaphore_mem>>)
      %dma_wait3A_30 = arith.constant 0 : i32
      %dma_wait3A_31 = tpu.memref_slice %arg6[%sub3A_17, %dma_wait3A_30] : memref<320000x64xf32, #tpu.memory_space<hbm>> -> memref<400x64xf32, #tpu.memory_space<hbm>>
      %dma_wait3A_32 = arith.constant 0 : i32
      %dma_wait3A_33 = tpu.memref_slice %arg6[%sub3A_17, %dma_wait3A_32] : memref<320000x64xf32, #tpu.memory_space<hbm>> -> memref<400x64xf32, #tpu.memory_space<hbm>>
      tpu.wait_dma2 semaphore(%run_scoped3A : memref<!tpu.dma_semaphore, #tpu.memory_space<semaphore_mem>>) src(%arg11 : memref<400x64xf32, #tpu.memory_space<vmem>>) dst(%dma_wait3A_33 : memref<400x64xf32, #tpu.memory_space<hbm>>)
      tpu.yield
    }) : () -> ()
    return
  }
}

module attributes {stable_mosaic.version = 14 : i64} {
  func.func @_tc_proj_body(%arg0: i32, %arg1: memref<1000x256xf32, #tpu.memory_space<vmem>>, %arg2: memref<256x128xf32, #tpu.memory_space<vmem>>, %arg3: memref<256x128xf32, #tpu.memory_space<vmem>>, %arg4: memref<1000x128xf32, #tpu.memory_space<vmem>>, %arg5: memref<1000x128xf32, #tpu.memory_space<vmem>>) attributes {dimension_semantics = [#tpu.dimension_semantics<arbitrary>], iteration_bounds = array<i64: 5>, scalar_prefetch = 0 : i64, scratch_operands = 0 : i64, tpu.core_type = #tpu.core_type<tc>, window_params = [{transform_indices = @transform_0, window_bounds = array<i64: 1000, 256>}, {pipeline_mode = #tpu.pipeline_mode<synchronous>, transform_indices = @transform_1, window_bounds = array<i64: 256, 128>}, {pipeline_mode = #tpu.pipeline_mode<synchronous>, transform_indices = @transform_2, window_bounds = array<i64: 256, 128>}, {transform_indices = @transform_3, window_bounds = array<i64: 1000, 128>}, {transform_indices = @transform_4, window_bounds = array<i64: 1000, 128>}]} {
    %get3A = arith.constant 0 : index
    %get3A_0 = arith.constant 0 : index
    %get3A_1 = vector.load %arg1[%get3A, %get3A_0] : memref<1000x256xf32, #tpu.memory_space<vmem>>, vector<1000x256xf32>
    %get3A_2 = arith.constant 0 : index
    %get3A_3 = arith.constant 0 : index
    %get3A_4 = vector.load %arg2[%get3A_2, %get3A_3] : memref<256x128xf32, #tpu.memory_space<vmem>>, vector<256x128xf32>
    %dot_general3A = arith.constant dense<0.000000e+00> : vector<1000x128xf32>
    %dot_general3A_5 = tpu.matmul %get3A_1, %get3A_4, %dot_general3A {dimension_numbers = #tpu.dot_dimension_numbers<[1], [0], [0], [1], [0, 0, 1, 1], [], []>, transpose_lhs_hint = false} : vector<1000x256xf32>, vector<256x128xf32>, vector<1000x128xf32> -> vector<1000x128xf32>
    %swap3A = arith.constant 0 : index
    %swap3A_6 = arith.constant 0 : index
    %swap3A_7 = vector.load %arg4[%swap3A, %swap3A_6] : memref<1000x128xf32, #tpu.memory_space<vmem>>, vector<1000x128xf32>
    tpu.vector_store %arg4[%swap3A, %swap3A_6], %dot_general3A_5 {strides = array<i32>} : memref<1000x128xf32, #tpu.memory_space<vmem>>, vector<1000x128xf32>,
    %get3A_8 = arith.constant 0 : index
    %get3A_9 = arith.constant 0 : index
    %get3A_10 = vector.load %arg3[%get3A_8, %get3A_9] : memref<256x128xf32, #tpu.memory_space<vmem>>, vector<256x128xf32>
    %dot_general3A_11 = arith.constant dense<0.000000e+00> : vector<1000x128xf32>
    %dot_general3A_12 = tpu.matmul %get3A_1, %get3A_10, %dot_general3A_11 {dimension_numbers = #tpu.dot_dimension_numbers<[1], [0], [0], [1], [0, 0, 1, 1], [], []>, transpose_lhs_hint = false} : vector<1000x256xf32>, vector<256x128xf32>, vector<1000x128xf32> -> vector<1000x128xf32>
    %swap3A_13 = arith.constant 0 : index
    %swap3A_14 = arith.constant 0 : index
    %swap3A_15 = vector.load %arg5[%swap3A_13, %swap3A_14] : memref<1000x128xf32, #tpu.memory_space<vmem>>, vector<1000x128xf32>
    tpu.vector_store %arg5[%swap3A_13, %swap3A_14], %dot_general3A_12 {strides = array<i32>} : memref<1000x128xf32, #tpu.memory_space<vmem>>, vector<1000x128xf32>,
    return
  }
  func.func @transform_0(%arg0: i32) -> (i32, i32) {
    %c0_i32 = arith.constant 0 : i32
    %c0_i32_0 = arith.constant 0 : i32
    return %arg0, %c0_i32 : i32, i32
  }
  func.func @transform_1(%arg0: i32) -> (i32, i32) {
    %c0_i32 = arith.constant 0 : i32
    %c0_i32_0 = arith.constant 0 : i32
    %c0_i32_1 = arith.constant 0 : i32
    return %c0_i32, %c0_i32_0 : i32, i32
  }
  func.func @transform_2(%arg0: i32) -> (i32, i32) {
    %c0_i32 = arith.constant 0 : i32
    %c0_i32_0 = arith.constant 0 : i32
    %c0_i32_1 = arith.constant 0 : i32
    return %c0_i32, %c0_i32_0 : i32, i32
  }
  func.func @transform_3(%arg0: i32) -> (i32, i32) {
    %c0_i32 = arith.constant 0 : i32
    %c0_i32_0 = arith.constant 0 : i32
    return %arg0, %c0_i32 : i32, i32
  }
  func.func @transform_4(%arg0: i32) -> (i32, i32) {
    %c0_i32 = arith.constant 0 : i32
    %c0_i32_0 = arith.constant 0 : i32
    return %arg0, %c0_i32 : i32, i32
  }
}

module attributes {stable_mosaic.version = 14 : i64} {
  func.func @_tc_combine_body(%arg0: i32, %arg1: memref<2x1000x128xf32, #tpu.memory_space<vmem>>, %arg2: memref<2x1000x128xf32, #tpu.memory_space<vmem>>, %arg3: memref<1000x128xf32, #tpu.memory_space<vmem>>, %arg4: memref<1x128xf32, #tpu.memory_space<vmem>>, %arg5: memref<128x128xf32, #tpu.memory_space<vmem>>, %arg6: memref<128x128xf32, #tpu.memory_space<vmem>>, %arg7: memref<1000x128xf32, #tpu.memory_space<vmem>>, %arg8: memref<1000x128xf32, #tpu.memory_space<vmem>>) attributes {dimension_semantics = [#tpu.dimension_semantics<arbitrary>], iteration_bounds = array<i64: 5>, scalar_prefetch = 0 : i64, scratch_operands = 0 : i64, tpu.core_type = #tpu.core_type<tc>, window_params = [{transform_indices = @transform_0, window_bounds = array<i64: 2, 1000, 128>}, {transform_indices = @transform_1, window_bounds = array<i64: 2, 1000, 128>}, {transform_indices = @transform_2, window_bounds = array<i64: 1000, 128>}, {pipeline_mode = #tpu.pipeline_mode<synchronous>, transform_indices = @transform_3, window_bounds = array<i64: 1, 128>}, {pipeline_mode = #tpu.pipeline_mode<synchronous>, transform_indices = @transform_4, window_bounds = array<i64: 128, 128>}, {pipeline_mode = #tpu.pipeline_mode<synchronous>, transform_indices = @transform_5, window_bounds = array<i64: 128, 128>}, {transform_indices = @transform_6, window_bounds = array<i64: 1000, 128>}, {transform_indices = @transform_7, window_bounds = array<i64: 1000, 128>}]} {
    %get3A = arith.constant 0 : index
    %get3A_0 = arith.constant 0 : index
    %get3A_1 = arith.constant 0 : index
    %get3A_2 = vector.load %arg2[%get3A, %get3A_0, %get3A_1] : memref<2x1000x128xf32, #tpu.memory_space<vmem>>, vector<1x1000x128xf32>
    %get3A_3 = vector.shape_cast %get3A_2 : vector<1x1000x128xf32> to vector<1000x128xf32>
    %get3A_4 = arith.constant 1 : index
    %get3A_5 = arith.constant 0 : index
    %get3A_6 = arith.constant 0 : index
    %get3A_7 = vector.load %arg2[%get3A_4, %get3A_5, %get3A_6] : memref<2x1000x128xf32, #tpu.memory_space<vmem>>, vector<1x1000x128xf32>
    %get3A_8 = vector.shape_cast %get3A_7 : vector<1x1000x128xf32> to vector<1000x128xf32>
    %add3A = arith.addf %get3A_3, %get3A_8 : vector<1000x128xf32>
    %max3A = arith.constant 1.000000e+00 : f32
    %max3A_9 = vector.broadcast %max3A : f32 to vector<1000x128xf32>
    %max3A_10 = arith.maximumf %add3A, %max3A_9 : vector<1000x128xf32>
    %div3A = arith.constant 1.000000e+00 : f32
    %div3A_11 = vector.broadcast %div3A : f32 to vector<1000x128xf32>
    %div3A_12 = arith.divf %div3A_11, %max3A_10 : vector<1000x128xf32>
    %get3A_13 = arith.constant 0 : index
    %get3A_14 = arith.constant 0 : index
    %get3A_15 = arith.constant 0 : index
    %get3A_16 = vector.load %arg1[%get3A_13, %get3A_14, %get3A_15] : memref<2x1000x128xf32, #tpu.memory_space<vmem>>, vector<1x1000x128xf32>
    %get3A_17 = vector.shape_cast %get3A_16 : vector<1x1000x128xf32> to vector<1000x128xf32>
    %get3A_18 = arith.constant 1 : index
    %get3A_19 = arith.constant 0 : index
    %get3A_20 = arith.constant 0 : index
    %get3A_21 = vector.load %arg1[%get3A_18, %get3A_19, %get3A_20] : memref<2x1000x128xf32, #tpu.memory_space<vmem>>, vector<1x1000x128xf32>
    %get3A_22 = vector.shape_cast %get3A_21 : vector<1x1000x128xf32> to vector<1000x128xf32>
    %add3A_23 = arith.addf %get3A_17, %get3A_22 : vector<1000x128xf32>
    %mul3A = arith.mulf %add3A_23, %div3A_12 : vector<1000x128xf32>
    %get3A_24 = arith.constant 0 : index
    %get3A_25 = arith.constant 0 : index
    %get3A_26 = vector.load %arg4[%get3A_24, %get3A_25] : memref<1x128xf32, #tpu.memory_space<vmem>>, vector<1x128xf32>
    %get3A_27 = vector.shape_cast %get3A_26 : vector<1x128xf32> to vector<128xf32>
    %broadcast_in_dim3A = vector.shape_cast %get3A_27 : vector<128xf32> to vector<1x128xf32>
    %add3A_28 = vector.broadcast %broadcast_in_dim3A : vector<1x128xf32> to vector<1000x128xf32>
    %add3A_29 = arith.addf %mul3A, %add3A_28 : vector<1000x128xf32>
    %get3A_30 = arith.constant 0 : index
    %get3A_31 = arith.constant 0 : index
    %get3A_32 = vector.load %arg3[%get3A_30, %get3A_31] : memref<1000x128xf32, #tpu.memory_space<vmem>>, vector<1000x128xf32>
    %add3A_33 = arith.addf %add3A_29, %get3A_32 : vector<1000x128xf32>
    %max3A_34 = arith.constant 0.000000e+00 : f32
    %max3A_35 = vector.broadcast %max3A_34 : f32 to vector<1000x128xf32>
    %max3A_36 = arith.maximumf %add3A_33, %max3A_35 : vector<1000x128xf32>
    %get3A_37 = arith.constant 0 : index
    %get3A_38 = arith.constant 0 : index
    %get3A_39 = vector.load %arg5[%get3A_37, %get3A_38] : memref<128x128xf32, #tpu.memory_space<vmem>>, vector<128x128xf32>
    %dot_general3A = arith.constant dense<0.000000e+00> : vector<1000x128xf32>
    %dot_general3A_40 = tpu.matmul %max3A_36, %get3A_39, %dot_general3A {dimension_numbers = #tpu.dot_dimension_numbers<[1], [0], [0], [1], [0, 0, 1, 1], [], []>, transpose_lhs_hint = false} : vector<1000x128xf32>, vector<128x128xf32>, vector<1000x128xf32> -> vector<1000x128xf32>
    %swap3A = arith.constant 0 : index
    %swap3A_41 = arith.constant 0 : index
    %swap3A_42 = vector.load %arg7[%swap3A, %swap3A_41] : memref<1000x128xf32, #tpu.memory_space<vmem>>, vector<1000x128xf32>
    tpu.vector_store %arg7[%swap3A, %swap3A_41], %dot_general3A_40 {strides = array<i32>} : memref<1000x128xf32, #tpu.memory_space<vmem>>, vector<1000x128xf32>,
    %get3A_43 = arith.constant 0 : index
    %get3A_44 = arith.constant 0 : index
    %get3A_45 = vector.load %arg6[%get3A_43, %get3A_44] : memref<128x128xf32, #tpu.memory_space<vmem>>, vector<128x128xf32>
    %dot_general3A_46 = arith.constant dense<0.000000e+00> : vector<1000x128xf32>
    %dot_general3A_47 = tpu.matmul %max3A_36, %get3A_45, %dot_general3A_46 {dimension_numbers = #tpu.dot_dimension_numbers<[1], [0], [0], [1], [0, 0, 1, 1], [], []>, transpose_lhs_hint = false} : vector<1000x128xf32>, vector<128x128xf32>, vector<1000x128xf32> -> vector<1000x128xf32>
    %swap3A_48 = arith.constant 0 : index
    %swap3A_49 = arith.constant 0 : index
    %swap3A_50 = vector.load %arg8[%swap3A_48, %swap3A_49] : memref<1000x128xf32, #tpu.memory_space<vmem>>, vector<1000x128xf32>
    tpu.vector_store %arg8[%swap3A_48, %swap3A_49], %dot_general3A_47 {strides = array<i32>} : memref<1000x128xf32, #tpu.memory_space<vmem>>, vector<1000x128xf32>,
    return
  }
  func.func @transform_0(%arg0: i32) -> (i32, i32, i32) {
    %c0_i32 = arith.constant 0 : i32
    %c0_i32_0 = arith.constant 0 : i32
    %c0_i32_1 = arith.constant 0 : i32
    return %c0_i32, %arg0, %c0_i32_0 : i32, i32, i32
  }
  func.func @transform_1(%arg0: i32) -> (i32, i32, i32) {
    %c0_i32 = arith.constant 0 : i32
    %c0_i32_0 = arith.constant 0 : i32
    %c0_i32_1 = arith.constant 0 : i32
    return %c0_i32, %arg0, %c0_i32_0 : i32, i32, i32
  }
  func.func @transform_2(%arg0: i32) -> (i32, i32) {
    %c0_i32 = arith.constant 0 : i32
    %c0_i32_0 = arith.constant 0 : i32
    return %arg0, %c0_i32 : i32, i32
  }
  func.func @transform_3(%arg0: i32) -> (i32, i32) {
    %c0_i32 = arith.constant 0 : i32
    %c0_i32_0 = arith.constant 0 : i32
    %c0_i32_1 = arith.constant 0 : i32
    return %c0_i32, %c0_i32_0 : i32, i32
  }
  func.func @transform_4(%arg0: i32) -> (i32, i32) {
    %c0_i32 = arith.constant 0 : i32
    %c0_i32_0 = arith.constant 0 : i32
    %c0_i32_1 = arith.constant 0 : i32
    return %c0_i32, %c0_i32_0 : i32, i32
  }
  func.func @transform_5(%arg0: i32) -> (i32, i32) {
    %c0_i32 = arith.constant 0 : i32
    %c0_i32_0 = arith.constant 0 : i32
    %c0_i32_1 = arith.constant 0 : i32
    return %c0_i32, %c0_i32_0 : i32, i32
  }
  func.func @transform_6(%arg0: i32) -> (i32, i32) {
    %c0_i32 = arith.constant 0 : i32
    %c0_i32_0 = arith.constant 0 : i32
    return %arg0, %c0_i32 : i32, i32
  }
  func.func @transform_7(%arg0: i32) -> (i32, i32) {
    %c0_i32 = arith.constant 0 : i32
    %c0_i32_0 = arith.constant 0 : i32
    return %arg0, %c0_i32 : i32, i32
  }
}

module attributes {stable_mosaic.version = 14 : i64} {
  func.func @_tc_edge_mlp_body(%arg0: i32, %arg1: memref<2000x512xf32, #tpu.memory_space<vmem>>, %arg2: memref<2000x128xf32, #tpu.memory_space<vmem>>, %arg3: memref<128x512xf32, #tpu.memory_space<vmem>>, %arg4: memref<1x512xf32, #tpu.memory_space<vmem>>, %arg5: memref<128x64xf32, #tpu.memory_space<vmem>>, %arg6: memref<1x256xf32, #tpu.memory_space<vmem>>, %arg7: memref<128x4xf32, #tpu.memory_space<vmem>>, %arg8: memref<1x1xf32, #tpu.memory_space<vmem>>, %arg9: memref<2000x8xf32, #tpu.memory_space<vmem>>) attributes {dimension_semantics = [#tpu.dimension_semantics<arbitrary>], iteration_bounds = array<i64: 20>, scalar_prefetch = 0 : i64, scratch_operands = 0 : i64, tpu.core_type = #tpu.core_type<tc>, window_params = [{transform_indices = @transform_0, window_bounds = array<i64: 2000, 512>}, {transform_indices = @transform_1, window_bounds = array<i64: 2000, 128>}, {pipeline_mode = #tpu.pipeline_mode<synchronous>, transform_indices = @transform_2, window_bounds = array<i64: 128, 512>}, {pipeline_mode = #tpu.pipeline_mode<synchronous>, transform_indices = @transform_3, window_bounds = array<i64: 1, 512>}, {pipeline_mode = #tpu.pipeline_mode<synchronous>, transform_indices = @transform_4, window_bounds = array<i64: 128, 64>}, {pipeline_mode = #tpu.pipeline_mode<synchronous>, transform_indices = @transform_5, window_bounds = array<i64: 1, 256>}, {pipeline_mode = #tpu.pipeline_mode<synchronous>, transform_indices = @transform_6, window_bounds = array<i64: 128, 4>}, {pipeline_mode = #tpu.pipeline_mode<synchronous>, transform_indices = @transform_7, window_bounds = array<i64: 1, 1>}, {transform_indices = @transform_8, window_bounds = array<i64: 2000, 8>}]} {
    %get3A = arith.constant 0 : index
    %get3A_0 = arith.constant 0 : index
    %get3A_1 = vector.load %arg1[%get3A, %get3A_0] : memref<2000x512xf32, #tpu.memory_space<vmem>>, vector<2000x512xf32>
    %get3A_2 = arith.constant 0 : index
    %get3A_3 = arith.constant 0 : index
    %get3A_4 = vector.load %arg2[%get3A_2, %get3A_3] : memref<2000x128xf32, #tpu.memory_space<vmem>>, vector<2000x128xf32>
    %get3A_5 = arith.constant 0 : index
    %get3A_6 = arith.constant 0 : index
    %get3A_7 = vector.load %arg3[%get3A_5, %get3A_6] : memref<128x512xf32, #tpu.memory_space<vmem>>, vector<128x512xf32>
    %dot_general3A = arith.constant dense<0.000000e+00> : vector<2000x512xf32>
    %dot_general3A_8 = tpu.matmul %get3A_4, %get3A_7, %dot_general3A {dimension_numbers = #tpu.dot_dimension_numbers<[1], [0], [0], [1], [0, 0, 1, 1], [], []>, transpose_lhs_hint = false} : vector<2000x128xf32>, vector<128x512xf32>, vector<2000x512xf32> -> vector<2000x512xf32>
    %add3A = arith.addf %get3A_1, %dot_general3A_8 : vector<2000x512xf32>
    %get3A_9 = arith.constant 0 : index
    %get3A_10 = arith.constant 0 : index
    %get3A_11 = vector.load %arg4[%get3A_9, %get3A_10] : memref<1x512xf32, #tpu.memory_space<vmem>>, vector<1x512xf32>
    %get3A_12 = vector.shape_cast %get3A_11 : vector<1x512xf32> to vector<512xf32>
    %broadcast_in_dim3A = vector.shape_cast %get3A_12 : vector<512xf32> to vector<1x512xf32>
    %add3A_13 = vector.broadcast %broadcast_in_dim3A : vector<1x512xf32> to vector<2000x512xf32>
    %add3A_14 = arith.addf %add3A, %add3A_13 : vector<2000x512xf32>
    %max3A = arith.constant 0.000000e+00 : f32
    %max3A_15 = vector.broadcast %max3A : f32 to vector<2000x512xf32>
    %max3A_16 = arith.maximumf %add3A_14, %max3A_15 : vector<2000x512xf32>
    %get3A_17 = arith.constant 0 : index
    %get3A_18 = arith.constant 0 : index
    %get3A_19 = vector.load %arg5[%get3A_17, %get3A_18] : memref<128x64xf32, #tpu.memory_space<vmem>>, vector<128x64xf32>
    %slice3A = vector.extract_strided_slice %max3A_16 {offsets = [0, 0], sizes = [2000, 128], strides = [1, 1]} : vector<2000x512xf32> to vector<2000x128xf32>
    %dot_general3A_20 = arith.constant dense<0.000000e+00> : vector<2000x64xf32>
    %dot_general3A_21 = tpu.matmul %slice3A, %get3A_19, %dot_general3A_20 {dimension_numbers = #tpu.dot_dimension_numbers<[1], [0], [0], [1], [0, 0, 1, 1], [], []>, transpose_lhs_hint = false} : vector<2000x128xf32>, vector<128x64xf32>, vector<2000x64xf32> -> vector<2000x64xf32>
    %slice3A_22 = vector.extract_strided_slice %max3A_16 {offsets = [0, 128], sizes = [2000, 128], strides = [1, 1]} : vector<2000x512xf32> to vector<2000x128xf32>
    %dot_general3A_23 = arith.constant dense<0.000000e+00> : vector<2000x64xf32>
    %dot_general3A_24 = tpu.matmul %slice3A_22, %get3A_19, %dot_general3A_23 {dimension_numbers = #tpu.dot_dimension_numbers<[1], [0], [0], [1], [0, 0, 1, 1], [], []>, transpose_lhs_hint = false} : vector<2000x128xf32>, vector<128x64xf32>, vector<2000x64xf32> -> vector<2000x64xf32>
    %slice3A_25 = vector.extract_strided_slice %max3A_16 {offsets = [0, 256], sizes = [2000, 128], strides = [1, 1]} : vector<2000x512xf32> to vector<2000x128xf32>
    %dot_general3A_26 = arith.constant dense<0.000000e+00> : vector<2000x64xf32>
    %dot_general3A_27 = tpu.matmul %slice3A_25, %get3A_19, %dot_general3A_26 {dimension_numbers = #tpu.dot_dimension_numbers<[1], [0], [0], [1], [0, 0, 1, 1], [], []>, transpose_lhs_hint = false} : vector<2000x128xf32>, vector<128x64xf32>, vector<2000x64xf32> -> vector<2000x64xf32>
    %slice3A_28 = vector.extract_strided_slice %max3A_16 {offsets = [0, 384], sizes = [2000, 128], strides = [1, 1]} : vector<2000x512xf32> to vector<2000x128xf32>
    %dot_general3A_29 = arith.constant dense<0.000000e+00> : vector<2000x64xf32>
    %dot_general3A_30 = tpu.matmul %slice3A_28, %get3A_19, %dot_general3A_29 {dimension_numbers = #tpu.dot_dimension_numbers<[1], [0], [0], [1], [0, 0, 1, 1], [], []>, transpose_lhs_hint = false} : vector<2000x128xf32>, vector<128x64xf32>, vector<2000x64xf32> -> vector<2000x64xf32>
    %concatenate3A = tpu.concatenate %dot_general3A_21, %dot_general3A_24, %dot_general3A_27, %dot_general3A_30 in 1 : vector<2000x64xf32>, vector<2000x64xf32>, vector<2000x64xf32>, vector<2000x64xf32> -> vector<2000x256xf32>
    %get3A_31 = arith.constant 0 : index
    %get3A_32 = arith.constant 0 : index
    %get3A_33 = vector.load %arg6[%get3A_31, %get3A_32] : memref<1x256xf32, #tpu.memory_space<vmem>>, vector<1x256xf32>
    %get3A_34 = vector.shape_cast %get3A_33 : vector<1x256xf32> to vector<256xf32>
    %broadcast_in_dim3A_35 = vector.shape_cast %get3A_34 : vector<256xf32> to vector<1x256xf32>
    %add3A_36 = vector.broadcast %broadcast_in_dim3A_35 : vector<1x256xf32> to vector<2000x256xf32>
    %add3A_37 = arith.addf %concatenate3A, %add3A_36 : vector<2000x256xf32>
    %max3A_38 = arith.constant 0.000000e+00 : f32
    %max3A_39 = vector.broadcast %max3A_38 : f32 to vector<2000x256xf32>
    %max3A_40 = arith.maximumf %add3A_37, %max3A_39 : vector<2000x256xf32>
    %get3A_41 = arith.constant 0 : index
    %get3A_42 = arith.constant 0 : index
    %get3A_43 = vector.load %arg7[%get3A_41, %get3A_42] : memref<128x4xf32, #tpu.memory_space<vmem>>, vector<128x4xf32>
    %slice3A_44 = vector.extract_strided_slice %max3A_40 {offsets = [0, 0], sizes = [2000, 128], strides = [1, 1]} : vector<2000x256xf32> to vector<2000x128xf32>
    %dot_general3A_45 = arith.constant dense<0.000000e+00> : vector<2000x4xf32>
    %dot_general3A_46 = tpu.matmul %slice3A_44, %get3A_43, %dot_general3A_45 {dimension_numbers = #tpu.dot_dimension_numbers<[1], [0], [0], [1], [0, 0, 1, 1], [], []>, transpose_lhs_hint = false} : vector<2000x128xf32>, vector<128x4xf32>, vector<2000x4xf32> -> vector<2000x4xf32>
    %slice3A_47 = vector.extract_strided_slice %max3A_40 {offsets = [0, 128], sizes = [2000, 128], strides = [1, 1]} : vector<2000x256xf32> to vector<2000x128xf32>
    %dot_general3A_48 = arith.constant dense<0.000000e+00> : vector<2000x4xf32>
    %dot_general3A_49 = tpu.matmul %slice3A_47, %get3A_43, %dot_general3A_48 {dimension_numbers = #tpu.dot_dimension_numbers<[1], [0], [0], [1], [0, 0, 1, 1], [], []>, transpose_lhs_hint = false} : vector<2000x128xf32>, vector<128x4xf32>, vector<2000x4xf32> -> vector<2000x4xf32>
    %concatenate3A_50 = tpu.concatenate %dot_general3A_46, %dot_general3A_49 in 1 : vector<2000x4xf32>, vector<2000x4xf32> -> vector<2000x8xf32>
    %get3A_51 = arith.constant 0 : index
    %get3A_52 = arith.constant 0 : index
    %get3A_53 = vector.load %arg8[%get3A_51, %get3A_52] : memref<1x1xf32, #tpu.memory_space<vmem>>, vector<1x1xf32>
    %get3A_54 = vector.extract %get3A_53[0, 0] : f32 from vector<1x1xf32>
    %add3A_55 = vector.broadcast %get3A_54 : f32 to vector<2000x8xf32>
    %add3A_56 = arith.addf %concatenate3A_50, %add3A_55 : vector<2000x8xf32>
    %swap3A = arith.constant 0 : index
    %swap3A_57 = arith.constant 0 : index
    %swap3A_58 = vector.load %arg9[%swap3A, %swap3A_57] : memref<2000x8xf32, #tpu.memory_space<vmem>>, vector<2000x8xf32>
    tpu.vector_store %arg9[%swap3A, %swap3A_57], %add3A_56 {strides = array<i32>} : memref<2000x8xf32, #tpu.memory_space<vmem>>, vector<2000x8xf32>,
    return
  }
  func.func @transform_0(%arg0: i32) -> (i32, i32) {
    %c0_i32 = arith.constant 0 : i32
    %c0_i32_0 = arith.constant 0 : i32
    return %arg0, %c0_i32 : i32, i32
  }
  func.func @transform_1(%arg0: i32) -> (i32, i32) {
    %c0_i32 = arith.constant 0 : i32
    %c0_i32_0 = arith.constant 0 : i32
    return %arg0, %c0_i32 : i32, i32
  }
  func.func @transform_2(%arg0: i32) -> (i32, i32) {
    %c0_i32 = arith.constant 0 : i32
    %c0_i32_0 = arith.constant 0 : i32
    %c0_i32_1 = arith.constant 0 : i32
    return %c0_i32, %c0_i32_0 : i32, i32
  }
  func.func @transform_3(%arg0: i32) -> (i32, i32) {
    %c0_i32 = arith.constant 0 : i32
    %c0_i32_0 = arith.constant 0 : i32
    %c0_i32_1 = arith.constant 0 : i32
    return %c0_i32, %c0_i32_0 : i32, i32
  }
  func.func @transform_4(%arg0: i32) -> (i32, i32) {
    %c0_i32 = arith.constant 0 : i32
    %c0_i32_0 = arith.constant 0 : i32
    %c0_i32_1 = arith.constant 0 : i32
    return %c0_i32, %c0_i32_0 : i32, i32
  }
  func.func @transform_5(%arg0: i32) -> (i32, i32) {
    %c0_i32 = arith.constant 0 : i32
    %c0_i32_0 = arith.constant 0 : i32
    %c0_i32_1 = arith.constant 0 : i32
    return %c0_i32, %c0_i32_0 : i32, i32
  }
  func.func @transform_6(%arg0: i32) -> (i32, i32) {
    %c0_i32 = arith.constant 0 : i32
    %c0_i32_0 = arith.constant 0 : i32
    %c0_i32_1 = arith.constant 0 : i32
    return %c0_i32, %c0_i32_0 : i32, i32
  }
  func.func @transform_7(%arg0: i32) -> (i32, i32) {
    %c0_i32 = arith.constant 0 : i32
    %c0_i32_0 = arith.constant 0 : i32
    %c0_i32_1 = arith.constant 0 : i32
    return %c0_i32, %c0_i32_0 : i32, i32
  }
  func.func @transform_8(%arg0: i32) -> (i32, i32) {
    %c0_i32 = arith.constant 0 : i32
    %c0_i32_0 = arith.constant 0 : i32
    return %arg0, %c0_i32 : i32, i32
  }
}

</mosaic_0001>

<sc_bundles>
// kernel: kernel.12.cloned.1.call-start
scs
__scs_entry_jumppad:
0x0: {  	(pc) =	sbr.rel $0x88, $3  }
0x1: {  	(tag) =	ssettag $0x0;
	lr =	simm.s32 $0x1  }
0x2: {  	[smem:$0x3F8F] =	sst lr;
	_ =	strace $0xD0000000  }
0x3: {  	_ = 	snop  }
0x4: {  	_ = 	snop  }
0x5: {  	_ = 	snop  }
0x6: {  	_ = 	snop  }
0x7: {  	_ = 	snop  }
__scs_overlays_trampoline_lowered:
0x8: {  	[smem:$0x3F9E] =	sst s0  }
0x9: {  	[smem:$0x3F9F] =	sst s1  }
0xa: {  	[smem:$0x3FA0] =	sst s2  }
0xb: {  	[smem:$0x3FA1] =	sst s3  }
0xc: {  	[smem:$0x3FA2] =	sst s4  }
0xd: {  	[smem:$0x3FA3] =	sst s5  }
0xe: {  	[smem:$0x3FA4] =	sst s6  }
0xf: {  	[smem:$0x3FA5] =	sst s7  }
0x10: {  	[smem:$0x3FA6] =	sst s8  }
0x11: {  	[smem:$0x3FA7] =	sst s9;
	s0 =	simm.s32 @!p0 $0x0  }
0x12: {  	s1 =	sld [smem:$0x3F8D];
	s0 =	simm.s32 @p0 $0x1  }
0x13: {  	[smem:$0x3FA8] =	sst s0;
	s0 =	simm.s32 @!p1 $0x0  }
0x14: {  	s2 =	sld [smem:$0x3F8C];
	s0 =	simm.s32 @p1 $0x1  }
0x15: {  	[smem:$0x3FA9] =	sst s0;
	s0 =	simm.s32 @!p2 $0x0  }
0x16: {  	s3 =	sld [smem:$0x3FDB];
	s0 =	simm.s32 @p2 $0x1  }
0x17: {  	s4 =	simm.s32 $0x1BF5;
	[smem:$0x3FAB] =	sst s0  }
0x18: {  	s0 =	sld [smem:$0x3F8E];
	_ =	swait.ge [sflag:s4], $0x0  }
0x19: {  	s7 =	sld [smem:$0x3F8F]  }
0x1a: {  	s8 =	sadd.s32 $0xFFFFE003, lr  }
0x1b: {  	s9 =	sadd.s32 $0xFFFFFEF7, lr;
	s5 =	simm.s32 $0xFFFFFFFF;
	p2 =	slt.u32 s8, $0xFFFFF086  }
0x1c: {  	p1 =	slt.u32 s9, $0xF7A;
	s5 =	simm.s32 @!p2 $0x0  }
0x1d: {  	s5 =	simm.s32 @p1 $0x1;
	p0 =	seq.s32 s7, s2  }
0x1e: {  	s7 =	smul.u32 @!p0 $0xF7A, s2;
	p2 =	seq.s32 @!p0 s5, $0x0  }
0x1f: {  	s9 =	smul.u32 $0xF7A, s1;
	s8 =	simm.s32 @!p0 $0x1BF5;
	p2 =	por !p2, p0  }
0x20: {  	[sflag:s8] =	ssyncset.s32 @!p0 $0xFFFFF086;
	s6 =	sadd.s32 @!p0 s3, s7;
	s7 =	simm.s32 @!p0 $0x108  }
0x21: {  	s3 =	sadd.s32 s3, s9;
	s6 =	sadd.s32 @!p0 $0x88, s6;
	s7 =	simm.s32 @p2 $0x1082  }
0x22: {  	[simem:s7], [sflag:s8] =	dma.local @!p0 [hbm:s6], $0xF7A  }
0x23: {  	s9 =	sor.u32 $0xD0000000, s2;
	s6 =	simm.s32 $0x108;
	_ =	swait.ge @!p0 [sflag:s8], $0x0  }
0x24: {  	s3 =	sadd.s32 $0x88, s3;
	s6 =	simm.s32 @!p1 $0x1082;
	[sflag:s4] =	ssyncset.s32 $0xFFFFF086  }
0x25: {  	[simem:s6], [sflag:s4] =	dma.local [hbm:s3], $0xF7A  }
0x26: {  	[smem:$0x3F8F] =	sst s1;
	(tag) =	ssettag s2;
	_ =	strace s9  }
0x27: {  	s1 =	sld [smem:$0x3F9F]  }
0x28: {  	s2 =	sld [smem:$0x3FA0]  }
0x29: {  	s4 =	sld [smem:$0x3FA2]  }
0x2a: {  	p0 =	seq.s32 s5, $0x0;
	s5 =	sld [smem:$0x3FA3]  }
0x2b: {  	s6 =	sld [smem:$0x3FA4]  }
0x2c: {  	s7 =	sld [smem:$0x3FA5]  }
0x2d: {  	s3 =	simm.s32 $0x108;
	s8 =	sld [smem:$0x3FA6]  }
0x2e: {  	s3 =	simm.s32 @!p0 $0x1082;
	s9 =	sld [smem:$0x3FA7]  }
0x2f: {  	lr =	sadd.s32 s0, s3;
	s0 =	sld [smem:$0x3F9E]  }
0x30: {  	s3 =	sld [smem:$0x3FA1]  }
0x31: {  	[smem:$0x3FAA] =	sst s10  }
0x32: {  	s10 =	sld [smem:$0x3FA8];
	_ =	sdelay $0x3  }
0x33: {  	p0 =	seq.s32 s10, $0x1;
	s10 =	sld [smem:$0x3FAA];
	_ =	sdelay $0x3  }
0x34: {  	[smem:$0x3FAA] =	sst s10  }
0x35: {  	s10 =	sld [smem:$0x3FA9];
	_ =	sdelay $0x3  }
0x36: {  	p1 =	seq.s32 s10, $0x1;
	s10 =	sld [smem:$0x3FAA];
	_ =	sdelay $0x3  }
0x37: {  	[smem:$0x3FAA] =	sst s10  }
0x38: {  	s10 =	sld [smem:$0x3FAB]  }
0x39: {  	_ = 	snop;
	(pc) =	sbr.ind lr, $3  }
0x3a: {  	_ = 	snop  }
0x3b: {  	_ = 	snop  }
0x3c: {  	p2 =	seq.s32 s10, $0x1;
	s10 =	sld [smem:$0x3FAA]  }
0x3d: {  	_ =	shalt  }
0x3e: {  	_ =	shalt  }
0x3f: {  	_ =	shalt  }
0x40: {  	_ =	shalt  }
0x41: {  	_ =	shalt  }
0x42: {  	_ =	shalt  }
0x43: {  	_ =	shalt  }
0x44: {  	_ =	shalt  }
0x45: {  	_ =	shalt  }
0x46: {  	_ =	shalt  }
0x47: {  	_ =	shalt  }
0x48: {  	_ =	shalt  }
0x49: {  	_ =	shalt  }
0x4a: {  	_ =	shalt  }
0x4b: {  	_ =	shalt  }
0x4c: {  	_ =	shalt  }
0x4d: {  	_ =	shalt  }
0x4e: {  	_ =	shalt  }
0x4f: {  	_ =	shalt  }
0x50: {  	_ =	shalt  }
0x51: {  	_ =	shalt  }
0x52: {  	_ =	shalt  }
0x53: {  	_ =	shalt  }
0x54: {  	_ =	shalt  }
0x55: {  	_ =	shalt  }
0x56: {  	_ =	shalt  }
0x57: {  	_ =	shalt  }
0x58: {  	_ =	shalt  }
0x59: {  	_ =	shalt  }
0x5a: {  	_ =	shalt  }
0x5b: {  	_ =	shalt  }
0x5c: {  	_ =	shalt  }
0x5d: {  	_ =	shalt  }
0x5e: {  	_ =	shalt  }
0x5f: {  	_ =	shalt  }
0x60: {  	_ =	shalt  }
0x61: {  	_ =	shalt  }
0x62: {  	_ =	shalt  }
0x63: {  	_ =	shalt  }
0x64: {  	_ =	shalt  }
0x65: {  	_ =	shalt  }
0x66: {  	_ =	shalt  }
0x67: {  	_ =	shalt  }
0x68: {  	_ =	shalt  }
0x69: {  	_ =	shalt  }
0x6a: {  	_ =	shalt  }
0x6b: {  	_ =	shalt  }
0x6c: {  	_ =	shalt  }
0x6d: {  	_ =	shalt  }
0x6e: {  	_ =	shalt  }
0x6f: {  	_ =	shalt  }
0x70: {  	_ =	shalt  }
0x71: {  	_ =	shalt  }
0x72: {  	_ =	shalt  }
0x73: {  	_ =	shalt  }
0x74: {  	_ =	shalt  }
0x75: {  	_ =	shalt  }
0x76: {  	_ =	shalt  }
0x77: {  	_ =	shalt  }
0x78: {  	_ =	shalt  }
0x79: {  	_ =	shalt  }
0x7a: {  	_ =	shalt  }
0x7b: {  	_ =	shalt  }
0x7c: {  	_ =	shalt  }
0x7d: {  	_ =	shalt  }
0x7e: {  	_ =	shalt  }
0x7f: {  	_ =	shalt  }
0x80: {  	_ =	shalt  }
0x81: {  	_ =	shalt  }
0x82: {  	_ =	shalt  }
0x83: {  	_ =	shalt  }
0x84: {  	_ =	shalt  }
0x85: {  	_ =	shalt  }
0x86: {  	_ =	shalt  }
0x87: {  	_ =	shalt  }
.Lfunc_end0:
.L_simem_size_0:
called_computation_lowered:
.L_overlay_start_0:
0x88: {  	s2 =	sld [smem:$0x3FD9]  }
0x89: {  	s3 =	sld [smem:$0x3FFE];
	_ =	sdelay $0x1  }
0x8a: {  	s1 =	srdreg.scid  }
0x8b: {  	s0 =	sand.u32 $0x1, s1  }
0x8c: {  	s17 =	sshll.u32 s0, $0xA;
	s2 =	sadd.s32 s3, s2  }
0x8d: {  	s2 =	sadd.s32 s2, s17  }
0x8e: {  	[smem:$0x3FB6] =	sst s2  }
0x8f: {  	_ = 	snop  }
0x90: {  	s18 =	sld [smem:$0x3FD0];
	(tm) =	ssettm $0x1  }
0x91: {  	s19 =	sld [smem:$0x3FFB];
	_ =	sdelay $0x3  }
0x92: {  	_ =	strace s19  }
0x93: {  	s2 =	sld [smem:$0x3FFC];
	_ =	sdelay $0x3  }
0x94: {  	_ =	strace s2  }
0x95: {  	s2 =	sld [smem:$0x3FFD];
	_ =	sdelay $0x3  }
0x96: {  	_ =	strace s2  }
0x97: {  	_ =	strace $0x8FFFFFFF  }
0x98: {  	s20 =	sld [smem:$0x3FDB];
	_ =	sdelay $0x1  }
0x99: {  	s4 =	simm.s32 $_scs_section_size  }
0x9a: {  	s5 =	simm.s32 $_size__tile_overlayer_lowered;
	s6 =	simm.s32 $_tile_overlayer_lowered  }
0x9b: {  	s7 =	simm.s32 $0x1BFF;
	s21 =	sshll.u32 s6, $0x1;
	s4 =	sadd.s32 s4, s20  }
0x9c: {  	s22 =	simm.s32 $0x0;
	s5 =	sshll.u32 s5, $0x1;
	s6 =	sadd.s32 s21, s4  }
0x9d: {  	[timem:s22], [sflag:s7] =	dma.local [hbm:s6], s5  }
0x9e: {  	_ =	swait.ge [sflag:s7], s5  }
0x9f: {  	s5 =	ssub.s32 $0x0, s5;
	[sflag:s7] =	ssyncset.done $0x0  }
0xa0: {  	[sflag:s7] =	ssyncadd.s32 s5;
	_ =	sdelay $0x1  }
0xa1: {  	s23 =	simm.s32 $0x1B8B  }
0xa2: {  	_ =	swait.ge [sflag:s23], $0x1  }
0xa3: {  	[sflag:s23] =	ssyncset.done $0x0  }
0xa4: {  	[sflag:s23] =	ssyncadd.s32 $0xFFFFFFFF  }
0xa5: {  	s5 =	sld [smem:$0x0]  }
0xa6: {  	s6 =	sand.u32 $0xFFFFFFFE, s1  }
0xa7: {  	p0 =	sne.s32 s1, s6  }
0xa8: {  	s6 =	sshll.u32 @p0 s6, $0xE  }
0xa9: {  	s6 =	sadd.s32 @p0 $0x11B8D, s6;
	s7 =	sshll.u32 @p0 s5, $0x11  }
0xaa: {  	s6 =	sor.u32 @p0 s7, s6  }
0xab: {  	[sflag:s6] =	ssyncadd.remote.s32 @p0 $0x1;
	_ =	sdelay $0x1  }
0xac: {  	s6 =	simm.s32 @p0 $0x1B8D  }
0xad: {  	_ =	swait.eq @p0 [sflag:s6], $0x1  }
0xae: {  	[sflag:s6] =	ssyncadd.s32 @p0 $0xFFFFFFFF  }
0xaf: {  	s7 =	sshll.u32 @!p0 s1, $0xE  }
0xb0: {  	s7 =	sor.u32 @!p0 $0x4000, s7;
	s6 =	simm.s32 @!p0 $0x1B8D  }
0xb1: {  	s5 =	sshll.u32 @!p0 s5, $0x11;
	s7 =	sadd.s32 @!p0 $0x11B8D, s7;
	_ =	swait.eq @!p0 [sflag:s6], $0x1  }
0xb2: {  	s5 =	sor.u32 @!p0 s5, s7;
	[sflag:s6] =	ssyncadd.s32 @!p0 $0xFFFFFFFF  }
0xb3: {  	s25 =	simm.s32 $0x1B8E;
	s24 =	sld [smem:$0x3FFE];
	[sflag:s5] =	ssyncadd.remote.s32 @!p0 $0x1  }
0xb4: {  	s26 =	simm.s32 $execute0_lowered;
	[smem:$0x3FD2] =	sst s25  }
0xb5: {  	s6 =	sshll.u32 s26, $0x1;
	_ =	strace $0x80000049;
	[dreg:$0x1] =	wrdreg $0xFFFFFFFF  }
0xb6: {  	s28 =	simm.s32 $_size_execute0_lowered;
	s4 =	sadd.s32 s4, s6;
	[dreg:$0x0] =	wrdreg $0x0  }
0xb7: {  	s6 =	sshll.u32 s28, $0x1;
	[dreg:$0x2] =	wrdreg s4  }
0xb8: {  	[dreg:$0x3] =	wrdreg s6  }
0xb9: {  	[dreg:$0x4] =	wrdreg $0xC0  }
0xba: {  	_ =	task [dreg:s22], $0x5FFFF  }
0xbb: {  	[dreg:$0x1] =	wrdreg $0xFFFFFFFF  }
0xbc: {  	[dreg:$0x0] =	wrdreg $0x60  }
0xbd: {  	[dreg:$0x2] =	wrdreg s18  }
0xbe: {  	[dreg:$0x3] =	wrdreg s24  }
0xbf: {  	[dreg:$0x4] =	wrdreg $0x65900  }
0xc0: {  	[dreg:$0x5] =	wrdreg $0x9  }
0xc1: {  	_ =	task.clear_ibuf [dreg:s22], $0x6FFFF;
	_ =	strace $0x90000049  }
0xc2: {  	s29 =	simm.s32 $0x9;
	_ =	strace $0x8000004B  }
0xc3: {  	_ =	swait.ge [sflag:s29], $0x1  }
0xc4: {  	[sflag:s29] =	ssyncadd.s32 $0xFFFFFFFF  }
0xc5: {  	_ =	strace $0x9000004B  }
0xc6: {  	_ =	sfence  }
0xc7: {  	s30 =	sld [smem:$0x0];
	_ =	sdelay $0x2  }
0xc8: {  	s31 =	sshll.u32 s1, $0xD;
	s1 =	sshrl.u32 s1, $0x2  }
0xc9: {  	s4 =	sand.u32 $0x4000, s31;
	s1 =	sadd.s32 s1, s30  }
0xca: {  	s0 =	sor.u32 s4, s0;
	s1 =	sshll.u32 s1, $0x11  }
0xcb: {  	s0 =	sor.u32 s1, s0  }
0xcc: {  	s0 =	sadd.s32 $0x8F2B, s0  }
0xcd: {  	[sflag:s0] =	ssyncadd.remote.s32 $0x1  }
0xce: {  	_ =	sfence.sel $0xFFFF  }
0xcf: {  	[dreg:$0x0] =	wrdreg $0xFFFFFFFF;
	(pc) =	sbr.abs _section_cstart, $3  }
0xd0: {  	[dreg:$0x1] =	wrdreg $0xFFFFFFFF  }
0xd1: {  	_ =	task.clear_ibuf [dreg:s22], $0x2FFFF;
	_ =	strace $0x9FFFFFFF  }
0xd2: {  	(tm) =	ssettm $0x7FFFFFFF  }
0xd3: {  	_ =	shalt  }
tec
execute0_lowered:
.L_overlay_start_1:
0x0: {  	(tag) =	ssettag $0x1  }
0x1: {  	s9 =	rddreg [dreg:$0x0]  }
0x2: {  	s5 =	rddreg [dreg:$0x1]  }
0x3: {  	s2 =	rddreg [dreg:$0x2];
	s0 =	stileid.u32  }
0x4: {  	s4 =	srdreg.scid;
	s1 =	rddreg [dreg:$0x3]  }
0x5: {  	s3 =	simm.s32 $0x0;
	s6 =	smul.u32 $0xA000, s0;
	s7 =	sand.u32 $0x1, s4  }
0x6: {  	[smem:$0x7FF] =	sst s3;
	s4 =	sadd.s32 $0x5F600, s5;
	s12 =	smul.u32 $0x4E20, s0  }
0x7: {  	s30 =	sshll.u32 s0, $0x6;
	s8 =	smul.u32 $0xA0000, s7;
	_ =	strace $0x8000004A  }
0x8: {  	s11 =	ssub.s32 $0x2, s7;
	s7 =	smul.u32 $0x2710, s7;
	s28 =	sshrl.u32 s6, $0x3  }
0x9: {  	s13 =	sshrl.u32 s11, $0x1;
	s29 =	sadd.s32 s6, s2;
	s10 =	sadd.s32 s28, s5  }
0xa: {  	s8 =	sadd.s32 s6, s8;
	s11 =	ssub.s32 s11, s13;
	s31 =	sadd.s32 s7, s12  }
0xb: {  	s6 =	sor.u32 $0x1C01, s30;
	s12 =	simm.s32 $0x190;
	s8 =	sshrl.u32 s8, $0x3  }
0xc: {  	s13 =	simm.s32 $0x0;
	s8 =	sadd.s32 s8, s5;
	s5 =	sadd.s32 $0x23600, s10  }
0xd: {  	s10 =	sshrl.u32 s31, $0x3;
	s7 =	sadd.s32 $0x60400, s8;
	s8 =	smax.u32 s11, $0x1  }
0xe: {  	s9 =	sadd.s32 s10, s9;
	s10 =	sshrl.u32 s29, $0x3;
	s11 =	simm.s32 $0x1  }
.LBB2_1:
0xf: {  	[spmem:s10], [sflag:s6] =	dma.local [hbm:s5], $0x1400  }
0x10: {  	_ =	swait.ge [sflag:s11], $0x1400  }
0x11: {  	[sflag:s11] =	ssyncset.done $0x0  }
0x12: {  	[sflag:s11] =	ssyncadd.s32 $0xFFFFEC00  }
0x13: {  	[tilespmem:s12], [sflag:$0x1] =	stream.linear.gather [hbm4b:s4+s3], $0x6400, $0x38;
	[tilespmem:$0x10590] =	vst v63  }
0x14: {  	_ =	swait.ge [sflag:s11], $0x6400  }
0x15: {  	[sflag:s11] =	ssyncset.done $0x0  }
0x16: {  	[sflag:s11] =	ssyncadd.s32 $0xFFFF9C00  }
0x17: {  	s14 =	sadd.s32 $0x0, s9;
	[bflag:$0x0] =	sbarrier.arrive $0xFFFF  }
0x18: {  	[tilespmem:s3], [sflag:$0x1] =	stream.linear.gather [hbm4b:s14+s3], $0x190, $0x38;
	[tilespmem:$0x10590] =	vst v63  }
0x19: {  	_ =	swait.ge [sflag:s11], $0x190  }
0x1a: {  	[sflag:s11] =	ssyncset.done $0x0  }
0x1b: {  	[sflag:s11] =	ssyncadd.s32 $0xFFFFFE70  }
0x1c: {  	[spmem:s2] =	stream.indirect.scatter.add.f32 [tilespmem:s12], [sflag:$0x1], $0x40, s3, s12, $0xb8;
	[tilespmem:$0x10590] =	vst v63  }
0x1d: {  	_ =	swait.ge [sflag:s11], $0x6400  }
0x1e: {  	s15 =	simm.s32 $0x64;
	s14 =	simm.s32 $0x32;
	[sflag:s11] =	ssyncset.done $0x0  }
.LBB2_2:
0x1f: {  	s16 =	sadd.s32 s14, s9  }
0x20: {  	[sflag:s11] =	ssyncadd.s32 $0xFFFF9C00;
	s14 =	smov.u32 s15;
	s17 =	sadd.s32 $0x32, s15  }
0x21: {  	[tilespmem:s3], [sflag:$0x1] =	stream.linear.gather [hbm4b:s16+s3], $0x190, $0x38;
	[tilespmem:$0x10590] =	vst v63  }
0x22: {  	p0 =	sne.s32 s15, $0x4B0;
	_ =	swait.ge [sflag:s11], $0x190  }
.Ltmp0:
0x23: {  	[sflag:s11] =	ssyncset.done $0x0;
	(pc) =	sbr.rel @p0 .LBB2_2-.Ltmp0, $4  }
0x24: {  	[sflag:s11] =	ssyncadd.s32 $0xFFFFFE70  }
0x25: {  	[spmem:s2] =	stream.indirect.scatter.add.f32 [tilespmem:s12], [sflag:$0x1], $0x40, s3, s12, $0xb8;
	[tilespmem:$0x10590] =	vst v63  }
0x26: {  	_ =	swait.ge [sflag:s11], $0x6400  }
0x27: {  	s15 =	smov.u32 s17;
	[sflag:s11] =	ssyncset.done $0x0  }
0x28: {  	s14 =	sadd.s32 s14, s9;
	[sflag:s11] =	ssyncadd.s32 $0xFFFF9C00  }
0x29: {  	[tilespmem:s3], [sflag:$0x1] =	stream.linear.gather [hbm4b:s14+s3], $0x190, $0x38;
	[tilespmem:$0x10590] =	vst v63  }
0x2a: {  	_ =	swait.ge [sflag:s11], $0x190  }
0x2b: {  	[sflag:s11] =	ssyncset.done $0x0  }
0x2c: {  	[sflag:s11] =	ssyncadd.s32 $0xFFFFFE70  }
0x2d: {  	[spmem:s2] =	stream.indirect.scatter.add.f32 [tilespmem:s12], [sflag:$0x1], $0x40, s3, s12, $0xb8;
	[tilespmem:$0x10590] =	vst v63  }
0x2e: {  	_ =	swait.ge [sflag:s11], $0x6400  }
0x2f: {  	s13 =	sadd.s32 $0x1, s13;
	[sflag:s11] =	ssyncset.done $0x0  }
0x30: {  	p0 =	sne.s32 s13, s8;
	[sflag:s11] =	ssyncadd.s32 $0xFFFF9C00  }
.Ltmp1:
0x31: {  	[bflag:$0x0] =	sbarrier.arrive $0xFFFF;
	(pc) =	sbr.rel @p0 .LBB2_1-.Ltmp1, $4  }
0x32: {  	[hbm:s7], [sflag:s6] =	dma.local [spmem:s10], $0x1400  }
0x33: {  	_ =	swait.ge [sflag:s11], $0x1400  }
0x34: {  	[sflag:s11] =	ssyncset.done $0x0  }
0x35: {  	[sflag:s11] =	ssyncadd.s32 $0xFFFFEC00  }
0x36: {  	_ =	sfence.sel $0x180000  }
0x37: {  	[bflag:$0x0] =	sbarrier.arrive $0xFFFF  }
0x38: {  	p0 =	sne.s32 s0, $0x0;
	_ =	strace $0x9000004A  }
0x39: {  	s0 =	sadd.s32 @!p0 $0x100000, s1;
	[bflag:$0x2] =	sbarrier.arrive $0xFFFF  }
0x3a: {  	[sflag:s0] =	ssyncadd.tile.s32 @!p0 $0x1;
	_ =	shalt  }
.Lfunc_end2:
_tile_overlayer_lowered:
.L_overlay_start_2:
0x3b: {  	(tag) =	ssettag $0x2  }
0x3c: {  	s0 =	rddreg [dreg:$0x0];
	s2 =	stileid.u32  }
0x3d: {  	s1 =	rddreg [dreg:$0x1];
	p0 =	sne.s32 s2, $0x0  }
0x3e: {  	s3 =	rddreg [dreg:$0x2];
	[bflag:$0x3] =	sbarrier.arrive $0xFFFF;
	s2 =	simm.s32 @!p0 $0x1C01  }
0x3f: {  	[timem:s3], [sflag:s2] =	dma.local @!p0 [hbm:s0], s1  }
0x40: {  	s0 =	simm.s32 @!p0 $0x1  }
0x41: {  	_ =	swait.ge @!p0 [sflag:s0], s1  }
0x42: {  	s1 =	ssub.s32 @!p0 $0x0, s1;
	[sflag:s0] =	ssyncset.done @!p0 $0x0  }
0x43: {  	[sflag:s0] =	ssyncadd.s32 @!p0 s1  }
0x44: {  	[bflag:$0x3] =	sbarrier.arrive $0xFFFF  }
0x45: {  	_ =	shalt  }

// kernel: kernel.15.cloned.1.call-start
scs
__scs_entry_jumppad:
0x0: {  	(pc) =	sbr.rel $0x88, $3  }
0x1: {  	(tag) =	ssettag $0x0;
	lr =	simm.s32 $0x1  }
0x2: {  	[smem:$0x3F8F] =	sst lr;
	_ =	strace $0xD0000000  }
0x3: {  	_ = 	snop  }
0x4: {  	_ = 	snop  }
0x5: {  	_ = 	snop  }
0x6: {  	_ = 	snop  }
0x7: {  	_ = 	snop  }
__scs_overlays_trampoline_lowered:
0x8: {  	[smem:$0x3F9E] =	sst s0  }
0x9: {  	[smem:$0x3F9F] =	sst s1  }
0xa: {  	[smem:$0x3FA0] =	sst s2  }
0xb: {  	[smem:$0x3FA1] =	sst s3  }
0xc: {  	[smem:$0x3FA2] =	sst s4  }
0xd: {  	[smem:$0x3FA3] =	sst s5  }
0xe: {  	[smem:$0x3FA4] =	sst s6  }
0xf: {  	[smem:$0x3FA5] =	sst s7  }
0x10: {  	[smem:$0x3FA6] =	sst s8  }
0x11: {  	[smem:$0x3FA7] =	sst s9;
	s0 =	simm.s32 @!p0 $0x0  }
0x12: {  	s1 =	sld [smem:$0x3F8D];
	s0 =	simm.s32 @p0 $0x1  }
0x13: {  	[smem:$0x3FA8] =	sst s0;
	s0 =	simm.s32 @!p1 $0x0  }
0x14: {  	s2 =	sld [smem:$0x3F8C];
	s0 =	simm.s32 @p1 $0x1  }
0x15: {  	[smem:$0x3FA9] =	sst s0;
	s0 =	simm.s32 @!p2 $0x0  }
0x16: {  	s3 =	sld [smem:$0x3FDB];
	s0 =	simm.s32 @p2 $0x1  }
0x17: {  	s4 =	simm.s32 $0x1BF5;
	[smem:$0x3FAB] =	sst s0  }
0x18: {  	s0 =	sld [smem:$0x3F8E];
	_ =	swait.ge [sflag:s4], $0x0  }
0x19: {  	s7 =	sld [smem:$0x3F8F]  }
0x1a: {  	s8 =	sadd.s32 $0xFFFFE003, lr  }
0x1b: {  	s9 =	sadd.s32 $0xFFFFFEF7, lr;
	s5 =	simm.s32 $0xFFFFFFFF;
	p2 =	slt.u32 s8, $0xFFFFF086  }
0x1c: {  	p1 =	slt.u32 s9, $0xF7A;
	s5 =	simm.s32 @!p2 $0x0  }
0x1d: {  	s5 =	simm.s32 @p1 $0x1;
	p0 =	seq.s32 s7, s2  }
0x1e: {  	s7 =	smul.u32 @!p0 $0xF7A, s2;
	p2 =	seq.s32 @!p0 s5, $0x0  }
0x1f: {  	s9 =	smul.u32 $0xF7A, s1;
	s8 =	simm.s32 @!p0 $0x1BF5;
	p2 =	por !p2, p0  }
0x20: {  	[sflag:s8] =	ssyncset.s32 @!p0 $0xFFFFF086;
	s6 =	sadd.s32 @!p0 s3, s7;
	s7 =	simm.s32 @!p0 $0x108  }
0x21: {  	s3 =	sadd.s32 s3, s9;
	s6 =	sadd.s32 @!p0 $0x88, s6;
	s7 =	simm.s32 @p2 $0x1082  }
0x22: {  	[simem:s7], [sflag:s8] =	dma.local @!p0 [hbm:s6], $0xF7A  }
0x23: {  	s9 =	sor.u32 $0xD0000000, s2;
	s6 =	simm.s32 $0x108;
	_ =	swait.ge @!p0 [sflag:s8], $0x0  }
0x24: {  	s3 =	sadd.s32 $0x88, s3;
	s6 =	simm.s32 @!p1 $0x1082;
	[sflag:s4] =	ssyncset.s32 $0xFFFFF086  }
0x25: {  	[simem:s6], [sflag:s4] =	dma.local [hbm:s3], $0xF7A  }
0x26: {  	[smem:$0x3F8F] =	sst s1;
	(tag) =	ssettag s2;
	_ =	strace s9  }
0x27: {  	s1 =	sld [smem:$0x3F9F]  }
0x28: {  	s2 =	sld [smem:$0x3FA0]  }
0x29: {  	s4 =	sld [smem:$0x3FA2]  }
0x2a: {  	p0 =	seq.s32 s5, $0x0;
	s5 =	sld [smem:$0x3FA3]  }
0x2b: {  	s6 =	sld [smem:$0x3FA4]  }
0x2c: {  	s7 =	sld [smem:$0x3FA5]  }
0x2d: {  	s3 =	simm.s32 $0x108;
	s8 =	sld [smem:$0x3FA6]  }
0x2e: {  	s3 =	simm.s32 @!p0 $0x1082;
	s9 =	sld [smem:$0x3FA7]  }
0x2f: {  	lr =	sadd.s32 s0, s3;
	s0 =	sld [smem:$0x3F9E]  }
0x30: {  	s3 =	sld [smem:$0x3FA1]  }
0x31: {  	[smem:$0x3FAA] =	sst s10  }
0x32: {  	s10 =	sld [smem:$0x3FA8];
	_ =	sdelay $0x3  }
0x33: {  	p0 =	seq.s32 s10, $0x1;
	s10 =	sld [smem:$0x3FAA];
	_ =	sdelay $0x3  }
0x34: {  	[smem:$0x3FAA] =	sst s10  }
0x35: {  	s10 =	sld [smem:$0x3FA9];
	_ =	sdelay $0x3  }
0x36: {  	p1 =	seq.s32 s10, $0x1;
	s10 =	sld [smem:$0x3FAA];
	_ =	sdelay $0x3  }
0x37: {  	[smem:$0x3FAA] =	sst s10  }
0x38: {  	s10 =	sld [smem:$0x3FAB]  }
0x39: {  	_ = 	snop;
	(pc) =	sbr.ind lr, $3  }
0x3a: {  	_ = 	snop  }
0x3b: {  	_ = 	snop  }
0x3c: {  	p2 =	seq.s32 s10, $0x1;
	s10 =	sld [smem:$0x3FAA]  }
0x3d: {  	_ =	shalt  }
0x3e: {  	_ =	shalt  }
0x3f: {  	_ =	shalt  }
0x40: {  	_ =	shalt  }
0x41: {  	_ =	shalt  }
0x42: {  	_ =	shalt  }
0x43: {  	_ =	shalt  }
0x44: {  	_ =	shalt  }
0x45: {  	_ =	shalt  }
0x46: {  	_ =	shalt  }
0x47: {  	_ =	shalt  }
0x48: {  	_ =	shalt  }
0x49: {  	_ =	shalt  }
0x4a: {  	_ =	shalt  }
0x4b: {  	_ =	shalt  }
0x4c: {  	_ =	shalt  }
0x4d: {  	_ =	shalt  }
0x4e: {  	_ =	shalt  }
0x4f: {  	_ =	shalt  }
0x50: {  	_ =	shalt  }
0x51: {  	_ =	shalt  }
0x52: {  	_ =	shalt  }
0x53: {  	_ =	shalt  }
0x54: {  	_ =	shalt  }
0x55: {  	_ =	shalt  }
0x56: {  	_ =	shalt  }
0x57: {  	_ =	shalt  }
0x58: {  	_ =	shalt  }
0x59: {  	_ =	shalt  }
0x5a: {  	_ =	shalt  }
0x5b: {  	_ =	shalt  }
0x5c: {  	_ =	shalt  }
0x5d: {  	_ =	shalt  }
0x5e: {  	_ =	shalt  }
0x5f: {  	_ =	shalt  }
0x60: {  	_ =	shalt  }
0x61: {  	_ =	shalt  }
0x62: {  	_ =	shalt  }
0x63: {  	_ =	shalt  }
0x64: {  	_ =	shalt  }
0x65: {  	_ =	shalt  }
0x66: {  	_ =	shalt  }
0x67: {  	_ =	shalt  }
0x68: {  	_ =	shalt  }
0x69: {  	_ =	shalt  }
0x6a: {  	_ =	shalt  }
0x6b: {  	_ =	shalt  }
0x6c: {  	_ =	shalt  }
0x6d: {  	_ =	shalt  }
0x6e: {  	_ =	shalt  }
0x6f: {  	_ =	shalt  }
0x70: {  	_ =	shalt  }
0x71: {  	_ =	shalt  }
0x72: {  	_ =	shalt  }
0x73: {  	_ =	shalt  }
0x74: {  	_ =	shalt  }
0x75: {  	_ =	shalt  }
0x76: {  	_ =	shalt  }
0x77: {  	_ =	shalt  }
0x78: {  	_ =	shalt  }
0x79: {  	_ =	shalt  }
0x7a: {  	_ =	shalt  }
0x7b: {  	_ =	shalt  }
0x7c: {  	_ =	shalt  }
0x7d: {  	_ =	shalt  }
0x7e: {  	_ =	shalt  }
0x7f: {  	_ =	shalt  }
0x80: {  	_ =	shalt  }
0x81: {  	_ =	shalt  }
0x82: {  	_ =	shalt  }
0x83: {  	_ =	shalt  }
0x84: {  	_ =	shalt  }
0x85: {  	_ =	shalt  }
0x86: {  	_ =	shalt  }
0x87: {  	_ =	shalt  }
.Lfunc_end0:
.L_simem_size_0:
called_computation.1_lowered:
.L_overlay_start_0:
0x88: {  	s2 =	sld [smem:$0x3FD9]  }
0x89: {  	s3 =	sld [smem:$0x3FFE];
	_ =	sdelay $0x1  }
0x8a: {  	s1 =	srdreg.scid  }
0x8b: {  	s0 =	sand.u32 $0x1, s1  }
0x8c: {  	s17 =	sshll.u32 s0, $0xA;
	s2 =	sadd.s32 s3, s2  }
0x8d: {  	s2 =	sadd.s32 s2, s17  }
0x8e: {  	[smem:$0x3FB6] =	sst s2  }
0x8f: {  	_ = 	snop  }
0x90: {  	s2 =	sld [smem:$0x3FD0];
	(tm) =	ssettm $0x1  }
0x91: {  	s18 =	sld [smem:$0x3FFB];
	_ =	sdelay $0x3  }
0x92: {  	_ =	strace s18  }
0x93: {  	s3 =	sld [smem:$0x3FFC];
	_ =	sdelay $0x3  }
0x94: {  	_ =	strace s3  }
0x95: {  	s3 =	sld [smem:$0x3FFD];
	_ =	sdelay $0x3  }
0x96: {  	_ =	strace s3  }
0x97: {  	_ =	strace $0x8FFFFFFF  }
0x98: {  	s19 =	sld [smem:$0x3FDB];
	_ =	sdelay $0x1  }
0x99: {  	s4 =	simm.s32 $_scs_section_size  }
0x9a: {  	s5 =	simm.s32 $_size__tile_overlayer_lowered;
	s6 =	simm.s32 $_tile_overlayer_lowered  }
0x9b: {  	s22 =	simm.s32 $0x1BFF;
	s21 =	sshll.u32 s6, $0x1;
	s3 =	sadd.s32 s4, s19  }
0x9c: {  	s7 =	simm.s32 $0x0;
	s20 =	sshll.u32 s5, $0x1;
	s5 =	sadd.s32 s21, s3  }
0x9d: {  	[timem:s7], [sflag:s22] =	dma.local [hbm:s5], s20  }
0x9e: {  	_ =	swait.ge [sflag:s22], s20  }
0x9f: {  	s4 =	ssub.s32 $0x0, s20;
	[sflag:s22] =	ssyncset.done $0x0  }
0xa0: {  	[sflag:s22] =	ssyncadd.s32 s4;
	_ =	sdelay $0x1  }
0xa1: {  	s23 =	simm.s32 $0x1B8B  }
0xa2: {  	_ =	swait.ge [sflag:s23], $0x1  }
0xa3: {  	[sflag:s23] =	ssyncset.done $0x0  }
0xa4: {  	s25 =	simm.s32 $0x1B8E;
	s24 =	sld [smem:$0x3FFE];
	[sflag:s23] =	ssyncadd.s32 $0xFFFFFFFF  }
0xa5: {  	s26 =	simm.s32 $execute0_lowered;
	[smem:$0x3FD2] =	sst s25  }
0xa6: {  	s5 =	sshll.u32 s26, $0x1;
	_ =	strace $0x80000046;
	[dreg:$0x1] =	wrdreg $0xFFFFFFFF  }
0xa7: {  	s28 =	simm.s32 $_size_execute0_lowered;
	s3 =	sadd.s32 s3, s5;
	[dreg:$0x0] =	wrdreg $0x0  }
0xa8: {  	s5 =	sshll.u32 s28, $0x1;
	[dreg:$0x2] =	wrdreg s3  }
0xa9: {  	[dreg:$0x3] =	wrdreg s5  }
0xaa: {  	[dreg:$0x4] =	wrdreg $0xC0  }
0xab: {  	_ =	task [dreg:s7], $0x5FFFF  }
0xac: {  	[dreg:$0x1] =	wrdreg $0xFFFFFFFF  }
0xad: {  	[dreg:$0x0] =	wrdreg $0x60  }
0xae: {  	[dreg:$0x2] =	wrdreg s24  }
0xaf: {  	[dreg:$0x3] =	wrdreg s2  }
0xb0: {  	[dreg:$0x4] =	wrdreg $0xCE400  }
0xb1: {  	[dreg:$0x5] =	wrdreg $0xA  }
0xb2: {  	_ =	task.clear_ibuf [dreg:s7], $0x6FFFF;
	_ =	strace $0x90000046  }
0xb3: {  	s29 =	simm.s32 $0xA;
	_ =	strace $0x80000048  }
0xb4: {  	_ =	swait.ge [sflag:s29], $0x1  }
0xb5: {  	[sflag:s29] =	ssyncadd.s32 $0xFFFFFFFF  }
0xb6: {  	_ =	strace $0x90000048  }
0xb7: {  	_ =	sfence  }
0xb8: {  	s30 =	sld [smem:$0x0];
	_ =	sdelay $0x2  }
0xb9: {  	s31 =	sshll.u32 s1, $0xD;
	s1 =	sshrl.u32 s1, $0x2  }
0xba: {  	s3 =	sand.u32 $0x4000, s31;
	s1 =	sadd.s32 s1, s30  }
0xbb: {  	s0 =	sor.u32 s3, s0;
	s1 =	sshll.u32 s1, $0x11  }
0xbc: {  	s0 =	sor.u32 s1, s0  }
0xbd: {  	s0 =	sadd.s32 $0x8F2B, s0  }
0xbe: {  	[sflag:s0] =	ssyncadd.remote.s32 $0x1  }
0xbf: {  	_ =	sfence.sel $0xFFFF  }
0xc0: {  	[dreg:$0x0] =	wrdreg $0xFFFFFFFF;
	(pc) =	sbr.abs _section_cstart, $3  }
0xc1: {  	[dreg:$0x1] =	wrdreg $0xFFFFFFFF  }
0xc2: {  	_ =	task.clear_ibuf [dreg:s7], $0x2FFFF;
	_ =	strace $0x9FFFFFFF  }
0xc3: {  	(tm) =	ssettm $0x7FFFFFFF  }
tec
execute0_lowered:
.L_overlay_start_1:
0x0: {  	(tag) =	ssettag $0x1  }
0x1: {  	s7 =	rddreg [dreg:$0x0]  }
0x2: {  	s2 =	rddreg [dreg:$0x1]  }
0x3: {  	s3 =	rddreg [dreg:$0x2]  }
0x4: {  	s4 =	simm.s32 $0x0;
	s1 =	stileid.u32;
	s5 =	srdreg.scid  }
0x5: {  	s17 =	simm.s32 $0x3;
	s18 =	simm.s32 $0x190;
	s19 =	simm.s32 $0x640  }
0x6: {  	s20 =	simm.s32 $0x320;
	s21 =	simm.s32 $0x4B0;
	s22 =	simm.s32 $0x6A40  }
0x7: {  	s23 =	simm.s32 $0x1;
	s24 =	simm.s32 $0x2;
	[smem:$0x7FF] =	sst s4  }
0x8: {  	s8 =	smul.u32 $0xA000, s1;
	s9 =	sand.u32 $0x1, s5;
	s5 =	sadd.s32 $0xFC00, s7  }
0x9: {  	s6 =	sadd.s32 $0x5E00, s7;
	s12 =	sshll.u32 s1, $0x1;
	s26 =	smul.u32 $0x4E20, s1  }
0xa: {  	s28 =	sshll.u32 s1, $0x6;
	_ =	strace $0x80000047;
	s10 =	smul.u32 $0xA0000, s9  }
0xb: {  	s12 =	sor.u32 s9, s12;
	s13 =	ssub.s32 $0x2, s9;
	s15 =	smul.u32 $0x2710, s9  }
0xc: {  	s11 =	sshrl.u32 s8, $0x3;
	s12 =	smul.u32 $0x2710, s12;
	s25 =	sshrl.u32 s13, $0x1  }
0xd: {  	s16 =	sadd.s32 s8, s3;
	s11 =	sadd.s32 s11, s7;
	s10 =	sadd.s32 s8, s10  }
0xe: {  	s13 =	ssub.s32 s13, s25;
	s8 =	sor.u32 $0x1C03, s28;
	s15 =	sadd.s32 s15, s26  }
0xf: {  	s16 =	sshrl.u32 s16, $0x3;
	s25 =	simm.s32 $0x0;
	s10 =	sshrl.u32 s10, $0x3  }
0x10: {  	s29 =	sshrl.u32 s12, $0x3;
	s30 =	sadd.s32 $0x190, s15;
	s12 =	smax.u32 s13, $0x1  }
0x11: {  	s13 =	sadd.s32 $0x320, s15;
	s14 =	sadd.s32 s10, s7;
	s7 =	sadd.s32 $0x23600, s11  }
0x12: {  	s9 =	sadd.s32 s6, s29;
	s10 =	sadd.s32 s2, s29;
	s31 =	sshrl.u32 s30, $0x3  }
0x13: {  	s11 =	sadd.s32 $0x37600, s14;
	s14 =	sadd.s32 s31, s2;
	s15 =	sadd.s32 s31, s6  }
.LBB2_1:
0x14: {  	[spmem:s16], [sflag:s8] =	dma.local [hbm:s7], $0x1400  }
0x15: {  	_ =	swait.ge [sflag:s17], $0x1400  }
0x16: {  	[sflag:s17] =	ssyncset.done $0x0  }
0x17: {  	[sflag:s17] =	ssyncadd.s32 $0xFFFFEC00  }
0x18: {  	[bflag:$0x0] =	sbarrier.arrive $0xFFFF  }
0x19: {  	[tilespmem:s4], [sflag:$0x3] =	stream.linear.gather [hbm4b:s9+s4], $0x190, $0x38;
	[tilespmem:$0x16E40] =	vst v63  }
0x1a: {  	_ =	swait.ge [sflag:s17], $0x190  }
0x1b: {  	[sflag:s17] =	ssyncset.done $0x0  }
0x1c: {  	[sflag:s17] =	ssyncadd.s32 $0xFFFFFE70  }
0x1d: {  	[tilespmem:s18], [sflag:$0x3] =	stream.linear.gather [hbm4b:s10+s4], $0x190, $0x38;
	[tilespmem:$0x16E40] =	vst v63  }
0x1e: {  	_ =	swait.ge [sflag:s17], $0x190  }
0x1f: {  	[sflag:s17] =	ssyncset.done $0x0  }
0x20: {  	[sflag:s17] =	ssyncadd.s32 $0xFFFFFE70  }
0x21: {  	[tilespmem:s19], [sflag:$0x1] =	stream.indirect.gather [hbm4b:s5+s18], $0x40, s4, s18, $0xb8;
	[tilespmem:$0x16E40] =	vst v63  }
0x22: {  	s26 =	sadd.s32 $0x0, s15  }
0x23: {  	[tilespmem:s20], [sflag:$0x3] =	stream.linear.gather [hbm4b:s26+s4], $0x190, $0x38;
	[tilespmem:$0x16E40] =	vst v63  }
0x24: {  	_ =	swait.ge [sflag:s17], $0x190  }
0x25: {  	[sflag:s17] =	ssyncset.done $0x0  }
0x26: {  	s29 =	sadd.s32 $0x0, s14;
	[sflag:s17] =	ssyncadd.s32 $0xFFFFFE70  }
0x27: {  	[tilespmem:s21], [sflag:$0x3] =	stream.linear.gather [hbm4b:s29+s4], $0x190, $0x38;
	[tilespmem:$0x16E40] =	vst v63  }
0x28: {  	_ =	swait.ge [sflag:s17], $0x190  }
0x29: {  	[sflag:s17] =	ssyncset.done $0x0  }
0x2a: {  	[sflag:s17] =	ssyncadd.s32 $0xFFFFFE70  }
0x2b: {  	[tilespmem:s22], [sflag:$0x2] =	stream.indirect.gather [hbm4b:s5+s18], $0x40, s20, s18, $0xb8;
	[tilespmem:$0x16E40] =	vst v63  }
0x2c: {  	_ =	swait.ge [sflag:s23], $0x6400  }
0x2d: {  	[sflag:s23] =	ssyncset.done $0x0  }
0x2e: {  	[sflag:s23] =	ssyncadd.s32 $0xFFFF9C00  }
0x2f: {  	[spmem:s3] =	stream.indirect.scatter.add.f32 [tilespmem:s19], [sflag:$0x3], $0x40, s18, s18, $0xb8;
	[tilespmem:$0x16E40] =	vst v63  }
0x30: {  	_ =	swait.ge [sflag:s17], $0x6400  }
0x31: {  	s31 =	sshrl.u32 s13, $0x3;
	[sflag:s17] =	ssyncset.done $0x0  }
0x32: {  	s28 =	sadd.s32 s6, s31;
	[sflag:s17] =	ssyncadd.s32 $0xFFFF9C00  }
0x33: {  	[tilespmem:s4], [sflag:$0x3] =	stream.linear.gather [hbm4b:s28+s4], $0x190, $0x38;
	[tilespmem:$0x16E40] =	vst v63  }
0x34: {  	_ =	swait.ge [sflag:s17], $0x190  }
0x35: {  	[sflag:s17] =	ssyncset.done $0x0  }
0x36: {  	s26 =	sadd.s32 s2, s31;
	[sflag:s17] =	ssyncadd.s32 $0xFFFFFE70  }
0x37: {  	[tilespmem:s18], [sflag:$0x3] =	stream.linear.gather [hbm4b:s26+s4], $0x190, $0x38;
	[tilespmem:$0x16E40] =	vst v63  }
0x38: {  	_ =	swait.ge [sflag:s17], $0x190  }
0x39: {  	[sflag:s17] =	ssyncset.done $0x0  }
0x3a: {  	[sflag:s17] =	ssyncadd.s32 $0xFFFFFE70  }
0x3b: {  	[tilespmem:s19], [sflag:$0x1] =	stream.indirect.gather [hbm4b:s5+s18], $0x40, s4, s18, $0xb8;
	[tilespmem:$0x16E40] =	vst v63  }
0x3c: {  	_ =	swait.ge [sflag:s24], $0x6400  }
0x3d: {  	[sflag:s24] =	ssyncset.done $0x0  }
0x3e: {  	[sflag:s24] =	ssyncadd.s32 $0xFFFF9C00  }
0x3f: {  	[spmem:s3] =	stream.indirect.scatter.add.f32 [tilespmem:s22], [sflag:$0x3], $0x40, s21, s18, $0xb8;
	[tilespmem:$0x16E40] =	vst v63  }
0x40: {  	s30 =	simm.s32 $0xC8;
	_ =	swait.ge [sflag:s17], $0x6400  }
0x41: {  	s28 =	simm.s32 $0x64;
	s26 =	sadd.s32 $0x320, s13;
	[sflag:s17] =	ssyncset.done $0x0  }
.LBB2_2:
0x42: {  	s31 =	sadd.s32 s28, s15  }
0x43: {  	[sflag:s17] =	ssyncadd.s32 $0xFFFF9C00;
	s0 =	smov.u32 s30;
	s29 =	sadd.s32 $0x64, s30  }
0x44: {  	[tilespmem:s20], [sflag:$0x3] =	stream.linear.gather [hbm4b:s31+s4], $0x190, $0x38;
	[tilespmem:$0x16E40] =	vst v63  }
0x45: {  	p0 =	sne.s32 s30, $0x44C;
	_ =	swait.ge [sflag:s17], $0x190  }
0x46: {  	[sflag:s17] =	ssyncset.done $0x0  }
0x47: {  	s30 =	sadd.s32 s28, s14;
	s28 =	smov.u32 s0;
	[sflag:s17] =	ssyncadd.s32 $0xFFFFFE70  }
0x48: {  	[tilespmem:s21], [sflag:$0x3] =	stream.linear.gather [hbm4b:s30+s4], $0x190, $0x38;
	[tilespmem:$0x16E40] =	vst v63  }
0x49: {  	_ =	swait.ge [sflag:s17], $0x190  }
0x4a: {  	[sflag:s17] =	ssyncset.done $0x0  }
0x4b: {  	[sflag:s17] =	ssyncadd.s32 $0xFFFFFE70  }
0x4c: {  	[tilespmem:s22], [sflag:$0x2] =	stream.indirect.gather [hbm4b:s5+s18], $0x40, s20, s18, $0xb8;
	[tilespmem:$0x16E40] =	vst v63  }
0x4d: {  	_ =	swait.ge [sflag:s23], $0x6400  }
0x4e: {  	[sflag:s23] =	ssyncset.done $0x0  }
0x4f: {  	[sflag:s23] =	ssyncadd.s32 $0xFFFF9C00  }
0x50: {  	[spmem:s3] =	stream.indirect.scatter.add.f32 [tilespmem:s19], [sflag:$0x3], $0x40, s18, s18, $0xb8;
	[tilespmem:$0x16E40] =	vst v63  }
0x51: {  	_ =	swait.ge [sflag:s17], $0x6400  }
0x52: {  	s0 =	sshrl.u32 s26, $0x3;
	[sflag:s17] =	ssyncset.done $0x0  }
0x53: {  	s30 =	sadd.s32 s6, s0;
	[sflag:s17] =	ssyncadd.s32 $0xFFFF9C00  }
0x54: {  	[tilespmem:s4], [sflag:$0x3] =	stream.linear.gather [hbm4b:s30+s4], $0x190, $0x38;
	[tilespmem:$0x16E40] =	vst v63  }
0x55: {  	_ =	swait.ge [sflag:s17], $0x190  }
0x56: {  	[sflag:s17] =	ssyncset.done $0x0  }
0x57: {  	s0 =	sadd.s32 s2, s0;
	[sflag:s17] =	ssyncadd.s32 $0xFFFFFE70  }
0x58: {  	[tilespmem:s18], [sflag:$0x3] =	stream.linear.gather [hbm4b:s0+s4], $0x190, $0x38;
	[tilespmem:$0x16E40] =	vst v63  }
0x59: {  	_ =	swait.ge [sflag:s17], $0x190  }
0x5a: {  	[sflag:s17] =	ssyncset.done $0x0  }
0x5b: {  	[sflag:s17] =	ssyncadd.s32 $0xFFFFFE70  }
0x5c: {  	[tilespmem:s19], [sflag:$0x1] =	stream.indirect.gather [hbm4b:s5+s18], $0x40, s4, s18, $0xb8;
	[tilespmem:$0x16E40] =	vst v63  }
0x5d: {  	_ =	swait.ge [sflag:s24], $0x6400  }
.Ltmp0:
0x5e: {  	[sflag:s24] =	ssyncset.done $0x0;
	(pc) =	sbr.rel @p0 .LBB2_2-.Ltmp0, $4  }
0x5f: {  	[sflag:s24] =	ssyncadd.s32 $0xFFFF9C00  }
0x60: {  	[spmem:s3] =	stream.indirect.scatter.add.f32 [tilespmem:s22], [sflag:$0x3], $0x40, s21, s18, $0xb8;
	[tilespmem:$0x16E40] =	vst v63  }
0x61: {  	_ =	swait.ge [sflag:s17], $0x6400  }
0x62: {  	s26 =	sadd.s32 $0x320, s26;
	s30 =	smov.u32 s29;
	[sflag:s17] =	ssyncset.done $0x0  }
0x63: {  	s0 =	sadd.s32 s28, s15;
	[sflag:s17] =	ssyncadd.s32 $0xFFFF9C00  }
0x64: {  	[tilespmem:s20], [sflag:$0x3] =	stream.linear.gather [hbm4b:s0+s4], $0x190, $0x38;
	[tilespmem:$0x16E40] =	vst v63  }
0x65: {  	_ =	swait.ge [sflag:s17], $0x190  }
0x66: {  	[sflag:s17] =	ssyncset.done $0x0  }
0x67: {  	s30 =	sadd.s32 s28, s14;
	[sflag:s17] =	ssyncadd.s32 $0xFFFFFE70  }
0x68: {  	[tilespmem:s21], [sflag:$0x3] =	stream.linear.gather [hbm4b:s30+s4], $0x190, $0x38;
	[tilespmem:$0x16E40] =	vst v63  }
0x69: {  	_ =	swait.ge [sflag:s17], $0x190  }
0x6a: {  	[sflag:s17] =	ssyncset.done $0x0  }
0x6b: {  	[sflag:s17] =	ssyncadd.s32 $0xFFFFFE70  }
0x6c: {  	[tilespmem:s22], [sflag:$0x2] =	stream.indirect.gather [hbm4b:s5+s18], $0x40, s20, s18, $0xb8;
	[tilespmem:$0x16E40] =	vst v63  }
0x6d: {  	_ =	swait.ge [sflag:s23], $0x6400  }
0x6e: {  	[sflag:s23] =	ssyncset.done $0x0  }
0x6f: {  	[sflag:s23] =	ssyncadd.s32 $0xFFFF9C00  }
0x70: {  	[spmem:s3] =	stream.indirect.scatter.add.f32 [tilespmem:s19], [sflag:$0x3], $0x40, s18, s18, $0xb8;
	[tilespmem:$0x16E40] =	vst v63  }
0x71: {  	_ =	swait.ge [sflag:s17], $0x6400  }
0x72: {  	s31 =	sshrl.u32 s26, $0x3;
	[sflag:s17] =	ssyncset.done $0x0  }
0x73: {  	s26 =	sadd.s32 s6, s31;
	[sflag:s17] =	ssyncadd.s32 $0xFFFF9C00  }
0x74: {  	[tilespmem:s4], [sflag:$0x3] =	stream.linear.gather [hbm4b:s26+s4], $0x190, $0x38;
	[tilespmem:$0x16E40] =	vst v63  }
0x75: {  	_ =	swait.ge [sflag:s17], $0x190  }
0x76: {  	[sflag:s17] =	ssyncset.done $0x0  }
0x77: {  	s0 =	sadd.s32 s2, s31;
	[sflag:s17] =	ssyncadd.s32 $0xFFFFFE70  }
0x78: {  	[tilespmem:s18], [sflag:$0x3] =	stream.linear.gather [hbm4b:s0+s4], $0x190, $0x38;
	[tilespmem:$0x16E40] =	vst v63  }
0x79: {  	_ =	swait.ge [sflag:s17], $0x190  }
0x7a: {  	[sflag:s17] =	ssyncset.done $0x0  }
0x7b: {  	[sflag:s17] =	ssyncadd.s32 $0xFFFFFE70  }
0x7c: {  	[tilespmem:s19], [sflag:$0x1] =	stream.indirect.gather [hbm4b:s5+s18], $0x40, s4, s18, $0xb8;
	[tilespmem:$0x16E40] =	vst v63  }
0x7d: {  	_ =	swait.ge [sflag:s24], $0x6400  }
0x7e: {  	[sflag:s24] =	ssyncset.done $0x0  }
0x7f: {  	[sflag:s24] =	ssyncadd.s32 $0xFFFF9C00  }
0x80: {  	[spmem:s3] =	stream.indirect.scatter.add.f32 [tilespmem:s22], [sflag:$0x3], $0x40, s21, s18, $0xb8;
	[tilespmem:$0x16E40] =	vst v63  }
0x81: {  	_ =	swait.ge [sflag:s17], $0x6400  }
0x82: {  	[sflag:s17] =	ssyncset.done $0x0  }
0x83: {  	[sflag:s17] =	ssyncadd.s32 $0xFFFF9C00  }
0x84: {  	_ =	swait.ge [sflag:s23], $0x6400  }
0x85: {  	[sflag:s23] =	ssyncset.done $0x0  }
0x86: {  	[sflag:s23] =	ssyncadd.s32 $0xFFFF9C00  }
0x87: {  	[spmem:s3] =	stream.indirect.scatter.add.f32 [tilespmem:s19], [sflag:$0x3], $0x40, s18, s18, $0xb8;
	[tilespmem:$0x16E40] =	vst v63  }
0x88: {  	_ =	swait.ge [sflag:s17], $0x6400  }
0x89: {  	s25 =	sadd.s32 $0x1, s25;
	[sflag:s17] =	ssyncset.done $0x0  }
0x8a: {  	p0 =	sne.s32 s25, s12;
	[sflag:s17] =	ssyncadd.s32 $0xFFFF9C00  }
.Ltmp1:
0x8b: {  	[bflag:$0x0] =	sbarrier.arrive $0xFFFF;
	(pc) =	sbr.rel @p0 .LBB2_1-.Ltmp1, $4  }
0x8c: {  	[hbm:s11], [sflag:s8] =	dma.local [spmem:s16], $0x1400  }
0x8d: {  	_ =	swait.ge [sflag:s17], $0x1400  }
0x8e: {  	[sflag:s17] =	ssyncset.done $0x0  }
0x8f: {  	[sflag:s17] =	ssyncadd.s32 $0xFFFFEC00  }
0x90: {  	_ =	sfence.sel $0x180000  }
0x91: {  	[bflag:$0x0] =	sbarrier.arrive $0xFFFF  }
0x92: {  	_ =	strace $0x90000047  }
0x93: {  	[bflag:$0x2] =	sbarrier.arrive $0xFFFF  }
0x94: {  	p0 =	sne.s32 s1, $0x0;
	s0 =	rddreg [dreg:$0x3]  }
0x95: {  	s0 =	sadd.s32 @!p0 $0x100000, s0  }
0x96: {  	[sflag:s0] =	ssyncadd.tile.s32 @!p0 $0x1;
	_ =	shalt  }
.Lfunc_end2:
_tile_overlayer_lowered:
.L_overlay_start_2:
0x97: {  	(tag) =	ssettag $0x2  }
0x98: {  	s0 =	rddreg [dreg:$0x0];
	s2 =	stileid.u32  }
0x99: {  	s1 =	rddreg [dreg:$0x1];
	p0 =	sne.s32 s2, $0x0  }
0x9a: {  	s3 =	rddreg [dreg:$0x2];
	[bflag:$0x3] =	sbarrier.arrive $0xFFFF;
	s2 =	simm.s32 @!p0 $0x1C03  }
0x9b: {  	[timem:s3], [sflag:s2] =	dma.local @!p0 [hbm:s0], s1  }
0x9c: {  	s0 =	simm.s32 @!p0 $0x3  }
0x9d: {  	_ =	swait.ge @!p0 [sflag:s0], s1  }
0x9e: {  	s1 =	ssub.s32 @!p0 $0x0, s1;
	[sflag:s0] =	ssyncset.done @!p0 $0x0  }
0x9f: {  	[sflag:s0] =	ssyncadd.s32 @!p0 s1  }
0xa0: {  	[bflag:$0x3] =	sbarrier.arrive $0xFFFF  }
0xa1: {  	_ =	shalt  }

// kernel: kernel.18.cloned.1.call-start
scs
__scs_entry_jumppad:
0x0: {  	(pc) =	sbr.rel $0x88, $3  }
0x1: {  	(tag) =	ssettag $0x0;
	lr =	simm.s32 $0x1  }
0x2: {  	[smem:$0x3F8F] =	sst lr;
	_ =	strace $0xD0000000  }
0x3: {  	_ = 	snop  }
0x4: {  	_ = 	snop  }
0x5: {  	_ = 	snop  }
0x6: {  	_ = 	snop  }
0x7: {  	_ = 	snop  }
__scs_overlays_trampoline_lowered:
0x8: {  	[smem:$0x3F9E] =	sst s0  }
0x9: {  	[smem:$0x3F9F] =	sst s1  }
0xa: {  	[smem:$0x3FA0] =	sst s2  }
0xb: {  	[smem:$0x3FA1] =	sst s3  }
0xc: {  	[smem:$0x3FA2] =	sst s4  }
0xd: {  	[smem:$0x3FA3] =	sst s5  }
0xe: {  	[smem:$0x3FA4] =	sst s6  }
0xf: {  	[smem:$0x3FA5] =	sst s7  }
0x10: {  	[smem:$0x3FA6] =	sst s8  }
0x11: {  	[smem:$0x3FA7] =	sst s9;
	s0 =	simm.s32 @!p0 $0x0  }
0x12: {  	s1 =	sld [smem:$0x3F8D];
	s0 =	simm.s32 @p0 $0x1  }
0x13: {  	[smem:$0x3FA8] =	sst s0;
	s0 =	simm.s32 @!p1 $0x0  }
0x14: {  	s2 =	sld [smem:$0x3F8C];
	s0 =	simm.s32 @p1 $0x1  }
0x15: {  	[smem:$0x3FA9] =	sst s0;
	s0 =	simm.s32 @!p2 $0x0  }
0x16: {  	s3 =	sld [smem:$0x3FDB];
	s0 =	simm.s32 @p2 $0x1  }
0x17: {  	s4 =	simm.s32 $0x1BF5;
	[smem:$0x3FAB] =	sst s0  }
0x18: {  	s0 =	sld [smem:$0x3F8E];
	_ =	swait.ge [sflag:s4], $0x0  }
0x19: {  	s7 =	sld [smem:$0x3F8F]  }
0x1a: {  	s8 =	sadd.s32 $0xFFFFE003, lr  }
0x1b: {  	s9 =	sadd.s32 $0xFFFFFEF7, lr;
	s5 =	simm.s32 $0xFFFFFFFF;
	p2 =	slt.u32 s8, $0xFFFFF086  }
0x1c: {  	p1 =	slt.u32 s9, $0xF7A;
	s5 =	simm.s32 @!p2 $0x0  }
0x1d: {  	s5 =	simm.s32 @p1 $0x1;
	p0 =	seq.s32 s7, s2  }
0x1e: {  	s7 =	smul.u32 @!p0 $0xF7A, s2;
	p2 =	seq.s32 @!p0 s5, $0x0  }
0x1f: {  	s9 =	smul.u32 $0xF7A, s1;
	s8 =	simm.s32 @!p0 $0x1BF5;
	p2 =	por !p2, p0  }
0x20: {  	[sflag:s8] =	ssyncset.s32 @!p0 $0xFFFFF086;
	s6 =	sadd.s32 @!p0 s3, s7;
	s7 =	simm.s32 @!p0 $0x108  }
0x21: {  	s3 =	sadd.s32 s3, s9;
	s6 =	sadd.s32 @!p0 $0x88, s6;
	s7 =	simm.s32 @p2 $0x1082  }
0x22: {  	[simem:s7], [sflag:s8] =	dma.local @!p0 [hbm:s6], $0xF7A  }
0x23: {  	s9 =	sor.u32 $0xD0000000, s2;
	s6 =	simm.s32 $0x108;
	_ =	swait.ge @!p0 [sflag:s8], $0x0  }
0x24: {  	s3 =	sadd.s32 $0x88, s3;
	s6 =	simm.s32 @!p1 $0x1082;
	[sflag:s4] =	ssyncset.s32 $0xFFFFF086  }
0x25: {  	[simem:s6], [sflag:s4] =	dma.local [hbm:s3], $0xF7A  }
0x26: {  	[smem:$0x3F8F] =	sst s1;
	(tag) =	ssettag s2;
	_ =	strace s9  }
0x27: {  	s1 =	sld [smem:$0x3F9F]  }
0x28: {  	s2 =	sld [smem:$0x3FA0]  }
0x29: {  	s4 =	sld [smem:$0x3FA2]  }
0x2a: {  	p0 =	seq.s32 s5, $0x0;
	s5 =	sld [smem:$0x3FA3]  }
0x2b: {  	s6 =	sld [smem:$0x3FA4]  }
0x2c: {  	s7 =	sld [smem:$0x3FA5]  }
0x2d: {  	s3 =	simm.s32 $0x108;
	s8 =	sld [smem:$0x3FA6]  }
0x2e: {  	s3 =	simm.s32 @!p0 $0x1082;
	s9 =	sld [smem:$0x3FA7]  }
0x2f: {  	lr =	sadd.s32 s0, s3;
	s0 =	sld [smem:$0x3F9E]  }
0x30: {  	s3 =	sld [smem:$0x3FA1]  }
0x31: {  	[smem:$0x3FAA] =	sst s10  }
0x32: {  	s10 =	sld [smem:$0x3FA8];
	_ =	sdelay $0x3  }
0x33: {  	p0 =	seq.s32 s10, $0x1;
	s10 =	sld [smem:$0x3FAA];
	_ =	sdelay $0x3  }
0x34: {  	[smem:$0x3FAA] =	sst s10  }
0x35: {  	s10 =	sld [smem:$0x3FA9];
	_ =	sdelay $0x3  }
0x36: {  	p1 =	seq.s32 s10, $0x1;
	s10 =	sld [smem:$0x3FAA];
	_ =	sdelay $0x3  }
0x37: {  	[smem:$0x3FAA] =	sst s10  }
0x38: {  	s10 =	sld [smem:$0x3FAB]  }
0x39: {  	_ = 	snop;
	(pc) =	sbr.ind lr, $3  }
0x3a: {  	_ = 	snop  }
0x3b: {  	_ = 	snop  }
0x3c: {  	p2 =	seq.s32 s10, $0x1;
	s10 =	sld [smem:$0x3FAA]  }
0x3d: {  	_ =	shalt  }
0x3e: {  	_ =	shalt  }
0x3f: {  	_ =	shalt  }
0x40: {  	_ =	shalt  }
0x41: {  	_ =	shalt  }
0x42: {  	_ =	shalt  }
0x43: {  	_ =	shalt  }
0x44: {  	_ =	shalt  }
0x45: {  	_ =	shalt  }
0x46: {  	_ =	shalt  }
0x47: {  	_ =	shalt  }
0x48: {  	_ =	shalt  }
0x49: {  	_ =	shalt  }
0x4a: {  	_ =	shalt  }
0x4b: {  	_ =	shalt  }
0x4c: {  	_ =	shalt  }
0x4d: {  	_ =	shalt  }
0x4e: {  	_ =	shalt  }
0x4f: {  	_ =	shalt  }
0x50: {  	_ =	shalt  }
0x51: {  	_ =	shalt  }
0x52: {  	_ =	shalt  }
0x53: {  	_ =	shalt  }
0x54: {  	_ =	shalt  }
0x55: {  	_ =	shalt  }
0x56: {  	_ =	shalt  }
0x57: {  	_ =	shalt  }
0x58: {  	_ =	shalt  }
0x59: {  	_ =	shalt  }
0x5a: {  	_ =	shalt  }
0x5b: {  	_ =	shalt  }
0x5c: {  	_ =	shalt  }
0x5d: {  	_ =	shalt  }
0x5e: {  	_ =	shalt  }
0x5f: {  	_ =	shalt  }
0x60: {  	_ =	shalt  }
0x61: {  	_ =	shalt  }
0x62: {  	_ =	shalt  }
0x63: {  	_ =	shalt  }
0x64: {  	_ =	shalt  }
0x65: {  	_ =	shalt  }
0x66: {  	_ =	shalt  }
0x67: {  	_ =	shalt  }
0x68: {  	_ =	shalt  }
0x69: {  	_ =	shalt  }
0x6a: {  	_ =	shalt  }
0x6b: {  	_ =	shalt  }
0x6c: {  	_ =	shalt  }
0x6d: {  	_ =	shalt  }
0x6e: {  	_ =	shalt  }
0x6f: {  	_ =	shalt  }
0x70: {  	_ =	shalt  }
0x71: {  	_ =	shalt  }
0x72: {  	_ =	shalt  }
0x73: {  	_ =	shalt  }
0x74: {  	_ =	shalt  }
0x75: {  	_ =	shalt  }
0x76: {  	_ =	shalt  }
0x77: {  	_ =	shalt  }
0x78: {  	_ =	shalt  }
0x79: {  	_ =	shalt  }
0x7a: {  	_ =	shalt  }
0x7b: {  	_ =	shalt  }
0x7c: {  	_ =	shalt  }
0x7d: {  	_ =	shalt  }
0x7e: {  	_ =	shalt  }
0x7f: {  	_ =	shalt  }
0x80: {  	_ =	shalt  }
0x81: {  	_ =	shalt  }
0x82: {  	_ =	shalt  }
0x83: {  	_ =	shalt  }
0x84: {  	_ =	shalt  }
0x85: {  	_ =	shalt  }
0x86: {  	_ =	shalt  }
0x87: {  	_ =	shalt  }
.Lfunc_end0:
.L_simem_size_0:
called_computation.2_lowered:
.L_overlay_start_0:
0x88: {  	s2 =	sld [smem:$0x3FD9]  }
0x89: {  	s3 =	sld [smem:$0x3FFE];
	_ =	sdelay $0x1  }
0x8a: {  	s1 =	srdreg.scid  }
0x8b: {  	s0 =	sand.u32 $0x1, s1  }
0x8c: {  	s17 =	sshll.u32 s0, $0xA;
	s2 =	sadd.s32 s3, s2  }
0x8d: {  	s2 =	sadd.s32 s2, s17  }
0x8e: {  	[smem:$0x3FB6] =	sst s2  }
0x8f: {  	_ = 	snop  }
0x90: {  	s2 =	sld [smem:$0x3FD0];
	(tm) =	ssettm $0x1  }
0x91: {  	s18 =	sld [smem:$0x3FFB];
	_ =	sdelay $0x3  }
0x92: {  	_ =	strace s18  }
0x93: {  	s3 =	sld [smem:$0x3FFC];
	_ =	sdelay $0x3  }
0x94: {  	_ =	strace s3  }
0x95: {  	s3 =	sld [smem:$0x3FFD];
	_ =	sdelay $0x3  }
0x96: {  	_ =	strace s3  }
0x97: {  	_ =	strace $0x8FFFFFFF  }
0x98: {  	s19 =	sld [smem:$0x3FDB];
	_ =	sdelay $0x1  }
0x99: {  	s4 =	simm.s32 $_scs_section_size  }
0x9a: {  	s5 =	simm.s32 $_size__tile_overlayer_lowered;
	s6 =	simm.s32 $_tile_overlayer_lowered  }
0x9b: {  	s22 =	simm.s32 $0x1BFF;
	s21 =	sshll.u32 s6, $0x1;
	s3 =	sadd.s32 s4, s19  }
0x9c: {  	s7 =	simm.s32 $0x0;
	s20 =	sshll.u32 s5, $0x1;
	s5 =	sadd.s32 s21, s3  }
0x9d: {  	[timem:s7], [sflag:s22] =	dma.local [hbm:s5], s20  }
0x9e: {  	_ =	swait.ge [sflag:s22], s20  }
0x9f: {  	s4 =	ssub.s32 $0x0, s20;
	[sflag:s22] =	ssyncset.done $0x0  }
0xa0: {  	[sflag:s22] =	ssyncadd.s32 s4;
	_ =	sdelay $0x1  }
0xa1: {  	s23 =	simm.s32 $0x1B8B  }
0xa2: {  	_ =	swait.ge [sflag:s23], $0x1  }
0xa3: {  	[sflag:s23] =	ssyncset.done $0x0  }
0xa4: {  	s25 =	simm.s32 $0x1B8E;
	s24 =	sld [smem:$0x3FFE];
	[sflag:s23] =	ssyncadd.s32 $0xFFFFFFFF  }
0xa5: {  	s26 =	simm.s32 $execute0_lowered;
	[smem:$0x3FD2] =	sst s25  }
0xa6: {  	s5 =	sshll.u32 s26, $0x1;
	_ =	strace $0x8000004C;
	[dreg:$0x1] =	wrdreg $0xFFFFFFFF  }
0xa7: {  	s28 =	simm.s32 $_size_execute0_lowered;
	s3 =	sadd.s32 s3, s5;
	[dreg:$0x0] =	wrdreg $0x0  }
0xa8: {  	s5 =	sshll.u32 s28, $0x1;
	[dreg:$0x2] =	wrdreg s3  }
0xa9: {  	[dreg:$0x3] =	wrdreg s5  }
0xaa: {  	[dreg:$0x4] =	wrdreg $0xC0  }
0xab: {  	_ =	task [dreg:s7], $0x5FFFF  }
0xac: {  	[dreg:$0x1] =	wrdreg $0xFFFFFFFF  }
0xad: {  	[dreg:$0x0] =	wrdreg $0x60  }
0xae: {  	[dreg:$0x2] =	wrdreg s24  }
0xaf: {  	[dreg:$0x3] =	wrdreg s2  }
0xb0: {  	[dreg:$0x4] =	wrdreg $0xCE400  }
0xb1: {  	[dreg:$0x5] =	wrdreg $0x9  }
0xb2: {  	_ =	task.clear_ibuf [dreg:s7], $0x6FFFF;
	_ =	strace $0x9000004C  }
0xb3: {  	s29 =	simm.s32 $0x9;
	_ =	strace $0x8000004E  }
0xb4: {  	_ =	swait.ge [sflag:s29], $0x1  }
0xb5: {  	[sflag:s29] =	ssyncadd.s32 $0xFFFFFFFF  }
0xb6: {  	_ =	strace $0x9000004E  }
0xb7: {  	_ =	sfence  }
0xb8: {  	s30 =	sld [smem:$0x0];
	_ =	sdelay $0x2  }
0xb9: {  	s31 =	sshll.u32 s1, $0xD;
	s1 =	sshrl.u32 s1, $0x2  }
0xba: {  	s3 =	sand.u32 $0x4000, s31;
	s1 =	sadd.s32 s1, s30  }
0xbb: {  	s0 =	sor.u32 s3, s0;
	s1 =	sshll.u32 s1, $0x11  }
0xbc: {  	s0 =	sor.u32 s1, s0  }
0xbd: {  	s0 =	sadd.s32 $0x8F2B, s0  }
0xbe: {  	[sflag:s0] =	ssyncadd.remote.s32 $0x1  }
0xbf: {  	_ =	sfence.sel $0xFFFF  }
0xc0: {  	[dreg:$0x0] =	wrdreg $0xFFFFFFFF;
	(pc) =	sbr.abs _section_cstart, $3  }
0xc1: {  	[dreg:$0x1] =	wrdreg $0xFFFFFFFF  }
0xc2: {  	_ =	task.clear_ibuf [dreg:s7], $0x2FFFF;
	_ =	strace $0x9FFFFFFF  }
0xc3: {  	(tm) =	ssettm $0x7FFFFFFF  }
tec
execute0_lowered:
.L_overlay_start_1:
0x0: {  	(tag) =	ssettag $0x1  }
0x1: {  	s7 =	rddreg [dreg:$0x0]  }
0x2: {  	s2 =	rddreg [dreg:$0x1]  }
0x3: {  	s3 =	rddreg [dreg:$0x2]  }
0x4: {  	s4 =	simm.s32 $0x0;
	s1 =	stileid.u32;
	s5 =	srdreg.scid  }
0x5: {  	s17 =	simm.s32 $0x3;
	s18 =	simm.s32 $0x190;
	s19 =	simm.s32 $0x640  }
0x6: {  	s20 =	simm.s32 $0x320;
	s21 =	simm.s32 $0x4B0;
	s22 =	simm.s32 $0x6A40  }
0x7: {  	s23 =	simm.s32 $0x1;
	s24 =	simm.s32 $0x2;
	[smem:$0x7FF] =	sst s4  }
0x8: {  	s8 =	smul.u32 $0xA000, s1;
	s9 =	sand.u32 $0x1, s5;
	s5 =	sadd.s32 $0xFC00, s7  }
0x9: {  	s6 =	sadd.s32 $0x5E00, s7;
	s12 =	sshll.u32 s1, $0x1;
	s26 =	smul.u32 $0x4E20, s1  }
0xa: {  	s28 =	sshll.u32 s1, $0x6;
	_ =	strace $0x8000004D;
	s10 =	smul.u32 $0xA0000, s9  }
0xb: {  	s12 =	sor.u32 s9, s12;
	s13 =	ssub.s32 $0x2, s9;
	s15 =	smul.u32 $0x2710, s9  }
0xc: {  	s11 =	sshrl.u32 s8, $0x3;
	s12 =	smul.u32 $0x2710, s12;
	s25 =	sshrl.u32 s13, $0x1  }
0xd: {  	s16 =	sadd.s32 s8, s3;
	s11 =	sadd.s32 s11, s7;
	s10 =	sadd.s32 s8, s10  }
0xe: {  	s13 =	ssub.s32 s13, s25;
	s8 =	sor.u32 $0x1C03, s28;
	s15 =	sadd.s32 s15, s26  }
0xf: {  	s16 =	sshrl.u32 s16, $0x3;
	s25 =	simm.s32 $0x0;
	s10 =	sshrl.u32 s10, $0x3  }
0x10: {  	s29 =	sshrl.u32 s12, $0x3;
	s30 =	sadd.s32 $0x190, s15;
	s12 =	smax.u32 s13, $0x1  }
0x11: {  	s13 =	sadd.s32 $0x320, s15;
	s14 =	sadd.s32 s10, s7;
	s7 =	sadd.s32 $0x23600, s11  }
0x12: {  	s9 =	sadd.s32 s6, s29;
	s10 =	sadd.s32 s2, s29;
	s31 =	sshrl.u32 s30, $0x3  }
0x13: {  	s11 =	sadd.s32 $0x37600, s14;
	s14 =	sadd.s32 s31, s2;
	s15 =	sadd.s32 s31, s6  }
.LBB2_1:
0x14: {  	[spmem:s16], [sflag:s8] =	dma.local [hbm:s7], $0x1400  }
0x15: {  	_ =	swait.ge [sflag:s17], $0x1400  }
0x16: {  	[sflag:s17] =	ssyncset.done $0x0  }
0x17: {  	[sflag:s17] =	ssyncadd.s32 $0xFFFFEC00  }
0x18: {  	[bflag:$0x0] =	sbarrier.arrive $0xFFFF  }
0x19: {  	[tilespmem:s4], [sflag:$0x3] =	stream.linear.gather [hbm4b:s9+s4], $0x190, $0x38;
	[tilespmem:$0x16E40] =	vst v63  }
0x1a: {  	_ =	swait.ge [sflag:s17], $0x190  }
0x1b: {  	[sflag:s17] =	ssyncset.done $0x0  }
0x1c: {  	[sflag:s17] =	ssyncadd.s32 $0xFFFFFE70  }
0x1d: {  	[tilespmem:s18], [sflag:$0x3] =	stream.linear.gather [hbm4b:s10+s4], $0x190, $0x38;
	[tilespmem:$0x16E40] =	vst v63  }
0x1e: {  	_ =	swait.ge [sflag:s17], $0x190  }
0x1f: {  	[sflag:s17] =	ssyncset.done $0x0  }
0x20: {  	[sflag:s17] =	ssyncadd.s32 $0xFFFFFE70  }
0x21: {  	[tilespmem:s19], [sflag:$0x1] =	stream.indirect.gather [hbm4b:s5+s18], $0x40, s4, s18, $0xb8;
	[tilespmem:$0x16E40] =	vst v63  }
0x22: {  	s26 =	sadd.s32 $0x0, s15  }
0x23: {  	[tilespmem:s20], [sflag:$0x3] =	stream.linear.gather [hbm4b:s26+s4], $0x190, $0x38;
	[tilespmem:$0x16E40] =	vst v63  }
0x24: {  	_ =	swait.ge [sflag:s17], $0x190  }
0x25: {  	[sflag:s17] =	ssyncset.done $0x0  }
0x26: {  	s29 =	sadd.s32 $0x0, s14;
	[sflag:s17] =	ssyncadd.s32 $0xFFFFFE70  }
0x27: {  	[tilespmem:s21], [sflag:$0x3] =	stream.linear.gather [hbm4b:s29+s4], $0x190, $0x38;
	[tilespmem:$0x16E40] =	vst v63  }
0x28: {  	_ =	swait.ge [sflag:s17], $0x190  }
0x29: {  	[sflag:s17] =	ssyncset.done $0x0  }
0x2a: {  	[sflag:s17] =	ssyncadd.s32 $0xFFFFFE70  }
0x2b: {  	[tilespmem:s22], [sflag:$0x2] =	stream.indirect.gather [hbm4b:s5+s18], $0x40, s20, s18, $0xb8;
	[tilespmem:$0x16E40] =	vst v63  }
0x2c: {  	_ =	swait.ge [sflag:s23], $0x6400  }
0x2d: {  	[sflag:s23] =	ssyncset.done $0x0  }
0x2e: {  	[sflag:s23] =	ssyncadd.s32 $0xFFFF9C00  }
0x2f: {  	[spmem:s3] =	stream.indirect.scatter.add.f32 [tilespmem:s19], [sflag:$0x3], $0x40, s18, s18, $0xb8;
	[tilespmem:$0x16E40] =	vst v63  }
0x30: {  	_ =	swait.ge [sflag:s17], $0x6400  }
0x31: {  	s31 =	sshrl.u32 s13, $0x3;
	[sflag:s17] =	ssyncset.done $0x0  }
0x32: {  	s28 =	sadd.s32 s6, s31;
	[sflag:s17] =	ssyncadd.s32 $0xFFFF9C00  }
0x33: {  	[tilespmem:s4], [sflag:$0x3] =	stream.linear.gather [hbm4b:s28+s4], $0x190, $0x38;
	[tilespmem:$0x16E40] =	vst v63  }
0x34: {  	_ =	swait.ge [sflag:s17], $0x190  }
0x35: {  	[sflag:s17] =	ssyncset.done $0x0  }
0x36: {  	s26 =	sadd.s32 s2, s31;
	[sflag:s17] =	ssyncadd.s32 $0xFFFFFE70  }
0x37: {  	[tilespmem:s18], [sflag:$0x3] =	stream.linear.gather [hbm4b:s26+s4], $0x190, $0x38;
	[tilespmem:$0x16E40] =	vst v63  }
0x38: {  	_ =	swait.ge [sflag:s17], $0x190  }
0x39: {  	[sflag:s17] =	ssyncset.done $0x0  }
0x3a: {  	[sflag:s17] =	ssyncadd.s32 $0xFFFFFE70  }
0x3b: {  	[tilespmem:s19], [sflag:$0x1] =	stream.indirect.gather [hbm4b:s5+s18], $0x40, s4, s18, $0xb8;
	[tilespmem:$0x16E40] =	vst v63  }
0x3c: {  	_ =	swait.ge [sflag:s24], $0x6400  }
0x3d: {  	[sflag:s24] =	ssyncset.done $0x0  }
0x3e: {  	[sflag:s24] =	ssyncadd.s32 $0xFFFF9C00  }
0x3f: {  	[spmem:s3] =	stream.indirect.scatter.add.f32 [tilespmem:s22], [sflag:$0x3], $0x40, s21, s18, $0xb8;
	[tilespmem:$0x16E40] =	vst v63  }
0x40: {  	s30 =	simm.s32 $0xC8;
	_ =	swait.ge [sflag:s17], $0x6400  }
0x41: {  	s28 =	simm.s32 $0x64;
	s26 =	sadd.s32 $0x320, s13;
	[sflag:s17] =	ssyncset.done $0x0  }
.LBB2_2:
0x42: {  	s31 =	sadd.s32 s28, s15  }
0x43: {  	[sflag:s17] =	ssyncadd.s32 $0xFFFF9C00;
	s0 =	smov.u32 s30;
	s29 =	sadd.s32 $0x64, s30  }
0x44: {  	[tilespmem:s20], [sflag:$0x3] =	stream.linear.gather [hbm4b:s31+s4], $0x190, $0x38;
	[tilespmem:$0x16E40] =	vst v63  }
0x45: {  	p0 =	sne.s32 s30, $0x44C;
	_ =	swait.ge [sflag:s17], $0x190  }
0x46: {  	[sflag:s17] =	ssyncset.done $0x0  }
0x47: {  	s30 =	sadd.s32 s28, s14;
	s28 =	smov.u32 s0;
	[sflag:s17] =	ssyncadd.s32 $0xFFFFFE70  }
0x48: {  	[tilespmem:s21], [sflag:$0x3] =	stream.linear.gather [hbm4b:s30+s4], $0x190, $0x38;
	[tilespmem:$0x16E40] =	vst v63  }
0x49: {  	_ =	swait.ge [sflag:s17], $0x190  }
0x4a: {  	[sflag:s17] =	ssyncset.done $0x0  }
0x4b: {  	[sflag:s17] =	ssyncadd.s32 $0xFFFFFE70  }
0x4c: {  	[tilespmem:s22], [sflag:$0x2] =	stream.indirect.gather [hbm4b:s5+s18], $0x40, s20, s18, $0xb8;
	[tilespmem:$0x16E40] =	vst v63  }
0x4d: {  	_ =	swait.ge [sflag:s23], $0x6400  }
0x4e: {  	[sflag:s23] =	ssyncset.done $0x0  }
0x4f: {  	[sflag:s23] =	ssyncadd.s32 $0xFFFF9C00  }
0x50: {  	[spmem:s3] =	stream.indirect.scatter.add.f32 [tilespmem:s19], [sflag:$0x3], $0x40, s18, s18, $0xb8;
	[tilespmem:$0x16E40] =	vst v63  }
0x51: {  	_ =	swait.ge [sflag:s17], $0x6400  }
0x52: {  	s0 =	sshrl.u32 s26, $0x3;
	[sflag:s17] =	ssyncset.done $0x0  }
0x53: {  	s30 =	sadd.s32 s6, s0;
	[sflag:s17] =	ssyncadd.s32 $0xFFFF9C00  }
0x54: {  	[tilespmem:s4], [sflag:$0x3] =	stream.linear.gather [hbm4b:s30+s4], $0x190, $0x38;
	[tilespmem:$0x16E40] =	vst v63  }
0x55: {  	_ =	swait.ge [sflag:s17], $0x190  }
0x56: {  	[sflag:s17] =	ssyncset.done $0x0  }
0x57: {  	s0 =	sadd.s32 s2, s0;
	[sflag:s17] =	ssyncadd.s32 $0xFFFFFE70  }
0x58: {  	[tilespmem:s18], [sflag:$0x3] =	stream.linear.gather [hbm4b:s0+s4], $0x190, $0x38;
	[tilespmem:$0x16E40] =	vst v63  }
0x59: {  	_ =	swait.ge [sflag:s17], $0x190  }
0x5a: {  	[sflag:s17] =	ssyncset.done $0x0  }
0x5b: {  	[sflag:s17] =	ssyncadd.s32 $0xFFFFFE70  }
0x5c: {  	[tilespmem:s19], [sflag:$0x1] =	stream.indirect.gather [hbm4b:s5+s18], $0x40, s4, s18, $0xb8;
	[tilespmem:$0x16E40] =	vst v63  }
0x5d: {  	_ =	swait.ge [sflag:s24], $0x6400  }
.Ltmp0:
0x5e: {  	[sflag:s24] =	ssyncset.done $0x0;
	(pc) =	sbr.rel @p0 .LBB2_2-.Ltmp0, $4  }
0x5f: {  	[sflag:s24] =	ssyncadd.s32 $0xFFFF9C00  }
0x60: {  	[spmem:s3] =	stream.indirect.scatter.add.f32 [tilespmem:s22], [sflag:$0x3], $0x40, s21, s18, $0xb8;
	[tilespmem:$0x16E40] =	vst v63  }
0x61: {  	_ =	swait.ge [sflag:s17], $0x6400  }
0x62: {  	s26 =	sadd.s32 $0x320, s26;
	s30 =	smov.u32 s29;
	[sflag:s17] =	ssyncset.done $0x0  }
0x63: {  	s0 =	sadd.s32 s28, s15;
	[sflag:s17] =	ssyncadd.s32 $0xFFFF9C00  }
0x64: {  	[tilespmem:s20], [sflag:$0x3] =	stream.linear.gather [hbm4b:s0+s4], $0x190, $0x38;
	[tilespmem:$0x16E40] =	vst v63  }
0x65: {  	_ =	swait.ge [sflag:s17], $0x190  }
0x66: {  	[sflag:s17] =	ssyncset.done $0x0  }
0x67: {  	s30 =	sadd.s32 s28, s14;
	[sflag:s17] =	ssyncadd.s32 $0xFFFFFE70  }
0x68: {  	[tilespmem:s21], [sflag:$0x3] =	stream.linear.gather [hbm4b:s30+s4], $0x190, $0x38;
	[tilespmem:$0x16E40] =	vst v63  }
0x69: {  	_ =	swait.ge [sflag:s17], $0x190  }
0x6a: {  	[sflag:s17] =	ssyncset.done $0x0  }
0x6b: {  	[sflag:s17] =	ssyncadd.s32 $0xFFFFFE70  }
0x6c: {  	[tilespmem:s22], [sflag:$0x2] =	stream.indirect.gather [hbm4b:s5+s18], $0x40, s20, s18, $0xb8;
	[tilespmem:$0x16E40] =	vst v63  }
0x6d: {  	_ =	swait.ge [sflag:s23], $0x6400  }
0x6e: {  	[sflag:s23] =	ssyncset.done $0x0  }
0x6f: {  	[sflag:s23] =	ssyncadd.s32 $0xFFFF9C00  }
0x70: {  	[spmem:s3] =	stream.indirect.scatter.add.f32 [tilespmem:s19], [sflag:$0x3], $0x40, s18, s18, $0xb8;
	[tilespmem:$0x16E40] =	vst v63  }
0x71: {  	_ =	swait.ge [sflag:s17], $0x6400  }
0x72: {  	s31 =	sshrl.u32 s26, $0x3;
	[sflag:s17] =	ssyncset.done $0x0  }
0x73: {  	s26 =	sadd.s32 s6, s31;
	[sflag:s17] =	ssyncadd.s32 $0xFFFF9C00  }
0x74: {  	[tilespmem:s4], [sflag:$0x3] =	stream.linear.gather [hbm4b:s26+s4], $0x190, $0x38;
	[tilespmem:$0x16E40] =	vst v63  }
0x75: {  	_ =	swait.ge [sflag:s17], $0x190  }
0x76: {  	[sflag:s17] =	ssyncset.done $0x0  }
0x77: {  	s0 =	sadd.s32 s2, s31;
	[sflag:s17] =	ssyncadd.s32 $0xFFFFFE70  }
0x78: {  	[tilespmem:s18], [sflag:$0x3] =	stream.linear.gather [hbm4b:s0+s4], $0x190, $0x38;
	[tilespmem:$0x16E40] =	vst v63  }
0x79: {  	_ =	swait.ge [sflag:s17], $0x190  }
0x7a: {  	[sflag:s17] =	ssyncset.done $0x0  }
0x7b: {  	[sflag:s17] =	ssyncadd.s32 $0xFFFFFE70  }
0x7c: {  	[tilespmem:s19], [sflag:$0x1] =	stream.indirect.gather [hbm4b:s5+s18], $0x40, s4, s18, $0xb8;
	[tilespmem:$0x16E40] =	vst v63  }
0x7d: {  	_ =	swait.ge [sflag:s24], $0x6400  }
0x7e: {  	[sflag:s24] =	ssyncset.done $0x0  }
0x7f: {  	[sflag:s24] =	ssyncadd.s32 $0xFFFF9C00  }
0x80: {  	[spmem:s3] =	stream.indirect.scatter.add.f32 [tilespmem:s22], [sflag:$0x3], $0x40, s21, s18, $0xb8;
	[tilespmem:$0x16E40] =	vst v63  }
0x81: {  	_ =	swait.ge [sflag:s17], $0x6400  }
0x82: {  	[sflag:s17] =	ssyncset.done $0x0  }
0x83: {  	[sflag:s17] =	ssyncadd.s32 $0xFFFF9C00  }
0x84: {  	_ =	swait.ge [sflag:s23], $0x6400  }
0x85: {  	[sflag:s23] =	ssyncset.done $0x0  }
0x86: {  	[sflag:s23] =	ssyncadd.s32 $0xFFFF9C00  }
0x87: {  	[spmem:s3] =	stream.indirect.scatter.add.f32 [tilespmem:s19], [sflag:$0x3], $0x40, s18, s18, $0xb8;
	[tilespmem:$0x16E40] =	vst v63  }
0x88: {  	_ =	swait.ge [sflag:s17], $0x6400  }
0x89: {  	s25 =	sadd.s32 $0x1, s25;
	[sflag:s17] =	ssyncset.done $0x0  }
0x8a: {  	p0 =	sne.s32 s25, s12;
	[sflag:s17] =	ssyncadd.s32 $0xFFFF9C00  }
.Ltmp1:
0x8b: {  	[bflag:$0x0] =	sbarrier.arrive $0xFFFF;
	(pc) =	sbr.rel @p0 .LBB2_1-.Ltmp1, $4  }
0x8c: {  	[hbm:s11], [sflag:s8] =	dma.local [spmem:s16], $0x1400  }
0x8d: {  	_ =	swait.ge [sflag:s17], $0x1400  }
0x8e: {  	[sflag:s17] =	ssyncset.done $0x0  }
0x8f: {  	[sflag:s17] =	ssyncadd.s32 $0xFFFFEC00  }
0x90: {  	_ =	sfence.sel $0x180000  }
0x91: {  	[bflag:$0x0] =	sbarrier.arrive $0xFFFF  }
0x92: {  	_ =	strace $0x9000004D  }
0x93: {  	[bflag:$0x2] =	sbarrier.arrive $0xFFFF  }
0x94: {  	p0 =	sne.s32 s1, $0x0;
	s0 =	rddreg [dreg:$0x3]  }
0x95: {  	s0 =	sadd.s32 @!p0 $0x100000, s0  }
0x96: {  	[sflag:s0] =	ssyncadd.tile.s32 @!p0 $0x1;
	_ =	shalt  }
.Lfunc_end2:
_tile_overlayer_lowered:
.L_overlay_start_2:
0x97: {  	(tag) =	ssettag $0x2  }
0x98: {  	s0 =	rddreg [dreg:$0x0];
	s2 =	stileid.u32  }
0x99: {  	s1 =	rddreg [dreg:$0x1];
	p0 =	sne.s32 s2, $0x0  }
0x9a: {  	s3 =	rddreg [dreg:$0x2];
	[bflag:$0x3] =	sbarrier.arrive $0xFFFF;
	s2 =	simm.s32 @!p0 $0x1C03  }
0x9b: {  	[timem:s3], [sflag:s2] =	dma.local @!p0 [hbm:s0], s1  }
0x9c: {  	s0 =	simm.s32 @!p0 $0x3  }
0x9d: {  	_ =	swait.ge @!p0 [sflag:s0], s1  }
0x9e: {  	s1 =	ssub.s32 @!p0 $0x0, s1;
	[sflag:s0] =	ssyncset.done @!p0 $0x0  }
0x9f: {  	[sflag:s0] =	ssyncadd.s32 @!p0 s1  }
0xa0: {  	[bflag:$0x3] =	sbarrier.arrive $0xFFFF  }
0xa1: {  	_ =	shalt  }

// kernel: kernel.21.cloned.1.call-start
scs
__scs_entry_jumppad:
0x0: {  	(pc) =	sbr.rel $0x88, $3  }
0x1: {  	(tag) =	ssettag $0x0;
	lr =	simm.s32 $0x1  }
0x2: {  	[smem:$0x3F8F] =	sst lr;
	_ =	strace $0xD0000000  }
0x3: {  	_ = 	snop  }
0x4: {  	_ = 	snop  }
0x5: {  	_ = 	snop  }
0x6: {  	_ = 	snop  }
0x7: {  	_ = 	snop  }
__scs_overlays_trampoline_lowered:
0x8: {  	[smem:$0x3F9E] =	sst s0  }
0x9: {  	[smem:$0x3F9F] =	sst s1  }
0xa: {  	[smem:$0x3FA0] =	sst s2  }
0xb: {  	[smem:$0x3FA1] =	sst s3  }
0xc: {  	[smem:$0x3FA2] =	sst s4  }
0xd: {  	[smem:$0x3FA3] =	sst s5  }
0xe: {  	[smem:$0x3FA4] =	sst s6  }
0xf: {  	[smem:$0x3FA5] =	sst s7  }
0x10: {  	[smem:$0x3FA6] =	sst s8  }
0x11: {  	[smem:$0x3FA7] =	sst s9;
	s0 =	simm.s32 @!p0 $0x0  }
0x12: {  	s1 =	sld [smem:$0x3F8D];
	s0 =	simm.s32 @p0 $0x1  }
0x13: {  	[smem:$0x3FA8] =	sst s0;
	s0 =	simm.s32 @!p1 $0x0  }
0x14: {  	s2 =	sld [smem:$0x3F8C];
	s0 =	simm.s32 @p1 $0x1  }
0x15: {  	[smem:$0x3FA9] =	sst s0;
	s0 =	simm.s32 @!p2 $0x0  }
0x16: {  	s3 =	sld [smem:$0x3FDB];
	s0 =	simm.s32 @p2 $0x1  }
0x17: {  	s4 =	simm.s32 $0x1BF5;
	[smem:$0x3FAB] =	sst s0  }
0x18: {  	s0 =	sld [smem:$0x3F8E];
	_ =	swait.ge [sflag:s4], $0x0  }
0x19: {  	s7 =	sld [smem:$0x3F8F]  }
0x1a: {  	s8 =	sadd.s32 $0xFFFFE003, lr  }
0x1b: {  	s9 =	sadd.s32 $0xFFFFFEF7, lr;
	s5 =	simm.s32 $0xFFFFFFFF;
	p2 =	slt.u32 s8, $0xFFFFF086  }
0x1c: {  	p1 =	slt.u32 s9, $0xF7A;
	s5 =	simm.s32 @!p2 $0x0  }
0x1d: {  	s5 =	simm.s32 @p1 $0x1;
	p0 =	seq.s32 s7, s2  }
0x1e: {  	s7 =	smul.u32 @!p0 $0xF7A, s2;
	p2 =	seq.s32 @!p0 s5, $0x0  }
0x1f: {  	s9 =	smul.u32 $0xF7A, s1;
	s8 =	simm.s32 @!p0 $0x1BF5;
	p2 =	por !p2, p0  }
0x20: {  	[sflag:s8] =	ssyncset.s32 @!p0 $0xFFFFF086;
	s6 =	sadd.s32 @!p0 s3, s7;
	s7 =	simm.s32 @!p0 $0x108  }
0x21: {  	s3 =	sadd.s32 s3, s9;
	s6 =	sadd.s32 @!p0 $0x88, s6;
	s7 =	simm.s32 @p2 $0x1082  }
0x22: {  	[simem:s7], [sflag:s8] =	dma.local @!p0 [hbm:s6], $0xF7A  }
0x23: {  	s9 =	sor.u32 $0xD0000000, s2;
	s6 =	simm.s32 $0x108;
	_ =	swait.ge @!p0 [sflag:s8], $0x0  }
0x24: {  	s3 =	sadd.s32 $0x88, s3;
	s6 =	simm.s32 @!p1 $0x1082;
	[sflag:s4] =	ssyncset.s32 $0xFFFFF086  }
0x25: {  	[simem:s6], [sflag:s4] =	dma.local [hbm:s3], $0xF7A  }
0x26: {  	[smem:$0x3F8F] =	sst s1;
	(tag) =	ssettag s2;
	_ =	strace s9  }
0x27: {  	s1 =	sld [smem:$0x3F9F]  }
0x28: {  	s2 =	sld [smem:$0x3FA0]  }
0x29: {  	s4 =	sld [smem:$0x3FA2]  }
0x2a: {  	p0 =	seq.s32 s5, $0x0;
	s5 =	sld [smem:$0x3FA3]  }
0x2b: {  	s6 =	sld [smem:$0x3FA4]  }
0x2c: {  	s7 =	sld [smem:$0x3FA5]  }
0x2d: {  	s3 =	simm.s32 $0x108;
	s8 =	sld [smem:$0x3FA6]  }
0x2e: {  	s3 =	simm.s32 @!p0 $0x1082;
	s9 =	sld [smem:$0x3FA7]  }
0x2f: {  	lr =	sadd.s32 s0, s3;
	s0 =	sld [smem:$0x3F9E]  }
0x30: {  	s3 =	sld [smem:$0x3FA1]  }
0x31: {  	[smem:$0x3FAA] =	sst s10  }
0x32: {  	s10 =	sld [smem:$0x3FA8];
	_ =	sdelay $0x3  }
0x33: {  	p0 =	seq.s32 s10, $0x1;
	s10 =	sld [smem:$0x3FAA];
	_ =	sdelay $0x3  }
0x34: {  	[smem:$0x3FAA] =	sst s10  }
0x35: {  	s10 =	sld [smem:$0x3FA9];
	_ =	sdelay $0x3  }
0x36: {  	p1 =	seq.s32 s10, $0x1;
	s10 =	sld [smem:$0x3FAA];
	_ =	sdelay $0x3  }
0x37: {  	[smem:$0x3FAA] =	sst s10  }
0x38: {  	s10 =	sld [smem:$0x3FAB]  }
0x39: {  	_ = 	snop;
	(pc) =	sbr.ind lr, $3  }
0x3a: {  	_ = 	snop  }
0x3b: {  	_ = 	snop  }
0x3c: {  	p2 =	seq.s32 s10, $0x1;
	s10 =	sld [smem:$0x3FAA]  }
0x3d: {  	_ =	shalt  }
0x3e: {  	_ =	shalt  }
0x3f: {  	_ =	shalt  }
0x40: {  	_ =	shalt  }
0x41: {  	_ =	shalt  }
0x42: {  	_ =	shalt  }
0x43: {  	_ =	shalt  }
0x44: {  	_ =	shalt  }
0x45: {  	_ =	shalt  }
0x46: {  	_ =	shalt  }
0x47: {  	_ =	shalt  }
0x48: {  	_ =	shalt  }
0x49: {  	_ =	shalt  }
0x4a: {  	_ =	shalt  }
0x4b: {  	_ =	shalt  }
0x4c: {  	_ =	shalt  }
0x4d: {  	_ =	shalt  }
0x4e: {  	_ =	shalt  }
0x4f: {  	_ =	shalt  }
0x50: {  	_ =	shalt  }
0x51: {  	_ =	shalt  }
0x52: {  	_ =	shalt  }
0x53: {  	_ =	shalt  }
0x54: {  	_ =	shalt  }
0x55: {  	_ =	shalt  }
0x56: {  	_ =	shalt  }
0x57: {  	_ =	shalt  }
0x58: {  	_ =	shalt  }
0x59: {  	_ =	shalt  }
0x5a: {  	_ =	shalt  }
0x5b: {  	_ =	shalt  }
0x5c: {  	_ =	shalt  }
0x5d: {  	_ =	shalt  }
0x5e: {  	_ =	shalt  }
0x5f: {  	_ =	shalt  }
0x60: {  	_ =	shalt  }
0x61: {  	_ =	shalt  }
0x62: {  	_ =	shalt  }
0x63: {  	_ =	shalt  }
0x64: {  	_ =	shalt  }
0x65: {  	_ =	shalt  }
0x66: {  	_ =	shalt  }
0x67: {  	_ =	shalt  }
0x68: {  	_ =	shalt  }
0x69: {  	_ =	shalt  }
0x6a: {  	_ =	shalt  }
0x6b: {  	_ =	shalt  }
0x6c: {  	_ =	shalt  }
0x6d: {  	_ =	shalt  }
0x6e: {  	_ =	shalt  }
0x6f: {  	_ =	shalt  }
0x70: {  	_ =	shalt  }
0x71: {  	_ =	shalt  }
0x72: {  	_ =	shalt  }
0x73: {  	_ =	shalt  }
0x74: {  	_ =	shalt  }
0x75: {  	_ =	shalt  }
0x76: {  	_ =	shalt  }
0x77: {  	_ =	shalt  }
0x78: {  	_ =	shalt  }
0x79: {  	_ =	shalt  }
0x7a: {  	_ =	shalt  }
0x7b: {  	_ =	shalt  }
0x7c: {  	_ =	shalt  }
0x7d: {  	_ =	shalt  }
0x7e: {  	_ =	shalt  }
0x7f: {  	_ =	shalt  }
0x80: {  	_ =	shalt  }
0x81: {  	_ =	shalt  }
0x82: {  	_ =	shalt  }
0x83: {  	_ =	shalt  }
0x84: {  	_ =	shalt  }
0x85: {  	_ =	shalt  }
0x86: {  	_ =	shalt  }
0x87: {  	_ =	shalt  }
.Lfunc_end0:
.L_simem_size_0:
called_computation.3_lowered:
.L_overlay_start_0:
0x88: {  	s2 =	sld [smem:$0x3FD9]  }
0x89: {  	s3 =	sld [smem:$0x3FFE];
	_ =	sdelay $0x1  }
0x8a: {  	s1 =	srdreg.scid  }
0x8b: {  	s0 =	sand.u32 $0x1, s1  }
0x8c: {  	s17 =	sshll.u32 s0, $0xA;
	s2 =	sadd.s32 s3, s2  }
0x8d: {  	s2 =	sadd.s32 s2, s17  }
0x8e: {  	[smem:$0x3FB6] =	sst s2  }
0x8f: {  	_ = 	snop  }
0x90: {  	s2 =	sld [smem:$0x3FD0];
	(tm) =	ssettm $0x1  }
0x91: {  	s18 =	sld [smem:$0x3FFB];
	_ =	sdelay $0x3  }
0x92: {  	_ =	strace s18  }
0x93: {  	s3 =	sld [smem:$0x3FFC];
	_ =	sdelay $0x3  }
0x94: {  	_ =	strace s3  }
0x95: {  	s3 =	sld [smem:$0x3FFD];
	_ =	sdelay $0x3  }
0x96: {  	_ =	strace s3  }
0x97: {  	_ =	strace $0x8FFFFFFF  }
0x98: {  	s19 =	sld [smem:$0x3FDB];
	_ =	sdelay $0x1  }
0x99: {  	s4 =	simm.s32 $_scs_section_size  }
0x9a: {  	s5 =	simm.s32 $_size__tile_overlayer_lowered;
	s6 =	simm.s32 $_tile_overlayer_lowered  }
0x9b: {  	s22 =	simm.s32 $0x1BFF;
	s21 =	sshll.u32 s6, $0x1;
	s3 =	sadd.s32 s4, s19  }
0x9c: {  	s7 =	simm.s32 $0x0;
	s20 =	sshll.u32 s5, $0x1;
	s5 =	sadd.s32 s21, s3  }
0x9d: {  	[timem:s7], [sflag:s22] =	dma.local [hbm:s5], s20  }
0x9e: {  	_ =	swait.ge [sflag:s22], s20  }
0x9f: {  	s4 =	ssub.s32 $0x0, s20;
	[sflag:s22] =	ssyncset.done $0x0  }
0xa0: {  	[sflag:s22] =	ssyncadd.s32 s4;
	_ =	sdelay $0x1  }
0xa1: {  	s23 =	simm.s32 $0x1B8B  }
0xa2: {  	_ =	swait.ge [sflag:s23], $0x1  }
0xa3: {  	[sflag:s23] =	ssyncset.done $0x0  }
0xa4: {  	s25 =	simm.s32 $0x1B8E;
	s24 =	sld [smem:$0x3FFE];
	[sflag:s23] =	ssyncadd.s32 $0xFFFFFFFF  }
0xa5: {  	s26 =	simm.s32 $execute0_lowered;
	[smem:$0x3FD2] =	sst s25  }
0xa6: {  	s5 =	sshll.u32 s26, $0x1;
	_ =	strace $0x8000004F;
	[dreg:$0x1] =	wrdreg $0xFFFFFFFF  }
0xa7: {  	s28 =	simm.s32 $_size_execute0_lowered;
	s3 =	sadd.s32 s3, s5;
	[dreg:$0x0] =	wrdreg $0x0  }
0xa8: {  	s5 =	sshll.u32 s28, $0x1;
	[dreg:$0x2] =	wrdreg s3  }
0xa9: {  	[dreg:$0x3] =	wrdreg s5  }
0xaa: {  	[dreg:$0x4] =	wrdreg $0xC0  }
0xab: {  	_ =	task [dreg:s7], $0x5FFFF  }
0xac: {  	[dreg:$0x1] =	wrdreg $0xFFFFFFFF  }
0xad: {  	[dreg:$0x0] =	wrdreg $0x60  }
0xae: {  	[dreg:$0x2] =	wrdreg s24  }
0xaf: {  	[dreg:$0x3] =	wrdreg s2  }
0xb0: {  	[dreg:$0x4] =	wrdreg $0xCE400  }
0xb1: {  	[dreg:$0x5] =	wrdreg $0x9  }
0xb2: {  	_ =	task.clear_ibuf [dreg:s7], $0x6FFFF;
	_ =	strace $0x9000004F  }
0xb3: {  	s29 =	simm.s32 $0x9;
	_ =	strace $0x80000051  }
0xb4: {  	_ =	swait.ge [sflag:s29], $0x1  }
0xb5: {  	[sflag:s29] =	ssyncadd.s32 $0xFFFFFFFF  }
0xb6: {  	_ =	strace $0x90000051  }
0xb7: {  	_ =	sfence  }
0xb8: {  	s30 =	sld [smem:$0x0];
	_ =	sdelay $0x2  }
0xb9: {  	s31 =	sshll.u32 s1, $0xD;
	s1 =	sshrl.u32 s1, $0x2  }
0xba: {  	s3 =	sand.u32 $0x4000, s31;
	s1 =	sadd.s32 s1, s30  }
0xbb: {  	s0 =	sor.u32 s3, s0;
	s1 =	sshll.u32 s1, $0x11  }
0xbc: {  	s0 =	sor.u32 s1, s0  }
0xbd: {  	s0 =	sadd.s32 $0x8F2B, s0  }
0xbe: {  	[sflag:s0] =	ssyncadd.remote.s32 $0x1  }
0xbf: {  	_ =	sfence.sel $0xFFFF  }
0xc0: {  	[dreg:$0x0] =	wrdreg $0xFFFFFFFF;
	(pc) =	sbr.abs _section_cstart, $3  }
0xc1: {  	[dreg:$0x1] =	wrdreg $0xFFFFFFFF  }
0xc2: {  	_ =	task.clear_ibuf [dreg:s7], $0x2FFFF;
	_ =	strace $0x9FFFFFFF  }
0xc3: {  	(tm) =	ssettm $0x7FFFFFFF  }
tec
execute0_lowered:
.L_overlay_start_1:
0x0: {  	(tag) =	ssettag $0x1  }
0x1: {  	s7 =	rddreg [dreg:$0x0]  }
0x2: {  	s2 =	rddreg [dreg:$0x1]  }
0x3: {  	s3 =	rddreg [dreg:$0x2]  }
0x4: {  	s4 =	simm.s32 $0x0;
	s1 =	stileid.u32;
	s5 =	srdreg.scid  }
0x5: {  	s17 =	simm.s32 $0x3;
	s18 =	simm.s32 $0x190;
	s19 =	simm.s32 $0x640  }
0x6: {  	s20 =	simm.s32 $0x320;
	s21 =	simm.s32 $0x4B0;
	s22 =	simm.s32 $0x6A40  }
0x7: {  	s23 =	simm.s32 $0x1;
	s24 =	simm.s32 $0x2;
	[smem:$0x7FF] =	sst s4  }
0x8: {  	s8 =	smul.u32 $0xA000, s1;
	s9 =	sand.u32 $0x1, s5;
	s5 =	sadd.s32 $0xFC00, s7  }
0x9: {  	s6 =	sadd.s32 $0x5E00, s7;
	s12 =	sshll.u32 s1, $0x1;
	s26 =	smul.u32 $0x4E20, s1  }
0xa: {  	s28 =	sshll.u32 s1, $0x6;
	_ =	strace $0x80000050;
	s10 =	smul.u32 $0xA0000, s9  }
0xb: {  	s12 =	sor.u32 s9, s12;
	s13 =	ssub.s32 $0x2, s9;
	s15 =	smul.u32 $0x2710, s9  }
0xc: {  	s11 =	sshrl.u32 s8, $0x3;
	s12 =	smul.u32 $0x2710, s12;
	s25 =	sshrl.u32 s13, $0x1  }
0xd: {  	s16 =	sadd.s32 s8, s3;
	s11 =	sadd.s32 s11, s7;
	s10 =	sadd.s32 s8, s10  }
0xe: {  	s13 =	ssub.s32 s13, s25;
	s8 =	sor.u32 $0x1C03, s28;
	s15 =	sadd.s32 s15, s26  }
0xf: {  	s16 =	sshrl.u32 s16, $0x3;
	s25 =	simm.s32 $0x0;
	s10 =	sshrl.u32 s10, $0x3  }
0x10: {  	s29 =	sshrl.u32 s12, $0x3;
	s30 =	sadd.s32 $0x190, s15;
	s12 =	smax.u32 s13, $0x1  }
0x11: {  	s13 =	sadd.s32 $0x320, s15;
	s14 =	sadd.s32 s10, s7;
	s7 =	sadd.s32 $0x23600, s11  }
0x12: {  	s9 =	sadd.s32 s6, s29;
	s10 =	sadd.s32 s2, s29;
	s31 =	sshrl.u32 s30, $0x3  }
0x13: {  	s11 =	sadd.s32 $0x37600, s14;
	s14 =	sadd.s32 s31, s2;
	s15 =	sadd.s32 s31, s6  }
.LBB2_1:
0x14: {  	[spmem:s16], [sflag:s8] =	dma.local [hbm:s7], $0x1400  }
0x15: {  	_ =	swait.ge [sflag:s17], $0x1400  }
0x16: {  	[sflag:s17] =	ssyncset.done $0x0  }
0x17: {  	[sflag:s17] =	ssyncadd.s32 $0xFFFFEC00  }
0x18: {  	[bflag:$0x0] =	sbarrier.arrive $0xFFFF  }
0x19: {  	[tilespmem:s4], [sflag:$0x3] =	stream.linear.gather [hbm4b:s9+s4], $0x190, $0x38;
	[tilespmem:$0x16E40] =	vst v63  }
0x1a: {  	_ =	swait.ge [sflag:s17], $0x190  }
0x1b: {  	[sflag:s17] =	ssyncset.done $0x0  }
0x1c: {  	[sflag:s17] =	ssyncadd.s32 $0xFFFFFE70  }
0x1d: {  	[tilespmem:s18], [sflag:$0x3] =	stream.linear.gather [hbm4b:s10+s4], $0x190, $0x38;
	[tilespmem:$0x16E40] =	vst v63  }
0x1e: {  	_ =	swait.ge [sflag:s17], $0x190  }
0x1f: {  	[sflag:s17] =	ssyncset.done $0x0  }
0x20: {  	[sflag:s17] =	ssyncadd.s32 $0xFFFFFE70  }
0x21: {  	[tilespmem:s19], [sflag:$0x1] =	stream.indirect.gather [hbm4b:s5+s18], $0x40, s4, s18, $0xb8;
	[tilespmem:$0x16E40] =	vst v63  }
0x22: {  	s26 =	sadd.s32 $0x0, s15  }
0x23: {  	[tilespmem:s20], [sflag:$0x3] =	stream.linear.gather [hbm4b:s26+s4], $0x190, $0x38;
	[tilespmem:$0x16E40] =	vst v63  }
0x24: {  	_ =	swait.ge [sflag:s17], $0x190  }
0x25: {  	[sflag:s17] =	ssyncset.done $0x0  }
0x26: {  	s29 =	sadd.s32 $0x0, s14;
	[sflag:s17] =	ssyncadd.s32 $0xFFFFFE70  }
0x27: {  	[tilespmem:s21], [sflag:$0x3] =	stream.linear.gather [hbm4b:s29+s4], $0x190, $0x38;
	[tilespmem:$0x16E40] =	vst v63  }
0x28: {  	_ =	swait.ge [sflag:s17], $0x190  }
0x29: {  	[sflag:s17] =	ssyncset.done $0x0  }
0x2a: {  	[sflag:s17] =	ssyncadd.s32 $0xFFFFFE70  }
0x2b: {  	[tilespmem:s22], [sflag:$0x2] =	stream.indirect.gather [hbm4b:s5+s18], $0x40, s20, s18, $0xb8;
	[tilespmem:$0x16E40] =	vst v63  }
0x2c: {  	_ =	swait.ge [sflag:s23], $0x6400  }
0x2d: {  	[sflag:s23] =	ssyncset.done $0x0  }
0x2e: {  	[sflag:s23] =	ssyncadd.s32 $0xFFFF9C00  }
0x2f: {  	[spmem:s3] =	stream.indirect.scatter.add.f32 [tilespmem:s19], [sflag:$0x3], $0x40, s18, s18, $0xb8;
	[tilespmem:$0x16E40] =	vst v63  }
0x30: {  	_ =	swait.ge [sflag:s17], $0x6400  }
0x31: {  	s31 =	sshrl.u32 s13, $0x3;
	[sflag:s17] =	ssyncset.done $0x0  }
0x32: {  	s28 =	sadd.s32 s6, s31;
	[sflag:s17] =	ssyncadd.s32 $0xFFFF9C00  }
0x33: {  	[tilespmem:s4], [sflag:$0x3] =	stream.linear.gather [hbm4b:s28+s4], $0x190, $0x38;
	[tilespmem:$0x16E40] =	vst v63  }
0x34: {  	_ =	swait.ge [sflag:s17], $0x190  }
0x35: {  	[sflag:s17] =	ssyncset.done $0x0  }
0x36: {  	s26 =	sadd.s32 s2, s31;
	[sflag:s17] =	ssyncadd.s32 $0xFFFFFE70  }
0x37: {  	[tilespmem:s18], [sflag:$0x3] =	stream.linear.gather [hbm4b:s26+s4], $0x190, $0x38;
	[tilespmem:$0x16E40] =	vst v63  }
0x38: {  	_ =	swait.ge [sflag:s17], $0x190  }
0x39: {  	[sflag:s17] =	ssyncset.done $0x0  }
0x3a: {  	[sflag:s17] =	ssyncadd.s32 $0xFFFFFE70  }
0x3b: {  	[tilespmem:s19], [sflag:$0x1] =	stream.indirect.gather [hbm4b:s5+s18], $0x40, s4, s18, $0xb8;
	[tilespmem:$0x16E40] =	vst v63  }
0x3c: {  	_ =	swait.ge [sflag:s24], $0x6400  }
0x3d: {  	[sflag:s24] =	ssyncset.done $0x0  }
0x3e: {  	[sflag:s24] =	ssyncadd.s32 $0xFFFF9C00  }
0x3f: {  	[spmem:s3] =	stream.indirect.scatter.add.f32 [tilespmem:s22], [sflag:$0x3], $0x40, s21, s18, $0xb8;
	[tilespmem:$0x16E40] =	vst v63  }
0x40: {  	s30 =	simm.s32 $0xC8;
	_ =	swait.ge [sflag:s17], $0x6400  }
0x41: {  	s28 =	simm.s32 $0x64;
	s26 =	sadd.s32 $0x320, s13;
	[sflag:s17] =	ssyncset.done $0x0  }
.LBB2_2:
0x42: {  	s31 =	sadd.s32 s28, s15  }
0x43: {  	[sflag:s17] =	ssyncadd.s32 $0xFFFF9C00;
	s0 =	smov.u32 s30;
	s29 =	sadd.s32 $0x64, s30  }
0x44: {  	[tilespmem:s20], [sflag:$0x3] =	stream.linear.gather [hbm4b:s31+s4], $0x190, $0x38;
	[tilespmem:$0x16E40] =	vst v63  }
0x45: {  	p0 =	sne.s32 s30, $0x44C;
	_ =	swait.ge [sflag:s17], $0x190  }
0x46: {  	[sflag:s17] =	ssyncset.done $0x0  }
0x47: {  	s30 =	sadd.s32 s28, s14;
	s28 =	smov.u32 s0;
	[sflag:s17] =	ssyncadd.s32 $0xFFFFFE70  }
0x48: {  	[tilespmem:s21], [sflag:$0x3] =	stream.linear.gather [hbm4b:s30+s4], $0x190, $0x38;
	[tilespmem:$0x16E40] =	vst v63  }
0x49: {  	_ =	swait.ge [sflag:s17], $0x190  }
0x4a: {  	[sflag:s17] =	ssyncset.done $0x0  }
0x4b: {  	[sflag:s17] =	ssyncadd.s32 $0xFFFFFE70  }
0x4c: {  	[tilespmem:s22], [sflag:$0x2] =	stream.indirect.gather [hbm4b:s5+s18], $0x40, s20, s18, $0xb8;
	[tilespmem:$0x16E40] =	vst v63  }
0x4d: {  	_ =	swait.ge [sflag:s23], $0x6400  }
0x4e: {  	[sflag:s23] =	ssyncset.done $0x0  }
0x4f: {  	[sflag:s23] =	ssyncadd.s32 $0xFFFF9C00  }
0x50: {  	[spmem:s3] =	stream.indirect.scatter.add.f32 [tilespmem:s19], [sflag:$0x3], $0x40, s18, s18, $0xb8;
	[tilespmem:$0x16E40] =	vst v63  }
0x51: {  	_ =	swait.ge [sflag:s17], $0x6400  }
0x52: {  	s0 =	sshrl.u32 s26, $0x3;
	[sflag:s17] =	ssyncset.done $0x0  }
0x53: {  	s30 =	sadd.s32 s6, s0;
	[sflag:s17] =	ssyncadd.s32 $0xFFFF9C00  }
0x54: {  	[tilespmem:s4], [sflag:$0x3] =	stream.linear.gather [hbm4b:s30+s4], $0x190, $0x38;
	[tilespmem:$0x16E40] =	vst v63  }
0x55: {  	_ =	swait.ge [sflag:s17], $0x190  }
0x56: {  	[sflag:s17] =	ssyncset.done $0x0  }
0x57: {  	s0 =	sadd.s32 s2, s0;
	[sflag:s17] =	ssyncadd.s32 $0xFFFFFE70  }
0x58: {  	[tilespmem:s18], [sflag:$0x3] =	stream.linear.gather [hbm4b:s0+s4], $0x190, $0x38;
	[tilespmem:$0x16E40] =	vst v63  }
0x59: {  	_ =	swait.ge [sflag:s17], $0x190  }
0x5a: {  	[sflag:s17] =	ssyncset.done $0x0  }
0x5b: {  	[sflag:s17] =	ssyncadd.s32 $0xFFFFFE70  }
0x5c: {  	[tilespmem:s19], [sflag:$0x1] =	stream.indirect.gather [hbm4b:s5+s18], $0x40, s4, s18, $0xb8;
	[tilespmem:$0x16E40] =	vst v63  }
0x5d: {  	_ =	swait.ge [sflag:s24], $0x6400  }
.Ltmp0:
0x5e: {  	[sflag:s24] =	ssyncset.done $0x0;
	(pc) =	sbr.rel @p0 .LBB2_2-.Ltmp0, $4  }
0x5f: {  	[sflag:s24] =	ssyncadd.s32 $0xFFFF9C00  }
0x60: {  	[spmem:s3] =	stream.indirect.scatter.add.f32 [tilespmem:s22], [sflag:$0x3], $0x40, s21, s18, $0xb8;
	[tilespmem:$0x16E40] =	vst v63  }
0x61: {  	_ =	swait.ge [sflag:s17], $0x6400  }
0x62: {  	s26 =	sadd.s32 $0x320, s26;
	s30 =	smov.u32 s29;
	[sflag:s17] =	ssyncset.done $0x0  }
0x63: {  	s0 =	sadd.s32 s28, s15;
	[sflag:s17] =	ssyncadd.s32 $0xFFFF9C00  }
0x64: {  	[tilespmem:s20], [sflag:$0x3] =	stream.linear.gather [hbm4b:s0+s4], $0x190, $0x38;
	[tilespmem:$0x16E40] =	vst v63  }
0x65: {  	_ =	swait.ge [sflag:s17], $0x190  }
0x66: {  	[sflag:s17] =	ssyncset.done $0x0  }
0x67: {  	s30 =	sadd.s32 s28, s14;
	[sflag:s17] =	ssyncadd.s32 $0xFFFFFE70  }
0x68: {  	[tilespmem:s21], [sflag:$0x3] =	stream.linear.gather [hbm4b:s30+s4], $0x190, $0x38;
	[tilespmem:$0x16E40] =	vst v63  }
0x69: {  	_ =	swait.ge [sflag:s17], $0x190  }
0x6a: {  	[sflag:s17] =	ssyncset.done $0x0  }
0x6b: {  	[sflag:s17] =	ssyncadd.s32 $0xFFFFFE70  }
0x6c: {  	[tilespmem:s22], [sflag:$0x2] =	stream.indirect.gather [hbm4b:s5+s18], $0x40, s20, s18, $0xb8;
	[tilespmem:$0x16E40] =	vst v63  }
0x6d: {  	_ =	swait.ge [sflag:s23], $0x6400  }
0x6e: {  	[sflag:s23] =	ssyncset.done $0x0  }
0x6f: {  	[sflag:s23] =	ssyncadd.s32 $0xFFFF9C00  }
0x70: {  	[spmem:s3] =	stream.indirect.scatter.add.f32 [tilespmem:s19], [sflag:$0x3], $0x40, s18, s18, $0xb8;
	[tilespmem:$0x16E40] =	vst v63  }
0x71: {  	_ =	swait.ge [sflag:s17], $0x6400  }
0x72: {  	s31 =	sshrl.u32 s26, $0x3;
	[sflag:s17] =	ssyncset.done $0x0  }
0x73: {  	s26 =	sadd.s32 s6, s31;
	[sflag:s17] =	ssyncadd.s32 $0xFFFF9C00  }
0x74: {  	[tilespmem:s4], [sflag:$0x3] =	stream.linear.gather [hbm4b:s26+s4], $0x190, $0x38;
	[tilespmem:$0x16E40] =	vst v63  }
0x75: {  	_ =	swait.ge [sflag:s17], $0x190  }
0x76: {  	[sflag:s17] =	ssyncset.done $0x0  }
0x77: {  	s0 =	sadd.s32 s2, s31;
	[sflag:s17] =	ssyncadd.s32 $0xFFFFFE70  }
0x78: {  	[tilespmem:s18], [sflag:$0x3] =	stream.linear.gather [hbm4b:s0+s4], $0x190, $0x38;
	[tilespmem:$0x16E40] =	vst v63  }
0x79: {  	_ =	swait.ge [sflag:s17], $0x190  }
0x7a: {  	[sflag:s17] =	ssyncset.done $0x0  }
0x7b: {  	[sflag:s17] =	ssyncadd.s32 $0xFFFFFE70  }
0x7c: {  	[tilespmem:s19], [sflag:$0x1] =	stream.indirect.gather [hbm4b:s5+s18], $0x40, s4, s18, $0xb8;
	[tilespmem:$0x16E40] =	vst v63  }
0x7d: {  	_ =	swait.ge [sflag:s24], $0x6400  }
0x7e: {  	[sflag:s24] =	ssyncset.done $0x0  }
0x7f: {  	[sflag:s24] =	ssyncadd.s32 $0xFFFF9C00  }
0x80: {  	[spmem:s3] =	stream.indirect.scatter.add.f32 [tilespmem:s22], [sflag:$0x3], $0x40, s21, s18, $0xb8;
	[tilespmem:$0x16E40] =	vst v63  }
0x81: {  	_ =	swait.ge [sflag:s17], $0x6400  }
0x82: {  	[sflag:s17] =	ssyncset.done $0x0  }
0x83: {  	[sflag:s17] =	ssyncadd.s32 $0xFFFF9C00  }
0x84: {  	_ =	swait.ge [sflag:s23], $0x6400  }
0x85: {  	[sflag:s23] =	ssyncset.done $0x0  }
0x86: {  	[sflag:s23] =	ssyncadd.s32 $0xFFFF9C00  }
0x87: {  	[spmem:s3] =	stream.indirect.scatter.add.f32 [tilespmem:s19], [sflag:$0x3], $0x40, s18, s18, $0xb8;
	[tilespmem:$0x16E40] =	vst v63  }
0x88: {  	_ =	swait.ge [sflag:s17], $0x6400  }
0x89: {  	s25 =	sadd.s32 $0x1, s25;
	[sflag:s17] =	ssyncset.done $0x0  }
0x8a: {  	p0 =	sne.s32 s25, s12;
	[sflag:s17] =	ssyncadd.s32 $0xFFFF9C00  }
.Ltmp1:
0x8b: {  	[bflag:$0x0] =	sbarrier.arrive $0xFFFF;
	(pc) =	sbr.rel @p0 .LBB2_1-.Ltmp1, $4  }
0x8c: {  	[hbm:s11], [sflag:s8] =	dma.local [spmem:s16], $0x1400  }
0x8d: {  	_ =	swait.ge [sflag:s17], $0x1400  }
0x8e: {  	[sflag:s17] =	ssyncset.done $0x0  }
0x8f: {  	[sflag:s17] =	ssyncadd.s32 $0xFFFFEC00  }
0x90: {  	_ =	sfence.sel $0x180000  }
0x91: {  	[bflag:$0x0] =	sbarrier.arrive $0xFFFF  }
0x92: {  	_ =	strace $0x90000050  }
0x93: {  	[bflag:$0x2] =	sbarrier.arrive $0xFFFF  }
0x94: {  	p0 =	sne.s32 s1, $0x0;
	s0 =	rddreg [dreg:$0x3]  }
0x95: {  	s0 =	sadd.s32 @!p0 $0x100000, s0  }
0x96: {  	[sflag:s0] =	ssyncadd.tile.s32 @!p0 $0x1;
	_ =	shalt  }
.Lfunc_end2:
_tile_overlayer_lowered:
.L_overlay_start_2:
0x97: {  	(tag) =	ssettag $0x2  }
0x98: {  	s0 =	rddreg [dreg:$0x0];
	s2 =	stileid.u32  }
0x99: {  	s1 =	rddreg [dreg:$0x1];
	p0 =	sne.s32 s2, $0x0  }
0x9a: {  	s3 =	rddreg [dreg:$0x2];
	[bflag:$0x3] =	sbarrier.arrive $0xFFFF;
	s2 =	simm.s32 @!p0 $0x1C03  }
0x9b: {  	[timem:s3], [sflag:s2] =	dma.local @!p0 [hbm:s0], s1  }
0x9c: {  	s0 =	simm.s32 @!p0 $0x3  }
0x9d: {  	_ =	swait.ge @!p0 [sflag:s0], s1  }
0x9e: {  	s1 =	ssub.s32 @!p0 $0x0, s1;
	[sflag:s0] =	ssyncset.done @!p0 $0x0  }
0x9f: {  	[sflag:s0] =	ssyncadd.s32 @!p0 s1  }
0xa0: {  	[bflag:$0x3] =	sbarrier.arrive $0xFFFF  }
0xa1: {  	_ =	shalt  }

// kernel: kernel.24.cloned.1.call-start
scs
__scs_entry_jumppad:
0x0: {  	(pc) =	sbr.rel $0x88, $3  }
0x1: {  	(tag) =	ssettag $0x0;
	lr =	simm.s32 $0x1  }
0x2: {  	[smem:$0x3F8F] =	sst lr;
	_ =	strace $0xD0000000  }
0x3: {  	_ = 	snop  }
0x4: {  	_ = 	snop  }
0x5: {  	_ = 	snop  }
0x6: {  	_ = 	snop  }
0x7: {  	_ = 	snop  }
__scs_overlays_trampoline_lowered:
0x8: {  	[smem:$0x3F9E] =	sst s0  }
0x9: {  	[smem:$0x3F9F] =	sst s1  }
0xa: {  	[smem:$0x3FA0] =	sst s2  }
0xb: {  	[smem:$0x3FA1] =	sst s3  }
0xc: {  	[smem:$0x3FA2] =	sst s4  }
0xd: {  	[smem:$0x3FA3] =	sst s5  }
0xe: {  	[smem:$0x3FA4] =	sst s6  }
0xf: {  	[smem:$0x3FA5] =	sst s7  }
0x10: {  	[smem:$0x3FA6] =	sst s8  }
0x11: {  	[smem:$0x3FA7] =	sst s9;
	s0 =	simm.s32 @!p0 $0x0  }
0x12: {  	s1 =	sld [smem:$0x3F8D];
	s0 =	simm.s32 @p0 $0x1  }
0x13: {  	[smem:$0x3FA8] =	sst s0;
	s0 =	simm.s32 @!p1 $0x0  }
0x14: {  	s2 =	sld [smem:$0x3F8C];
	s0 =	simm.s32 @p1 $0x1  }
0x15: {  	[smem:$0x3FA9] =	sst s0;
	s0 =	simm.s32 @!p2 $0x0  }
0x16: {  	s3 =	sld [smem:$0x3FDB];
	s0 =	simm.s32 @p2 $0x1  }
0x17: {  	s4 =	simm.s32 $0x1BF5;
	[smem:$0x3FAB] =	sst s0  }
0x18: {  	s0 =	sld [smem:$0x3F8E];
	_ =	swait.ge [sflag:s4], $0x0  }
0x19: {  	s7 =	sld [smem:$0x3F8F]  }
0x1a: {  	s8 =	sadd.s32 $0xFFFFE003, lr  }
0x1b: {  	s9 =	sadd.s32 $0xFFFFFEF7, lr;
	s5 =	simm.s32 $0xFFFFFFFF;
	p2 =	slt.u32 s8, $0xFFFFF086  }
0x1c: {  	p1 =	slt.u32 s9, $0xF7A;
	s5 =	simm.s32 @!p2 $0x0  }
0x1d: {  	s5 =	simm.s32 @p1 $0x1;
	p0 =	seq.s32 s7, s2  }
0x1e: {  	s7 =	smul.u32 @!p0 $0xF7A, s2;
	p2 =	seq.s32 @!p0 s5, $0x0  }
0x1f: {  	s9 =	smul.u32 $0xF7A, s1;
	s8 =	simm.s32 @!p0 $0x1BF5;
	p2 =	por !p2, p0  }
0x20: {  	[sflag:s8] =	ssyncset.s32 @!p0 $0xFFFFF086;
	s6 =	sadd.s32 @!p0 s3, s7;
	s7 =	simm.s32 @!p0 $0x108  }
0x21: {  	s3 =	sadd.s32 s3, s9;
	s6 =	sadd.s32 @!p0 $0x88, s6;
	s7 =	simm.s32 @p2 $0x1082  }
0x22: {  	[simem:s7], [sflag:s8] =	dma.local @!p0 [hbm:s6], $0xF7A  }
0x23: {  	s9 =	sor.u32 $0xD0000000, s2;
	s6 =	simm.s32 $0x108;
	_ =	swait.ge @!p0 [sflag:s8], $0x0  }
0x24: {  	s3 =	sadd.s32 $0x88, s3;
	s6 =	simm.s32 @!p1 $0x1082;
	[sflag:s4] =	ssyncset.s32 $0xFFFFF086  }
0x25: {  	[simem:s6], [sflag:s4] =	dma.local [hbm:s3], $0xF7A  }
0x26: {  	[smem:$0x3F8F] =	sst s1;
	(tag) =	ssettag s2;
	_ =	strace s9  }
0x27: {  	s1 =	sld [smem:$0x3F9F]  }
0x28: {  	s2 =	sld [smem:$0x3FA0]  }
0x29: {  	s4 =	sld [smem:$0x3FA2]  }
0x2a: {  	p0 =	seq.s32 s5, $0x0;
	s5 =	sld [smem:$0x3FA3]  }
0x2b: {  	s6 =	sld [smem:$0x3FA4]  }
0x2c: {  	s7 =	sld [smem:$0x3FA5]  }
0x2d: {  	s3 =	simm.s32 $0x108;
	s8 =	sld [smem:$0x3FA6]  }
0x2e: {  	s3 =	simm.s32 @!p0 $0x1082;
	s9 =	sld [smem:$0x3FA7]  }
0x2f: {  	lr =	sadd.s32 s0, s3;
	s0 =	sld [smem:$0x3F9E]  }
0x30: {  	s3 =	sld [smem:$0x3FA1]  }
0x31: {  	[smem:$0x3FAA] =	sst s10  }
0x32: {  	s10 =	sld [smem:$0x3FA8];
	_ =	sdelay $0x3  }
0x33: {  	p0 =	seq.s32 s10, $0x1;
	s10 =	sld [smem:$0x3FAA];
	_ =	sdelay $0x3  }
0x34: {  	[smem:$0x3FAA] =	sst s10  }
0x35: {  	s10 =	sld [smem:$0x3FA9];
	_ =	sdelay $0x3  }
0x36: {  	p1 =	seq.s32 s10, $0x1;
	s10 =	sld [smem:$0x3FAA];
	_ =	sdelay $0x3  }
0x37: {  	[smem:$0x3FAA] =	sst s10  }
0x38: {  	s10 =	sld [smem:$0x3FAB]  }
0x39: {  	_ = 	snop;
	(pc) =	sbr.ind lr, $3  }
0x3a: {  	_ = 	snop  }
0x3b: {  	_ = 	snop  }
0x3c: {  	p2 =	seq.s32 s10, $0x1;
	s10 =	sld [smem:$0x3FAA]  }
0x3d: {  	_ =	shalt  }
0x3e: {  	_ =	shalt  }
0x3f: {  	_ =	shalt  }
0x40: {  	_ =	shalt  }
0x41: {  	_ =	shalt  }
0x42: {  	_ =	shalt  }
0x43: {  	_ =	shalt  }
0x44: {  	_ =	shalt  }
0x45: {  	_ =	shalt  }
0x46: {  	_ =	shalt  }
0x47: {  	_ =	shalt  }
0x48: {  	_ =	shalt  }
0x49: {  	_ =	shalt  }
0x4a: {  	_ =	shalt  }
0x4b: {  	_ =	shalt  }
0x4c: {  	_ =	shalt  }
0x4d: {  	_ =	shalt  }
0x4e: {  	_ =	shalt  }
0x4f: {  	_ =	shalt  }
0x50: {  	_ =	shalt  }
0x51: {  	_ =	shalt  }
0x52: {  	_ =	shalt  }
0x53: {  	_ =	shalt  }
0x54: {  	_ =	shalt  }
0x55: {  	_ =	shalt  }
0x56: {  	_ =	shalt  }
0x57: {  	_ =	shalt  }
0x58: {  	_ =	shalt  }
0x59: {  	_ =	shalt  }
0x5a: {  	_ =	shalt  }
0x5b: {  	_ =	shalt  }
0x5c: {  	_ =	shalt  }
0x5d: {  	_ =	shalt  }
0x5e: {  	_ =	shalt  }
0x5f: {  	_ =	shalt  }
0x60: {  	_ =	shalt  }
0x61: {  	_ =	shalt  }
0x62: {  	_ =	shalt  }
0x63: {  	_ =	shalt  }
0x64: {  	_ =	shalt  }
0x65: {  	_ =	shalt  }
0x66: {  	_ =	shalt  }
0x67: {  	_ =	shalt  }
0x68: {  	_ =	shalt  }
0x69: {  	_ =	shalt  }
0x6a: {  	_ =	shalt  }
0x6b: {  	_ =	shalt  }
0x6c: {  	_ =	shalt  }
0x6d: {  	_ =	shalt  }
0x6e: {  	_ =	shalt  }
0x6f: {  	_ =	shalt  }
0x70: {  	_ =	shalt  }
0x71: {  	_ =	shalt  }
0x72: {  	_ =	shalt  }
0x73: {  	_ =	shalt  }
0x74: {  	_ =	shalt  }
0x75: {  	_ =	shalt  }
0x76: {  	_ =	shalt  }
0x77: {  	_ =	shalt  }
0x78: {  	_ =	shalt  }
0x79: {  	_ =	shalt  }
0x7a: {  	_ =	shalt  }
0x7b: {  	_ =	shalt  }
0x7c: {  	_ =	shalt  }
0x7d: {  	_ =	shalt  }
0x7e: {  	_ =	shalt  }
0x7f: {  	_ =	shalt  }
0x80: {  	_ =	shalt  }
0x81: {  	_ =	shalt  }
0x82: {  	_ =	shalt  }
0x83: {  	_ =	shalt  }
0x84: {  	_ =	shalt  }
0x85: {  	_ =	shalt  }
0x86: {  	_ =	shalt  }
0x87: {  	_ =	shalt  }
.Lfunc_end0:
.L_simem_size_0:
called_computation.4_lowered:
.L_overlay_start_0:
0x88: {  	s2 =	sld [smem:$0x3FD9]  }
0x89: {  	s3 =	sld [smem:$0x3FFE];
	_ =	sdelay $0x1  }
0x8a: {  	s1 =	srdreg.scid  }
0x8b: {  	s0 =	sand.u32 $0x1, s1  }
0x8c: {  	s17 =	sshll.u32 s0, $0xA;
	s2 =	sadd.s32 s3, s2  }
0x8d: {  	s2 =	sadd.s32 s2, s17  }
0x8e: {  	[smem:$0x3FB6] =	sst s2  }
0x8f: {  	_ = 	snop  }
0x90: {  	s2 =	sld [smem:$0x3FD0];
	(tm) =	ssettm $0x1  }
0x91: {  	s18 =	sld [smem:$0x3FFB];
	_ =	sdelay $0x3  }
0x92: {  	_ =	strace s18  }
0x93: {  	s3 =	sld [smem:$0x3FFC];
	_ =	sdelay $0x3  }
0x94: {  	_ =	strace s3  }
0x95: {  	s3 =	sld [smem:$0x3FFD];
	_ =	sdelay $0x3  }
0x96: {  	_ =	strace s3  }
0x97: {  	_ =	strace $0x8FFFFFFF  }
0x98: {  	s19 =	sld [smem:$0x3FDB];
	_ =	sdelay $0x1  }
0x99: {  	s4 =	simm.s32 $_scs_section_size  }
0x9a: {  	s5 =	simm.s32 $_size__tile_overlayer_lowered;
	s6 =	simm.s32 $_tile_overlayer_lowered  }
0x9b: {  	s22 =	simm.s32 $0x1BFF;
	s21 =	sshll.u32 s6, $0x1;
	s3 =	sadd.s32 s4, s19  }
0x9c: {  	s7 =	simm.s32 $0x0;
	s20 =	sshll.u32 s5, $0x1;
	s5 =	sadd.s32 s21, s3  }
0x9d: {  	[timem:s7], [sflag:s22] =	dma.local [hbm:s5], s20  }
0x9e: {  	_ =	swait.ge [sflag:s22], s20  }
0x9f: {  	s4 =	ssub.s32 $0x0, s20;
	[sflag:s22] =	ssyncset.done $0x0  }
0xa0: {  	[sflag:s22] =	ssyncadd.s32 s4;
	_ =	sdelay $0x1  }
0xa1: {  	s23 =	simm.s32 $0x1B8B  }
0xa2: {  	_ =	swait.ge [sflag:s23], $0x1  }
0xa3: {  	[sflag:s23] =	ssyncset.done $0x0  }
0xa4: {  	s25 =	simm.s32 $0x1B8E;
	s24 =	sld [smem:$0x3FFE];
	[sflag:s23] =	ssyncadd.s32 $0xFFFFFFFF  }
0xa5: {  	s26 =	simm.s32 $execute0_lowered;
	[smem:$0x3FD2] =	sst s25  }
0xa6: {  	s5 =	sshll.u32 s26, $0x1;
	_ =	strace $0x80000052;
	[dreg:$0x1] =	wrdreg $0xFFFFFFFF  }
0xa7: {  	s28 =	simm.s32 $_size_execute0_lowered;
	s3 =	sadd.s32 s3, s5;
	[dreg:$0x0] =	wrdreg $0x0  }
0xa8: {  	s5 =	sshll.u32 s28, $0x1;
	[dreg:$0x2] =	wrdreg s3  }
0xa9: {  	[dreg:$0x3] =	wrdreg s5  }
0xaa: {  	[dreg:$0x4] =	wrdreg $0xC0  }
0xab: {  	_ =	task [dreg:s7], $0x5FFFF  }
0xac: {  	[dreg:$0x1] =	wrdreg $0xFFFFFFFF  }
0xad: {  	[dreg:$0x0] =	wrdreg $0x60  }
0xae: {  	[dreg:$0x2] =	wrdreg s24  }
0xaf: {  	[dreg:$0x3] =	wrdreg s2  }
0xb0: {  	[dreg:$0x4] =	wrdreg $0xCE400  }
0xb1: {  	[dreg:$0x5] =	wrdreg $0x9  }
0xb2: {  	_ =	task.clear_ibuf [dreg:s7], $0x6FFFF;
	_ =	strace $0x90000052  }
0xb3: {  	s29 =	simm.s32 $0x9;
	_ =	strace $0x80000054  }
0xb4: {  	_ =	swait.ge [sflag:s29], $0x1  }
0xb5: {  	[sflag:s29] =	ssyncadd.s32 $0xFFFFFFFF  }
0xb6: {  	_ =	strace $0x90000054  }
0xb7: {  	_ =	sfence  }
0xb8: {  	s30 =	sld [smem:$0x0];
	_ =	sdelay $0x2  }
0xb9: {  	s31 =	sshll.u32 s1, $0xD;
	s1 =	sshrl.u32 s1, $0x2  }
0xba: {  	s3 =	sand.u32 $0x4000, s31;
	s1 =	sadd.s32 s1, s30  }
0xbb: {  	s0 =	sor.u32 s3, s0;
	s1 =	sshll.u32 s1, $0x11  }
0xbc: {  	s0 =	sor.u32 s1, s0  }
0xbd: {  	s0 =	sadd.s32 $0x8F2B, s0  }
0xbe: {  	[sflag:s0] =	ssyncadd.remote.s32 $0x1  }
0xbf: {  	_ =	sfence.sel $0xFFFF  }
0xc0: {  	[dreg:$0x0] =	wrdreg $0xFFFFFFFF;
	(pc) =	sbr.abs _section_cstart, $3  }
0xc1: {  	[dreg:$0x1] =	wrdreg $0xFFFFFFFF  }
0xc2: {  	_ =	task.clear_ibuf [dreg:s7], $0x2FFFF;
	_ =	strace $0x9FFFFFFF  }
0xc3: {  	(tm) =	ssettm $0x7FFFFFFF  }
tec
execute0_lowered:
.L_overlay_start_1:
0x0: {  	(tag) =	ssettag $0x1  }
0x1: {  	s0 =	rddreg [dreg:$0x0]  }
0x2: {  	s2 =	rddreg [dreg:$0x1]  }
0x3: {  	s15 =	stileid.u32;
	s3 =	rddreg [dreg:$0x2]  }
0x4: {  	s4 =	simm.s32 $0x0;
	s6 =	srdreg.scid;
	s28 =	simm.s32 $0x3  }
0x5: {  	s29 =	simm.s32 $0x4;
	s30 =	simm.s32 $0x0;
	s1 =	smul.u32 $0x9C40, s15  }
0x6: {  	[smem:$0x7FF] =	sst s4;
	s8 =	sand.u32 $0x1, s6;
	s14 =	smul.u32 $0x27100, s15  }
0x7: {  	s9 =	sshll.u32 s15, $0x1;
	s6 =	sadd.s32 $0x5E00, s0;
	s20 =	smul.u32 $0x4E20, s15  }
0x8: {  	s18 =	sshll.u32 s15, $0x6;
	_ =	strace $0x80000053;
	s22 =	smul.u32 $0x2710, s8  }
0x9: {  	s10 =	ssub.s32 $0x2, s8;
	s9 =	sor.u32 s8, s9;
	s8 =	smul.u32 $0x13880, s8  }
0xa: {  	s5 =	sshrl.u32 s1, $0x3;
	s11 =	sshrl.u32 s10, $0x1;
	s12 =	smul.u32 $0x2710, s9  }
0xb: {  	s1 =	sadd.s32 s1, s3;
	s9 =	smul.u32 $0x9C400, s9;
	s7 =	sadd.s32 s5, s0  }
0xc: {  	s5 =	sadd.s32 $0x23600, s0;
	s0 =	sadd.s32 $0x37000, s0;
	s13 =	ssub.s32 s10, s11  }
0xd: {  	s25 =	sadd.s32 s22, s20;
	s20 =	simm.s32 $0x190;
	s22 =	simm.s32 $0x320  }
0xe: {  	s7 =	sadd.s32 $0xFC00, s7;
	s19 =	sshrl.u32 s12, $0x3;
	s9 =	sshrl.u32 s9, $0x3  }
0xf: {  	s24 =	sadd.s32 s14, s0;
	s12 =	smax.u32 s13, $0x1;
	s26 =	sadd.s32 $0x190, s25  }
0x10: {  	s14 =	sadd.s32 $0x320, s25;
	s25 =	simm.s32 $0x1;
	[dreg:$0x4] =	wrdreg s7  }
0x11: {  	s7 =	sor.u32 $0x1C05, s18;
	s21 =	sadd.s32 s6, s19;
	s23 =	sadd.s32 s0, s9  }
0x12: {  	s13 =	sadd.s32 s8, s24;
	s31 =	sshll.u32 s26, $0x3;
	[dreg:$0x5] =	wrdreg s7  }
0x13: {  	s18 =	sshrl.u32 s1, $0x3;
	s24 =	simm.s32 $0x6A40;
	[dreg:$0x6] =	wrdreg s21  }
0x14: {  	s7 =	sadd.s32 s2, s19;
	s15 =	sadd.s32 s31, s0;
	s19 =	simm.s32 $0x5  }
0x15: {  	s21 =	simm.s32 $0x640;
	[dreg:$0x7] =	wrdreg s7;
	s7 =	sadd.s32 $0x12C00, s23  }
0x16: {  	s23 =	simm.s32 $0x4B0;
	[dreg:$0x8] =	wrdreg s7;
	s7 =	sshrl.u32 s26, $0x3  }
0x17: {  	s26 =	simm.s32 $0x2;
	s16 =	sadd.s32 s7, s2;
	s17 =	sadd.s32 s7, s6  }
.LBB2_1:
0x18: {  	s0 =	rddreg [dreg:$0x4]  }
0x19: {  	s1 =	rddreg [dreg:$0x5]  }
0x1a: {  	[spmem:s18], [sflag:s1] =	dma.local [hbm:s0], $0x1388  }
0x1b: {  	_ =	swait.ge [sflag:s19], $0x1388  }
0x1c: {  	[sflag:s19] =	ssyncset.done $0x0  }
0x1d: {  	[sflag:s19] =	ssyncadd.s32 $0xFFFFEC78  }
0x1e: {  	[bflag:$0x0] =	sbarrier.arrive $0xFFFF  }
0x1f: {  	s1 =	rddreg [dreg:$0x6]  }
0x20: {  	[tilespmem:s4], [sflag:$0x5] =	stream.linear.gather [hbm4b:s1+s4], $0x190, $0x38;
	[tilespmem:$0x16A80] =	vst v63  }
0x21: {  	_ =	swait.ge [sflag:s19], $0x190  }
0x22: {  	[sflag:s19] =	ssyncset.done $0x0  }
0x23: {  	s7 =	rddreg [dreg:$0x7];
	[sflag:s19] =	ssyncadd.s32 $0xFFFFFE70  }
0x24: {  	[tilespmem:s20], [sflag:$0x5] =	stream.linear.gather [hbm4b:s7+s4], $0x190, $0x38;
	[tilespmem:$0x16A80] =	vst v63  }
0x25: {  	_ =	swait.ge [sflag:s19], $0x190  }
0x26: {  	[sflag:s19] =	ssyncset.done $0x0  }
0x27: {  	[sflag:s19] =	ssyncadd.s32 $0xFFFFFE70  }
0x28: {  	[tilespmem:s21], [sflag:$0x1] =	stream.indirect.gather [spmem:s3], $0x40, s4, s20, $0xb8;
	[tilespmem:$0x16A80] =	vst v63  }
0x29: {  	s8 =	sadd.s32 $0x0, s17  }
0x2a: {  	[tilespmem:s22], [sflag:$0x5] =	stream.linear.gather [hbm4b:s8+s4], $0x190, $0x38;
	[tilespmem:$0x16A80] =	vst v63  }
0x2b: {  	_ =	swait.ge [sflag:s19], $0x190  }
0x2c: {  	[sflag:s19] =	ssyncset.done $0x0  }
0x2d: {  	s9 =	sadd.s32 $0x0, s16;
	[sflag:s19] =	ssyncadd.s32 $0xFFFFFE70  }
0x2e: {  	[tilespmem:s23], [sflag:$0x5] =	stream.linear.gather [hbm4b:s9+s4], $0x190, $0x38;
	[tilespmem:$0x16A80] =	vst v63  }
0x2f: {  	_ =	swait.ge [sflag:s19], $0x190  }
0x30: {  	[sflag:s19] =	ssyncset.done $0x0  }
0x31: {  	[sflag:s19] =	ssyncadd.s32 $0xFFFFFE70  }
0x32: {  	[tilespmem:s24], [sflag:$0x3] =	stream.indirect.gather [spmem:s3], $0x40, s22, s20, $0xb8;
	[tilespmem:$0x16A80] =	vst v63  }
0x33: {  	_ =	swait.ge [sflag:s25], $0x6400  }
0x34: {  	[sflag:s25] =	ssyncset.done $0x0  }
0x35: {  	[sflag:s25] =	ssyncadd.s32 $0xFFFF9C00  }
0x36: {  	[tilespmem:s21], [sflag:$0x2] =	stream.indirect.gather.add.f32 [hbm:s5], $0x40, s20, s20, $0xb8;
	[tilespmem:$0x16A80] =	vst v63  }
0x37: {  	_ =	swait.ge [sflag:s26], $0x6400  }
0x38: {  	[sflag:s26] =	ssyncset.done $0x0  }
0x39: {  	[sflag:s26] =	ssyncadd.s32 $0xFFFF9C00  }
0x3a: {  	[hbm4b:s13+s4] =	stream.linear.scatter [tilespmem:s21], [sflag:$0x5], $0x6400, $0x38;
	[tilespmem:$0x16A80] =	vst v63  }
0x3b: {  	_ =	swait.ge [sflag:s19], $0x6400  }
0x3c: {  	s10 =	sshrl.u32 s14, $0x3;
	[sflag:s19] =	ssyncset.done $0x0  }
0x3d: {  	s11 =	sadd.s32 s6, s10;
	[sflag:s19] =	ssyncadd.s32 $0xFFFF9C00  }
0x3e: {  	[tilespmem:s4], [sflag:$0x5] =	stream.linear.gather [hbm4b:s11+s4], $0x190, $0x38;
	[tilespmem:$0x16A80] =	vst v63  }
0x3f: {  	_ =	swait.ge [sflag:s19], $0x190  }
0x40: {  	[sflag:s19] =	ssyncset.done $0x0  }
0x41: {  	s0 =	sadd.s32 s2, s10;
	[sflag:s19] =	ssyncadd.s32 $0xFFFFFE70  }
0x42: {  	[tilespmem:s20], [sflag:$0x5] =	stream.linear.gather [hbm4b:s0+s4], $0x190, $0x38;
	[tilespmem:$0x16A80] =	vst v63  }
0x43: {  	_ =	swait.ge [sflag:s19], $0x190  }
0x44: {  	[sflag:s19] =	ssyncset.done $0x0  }
0x45: {  	[sflag:s19] =	ssyncadd.s32 $0xFFFFFE70  }
0x46: {  	[tilespmem:s21], [sflag:$0x1] =	stream.indirect.gather [spmem:s3], $0x40, s4, s20, $0xb8;
	[tilespmem:$0x16A80] =	vst v63  }
0x47: {  	_ =	swait.ge [sflag:s28], $0x6400  }
0x48: {  	[sflag:s28] =	ssyncset.done $0x0  }
0x49: {  	[sflag:s28] =	ssyncadd.s32 $0xFFFF9C00  }
0x4a: {  	[tilespmem:s24], [sflag:$0x4] =	stream.indirect.gather.add.f32 [hbm:s5], $0x40, s23, s20, $0xb8;
	[tilespmem:$0x16A80] =	vst v63  }
0x4b: {  	_ =	swait.ge [sflag:s29], $0x6400  }
0x4c: {  	[sflag:s29] =	ssyncset.done $0x0  }
0x4d: {  	s31 =	sadd.s32 $0x1900, s15;
	[sflag:s29] =	ssyncadd.s32 $0xFFFF9C00  }
0x4e: {  	[hbm4b:s15+s4] =	stream.linear.scatter [tilespmem:s24], [sflag:$0x5], $0x6400, $0x38;
	[tilespmem:$0x16A80] =	vst v63  }
0x4f: {  	s1 =	sadd.s32 $0x320, s14;
	s7 =	simm.s32 $0x64;
	_ =	swait.ge [sflag:s19], $0x6400  }
0x50: {  	s8 =	simm.s32 $0xC8;
	s0 =	sadd.s32 $0x1900, s13;
	[sflag:s19] =	ssyncset.done $0x0  }
.LBB2_2:
0x51: {  	s10 =	sadd.s32 s7, s17  }
0x52: {  	[sflag:s19] =	ssyncadd.s32 $0xFFFF9C00;
	s11 =	smov.u32 s8;
	s9 =	sadd.s32 $0x64, s8  }
0x53: {  	[tilespmem:s22], [sflag:$0x5] =	stream.linear.gather [hbm4b:s10+s4], $0x190, $0x38;
	[tilespmem:$0x16A80] =	vst v63  }
0x54: {  	p0 =	sne.s32 s8, $0x44C;
	_ =	swait.ge [sflag:s19], $0x190  }
0x55: {  	[sflag:s19] =	ssyncset.done $0x0  }
0x56: {  	s8 =	sadd.s32 s7, s16;
	s7 =	smov.u32 s11;
	[sflag:s19] =	ssyncadd.s32 $0xFFFFFE70  }
0x57: {  	[tilespmem:s23], [sflag:$0x5] =	stream.linear.gather [hbm4b:s8+s4], $0x190, $0x38;
	[tilespmem:$0x16A80] =	vst v63  }
0x58: {  	_ =	swait.ge [sflag:s19], $0x190  }
0x59: {  	[sflag:s19] =	ssyncset.done $0x0  }
0x5a: {  	[sflag:s19] =	ssyncadd.s32 $0xFFFFFE70  }
0x5b: {  	[tilespmem:s24], [sflag:$0x3] =	stream.indirect.gather [spmem:s3], $0x40, s22, s20, $0xb8;
	[tilespmem:$0x16A80] =	vst v63  }
0x5c: {  	_ =	swait.ge [sflag:s25], $0x6400  }
0x5d: {  	[sflag:s25] =	ssyncset.done $0x0  }
0x5e: {  	[sflag:s25] =	ssyncadd.s32 $0xFFFF9C00  }
0x5f: {  	[tilespmem:s21], [sflag:$0x2] =	stream.indirect.gather.add.f32 [hbm:s5], $0x40, s20, s20, $0xb8;
	[tilespmem:$0x16A80] =	vst v63  }
0x60: {  	_ =	swait.ge [sflag:s26], $0x6400  }
0x61: {  	[sflag:s26] =	ssyncset.done $0x0  }
0x62: {  	[sflag:s26] =	ssyncadd.s32 $0xFFFF9C00  }
0x63: {  	[hbm4b:s0+s4] =	stream.linear.scatter [tilespmem:s21], [sflag:$0x5], $0x6400, $0x38;
	[tilespmem:$0x16A80] =	vst v63  }
0x64: {  	_ =	swait.ge [sflag:s19], $0x6400  }
0x65: {  	s8 =	sshrl.u32 s1, $0x3;
	[sflag:s19] =	ssyncset.done $0x0  }
0x66: {  	s10 =	sadd.s32 s6, s8;
	[sflag:s19] =	ssyncadd.s32 $0xFFFF9C00  }
0x67: {  	[tilespmem:s4], [sflag:$0x5] =	stream.linear.gather [hbm4b:s10+s4], $0x190, $0x38;
	[tilespmem:$0x16A80] =	vst v63  }
0x68: {  	_ =	swait.ge [sflag:s19], $0x190  }
0x69: {  	[sflag:s19] =	ssyncset.done $0x0  }
0x6a: {  	s8 =	sadd.s32 s2, s8;
	[sflag:s19] =	ssyncadd.s32 $0xFFFFFE70  }
0x6b: {  	[tilespmem:s20], [sflag:$0x5] =	stream.linear.gather [hbm4b:s8+s4], $0x190, $0x38;
	[tilespmem:$0x16A80] =	vst v63  }
0x6c: {  	_ =	swait.ge [sflag:s19], $0x190  }
0x6d: {  	[sflag:s19] =	ssyncset.done $0x0  }
0x6e: {  	[sflag:s19] =	ssyncadd.s32 $0xFFFFFE70  }
0x6f: {  	[tilespmem:s21], [sflag:$0x1] =	stream.indirect.gather [spmem:s3], $0x40, s4, s20, $0xb8;
	[tilespmem:$0x16A80] =	vst v63  }
0x70: {  	_ =	swait.ge [sflag:s28], $0x6400  }
0x71: {  	[sflag:s28] =	ssyncset.done $0x0  }
0x72: {  	[sflag:s28] =	ssyncadd.s32 $0xFFFF9C00  }
0x73: {  	[tilespmem:s24], [sflag:$0x4] =	stream.indirect.gather.add.f32 [hbm:s5], $0x40, s23, s20, $0xb8;
	[tilespmem:$0x16A80] =	vst v63  }
0x74: {  	_ =	swait.ge [sflag:s29], $0x6400  }
.Ltmp0:
0x75: {  	[sflag:s29] =	ssyncset.done $0x0;
	(pc) =	sbr.rel @p0 .LBB2_2-.Ltmp0, $4  }
0x76: {  	[sflag:s29] =	ssyncadd.s32 $0xFFFF9C00  }
0x77: {  	[hbm4b:s31+s4] =	stream.linear.scatter [tilespmem:s24], [sflag:$0x5], $0x6400, $0x38;
	[tilespmem:$0x16A80] =	vst v63  }
0x78: {  	s1 =	sadd.s32 $0x320, s1;
	s31 =	sadd.s32 $0x1900, s31;
	_ =	swait.ge [sflag:s19], $0x6400  }
0x79: {  	s0 =	sadd.s32 $0x1900, s0;
	s8 =	smov.u32 s9;
	[sflag:s19] =	ssyncset.done $0x0  }
0x7a: {  	s8 =	sadd.s32 s7, s17;
	[sflag:s19] =	ssyncadd.s32 $0xFFFF9C00  }
0x7b: {  	[tilespmem:s22], [sflag:$0x5] =	stream.linear.gather [hbm4b:s8+s4], $0x190, $0x38;
	[tilespmem:$0x16A80] =	vst v63  }
0x7c: {  	_ =	swait.ge [sflag:s19], $0x190  }
0x7d: {  	[sflag:s19] =	ssyncset.done $0x0  }
0x7e: {  	s10 =	sadd.s32 s7, s16;
	[sflag:s19] =	ssyncadd.s32 $0xFFFFFE70  }
0x7f: {  	[tilespmem:s23], [sflag:$0x5] =	stream.linear.gather [hbm4b:s10+s4], $0x190, $0x38;
	[tilespmem:$0x16A80] =	vst v63  }
0x80: {  	_ =	swait.ge [sflag:s19], $0x190  }
0x81: {  	[sflag:s19] =	ssyncset.done $0x0  }
0x82: {  	[sflag:s19] =	ssyncadd.s32 $0xFFFFFE70  }
0x83: {  	[tilespmem:s24], [sflag:$0x3] =	stream.indirect.gather [spmem:s3], $0x40, s22, s20, $0xb8;
	[tilespmem:$0x16A80] =	vst v63  }
0x84: {  	_ =	swait.ge [sflag:s25], $0x6400  }
0x85: {  	[sflag:s25] =	ssyncset.done $0x0  }
0x86: {  	[sflag:s25] =	ssyncadd.s32 $0xFFFF9C00  }
0x87: {  	[tilespmem:s21], [sflag:$0x2] =	stream.indirect.gather.add.f32 [hbm:s5], $0x40, s20, s20, $0xb8;
	[tilespmem:$0x16A80] =	vst v63  }
0x88: {  	_ =	swait.ge [sflag:s26], $0x6400  }
0x89: {  	[sflag:s26] =	ssyncset.done $0x0  }
0x8a: {  	[sflag:s26] =	ssyncadd.s32 $0xFFFF9C00  }
0x8b: {  	[hbm4b:s0+s4] =	stream.linear.scatter [tilespmem:s21], [sflag:$0x5], $0x6400, $0x38;
	[tilespmem:$0x16A80] =	vst v63  }
0x8c: {  	_ =	swait.ge [sflag:s19], $0x6400  }
0x8d: {  	s11 =	sshrl.u32 s1, $0x3;
	[sflag:s19] =	ssyncset.done $0x0  }
0x8e: {  	s1 =	sadd.s32 s6, s11;
	[sflag:s19] =	ssyncadd.s32 $0xFFFF9C00  }
0x8f: {  	[tilespmem:s4], [sflag:$0x5] =	stream.linear.gather [hbm4b:s1+s4], $0x190, $0x38;
	[tilespmem:$0x16A80] =	vst v63  }
0x90: {  	_ =	swait.ge [sflag:s19], $0x190  }
0x91: {  	[sflag:s19] =	ssyncset.done $0x0  }
0x92: {  	s0 =	sadd.s32 s2, s11;
	[sflag:s19] =	ssyncadd.s32 $0xFFFFFE70  }
0x93: {  	[tilespmem:s20], [sflag:$0x5] =	stream.linear.gather [hbm4b:s0+s4], $0x190, $0x38;
	[tilespmem:$0x16A80] =	vst v63  }
0x94: {  	_ =	swait.ge [sflag:s19], $0x190  }
0x95: {  	[sflag:s19] =	ssyncset.done $0x0  }
0x96: {  	[sflag:s19] =	ssyncadd.s32 $0xFFFFFE70  }
0x97: {  	[tilespmem:s21], [sflag:$0x1] =	stream.indirect.gather [spmem:s3], $0x40, s4, s20, $0xb8;
	[tilespmem:$0x16A80] =	vst v63  }
0x98: {  	_ =	swait.ge [sflag:s28], $0x6400  }
0x99: {  	[sflag:s28] =	ssyncset.done $0x0  }
0x9a: {  	[sflag:s28] =	ssyncadd.s32 $0xFFFF9C00  }
0x9b: {  	[tilespmem:s24], [sflag:$0x4] =	stream.indirect.gather.add.f32 [hbm:s5], $0x40, s23, s20, $0xb8;
	[tilespmem:$0x16A80] =	vst v63  }
0x9c: {  	_ =	swait.ge [sflag:s29], $0x6400  }
0x9d: {  	[sflag:s29] =	ssyncset.done $0x0  }
0x9e: {  	[sflag:s29] =	ssyncadd.s32 $0xFFFF9C00  }
0x9f: {  	[hbm4b:s31+s4] =	stream.linear.scatter [tilespmem:s24], [sflag:$0x5], $0x6400, $0x38;
	[tilespmem:$0x16A80] =	vst v63  }
0xa0: {  	_ =	swait.ge [sflag:s19], $0x6400  }
0xa1: {  	[sflag:s19] =	ssyncset.done $0x0  }
0xa2: {  	[sflag:s19] =	ssyncadd.s32 $0xFFFF9C00  }
0xa3: {  	_ =	swait.ge [sflag:s25], $0x6400  }
0xa4: {  	[sflag:s25] =	ssyncset.done $0x0  }
0xa5: {  	[sflag:s25] =	ssyncadd.s32 $0xFFFF9C00  }
0xa6: {  	[tilespmem:s21], [sflag:$0x2] =	stream.indirect.gather.add.f32 [hbm:s5], $0x40, s20, s20, $0xb8;
	[tilespmem:$0x16A80] =	vst v63  }
0xa7: {  	s30 =	sadd.s32 $0x1, s30;
	_ =	swait.ge [sflag:s26], $0x6400  }
0xa8: {  	p0 =	sne.s32 s30, s12;
	[sflag:s26] =	ssyncset.done $0x0  }
.Ltmp1:
0xa9: {  	s31 =	rddreg [dreg:$0x8];
	[sflag:s26] =	ssyncadd.s32 $0xFFFF9C00;
	(pc) =	sbr.rel @p0 .LBB2_1-.Ltmp1, $4  }
0xaa: {  	[hbm4b:s31+s4] =	stream.linear.scatter [tilespmem:s21], [sflag:$0x5], $0x6400, $0x38;
	[tilespmem:$0x16A80] =	vst v63  }
0xab: {  	_ =	swait.ge [sflag:s19], $0x6400  }
0xac: {  	[sflag:s19] =	ssyncset.done $0x0  }
0xad: {  	[sflag:s19] =	ssyncadd.s32 $0xFFFF9C00  }
0xae: {  	_ =	sfence.sel $0x180000  }
0xaf: {  	[bflag:$0x0] =	sbarrier.arrive $0xFFFF  }
0xb0: {  	_ =	strace $0x90000053  }
0xb1: {  	s0 =	stileid.u32;
	[bflag:$0x2] =	sbarrier.arrive $0xFFFF  }
0xb2: {  	p0 =	sne.s32 s0, $0x0;
	s0 =	rddreg [dreg:$0x3]  }
0xb3: {  	s0 =	sadd.s32 @!p0 $0x100000, s0  }
0xb4: {  	[sflag:s0] =	ssyncadd.tile.s32 @!p0 $0x1;
	_ =	shalt  }
.Lfunc_end2:
_tile_overlayer_lowered:
.L_overlay_start_2:
0xb5: {  	(tag) =	ssettag $0x2  }
0xb6: {  	s0 =	rddreg [dreg:$0x0];
	s2 =	stileid.u32  }
0xb7: {  	s1 =	rddreg [dreg:$0x1];
	p0 =	sne.s32 s2, $0x0  }
0xb8: {  	s3 =	rddreg [dreg:$0x2];
	[bflag:$0x3] =	sbarrier.arrive $0xFFFF;
	s2 =	simm.s32 @!p0 $0x1C05  }
0xb9: {  	[timem:s3], [sflag:s2] =	dma.local @!p0 [hbm:s0], s1  }
0xba: {  	s0 =	simm.s32 @!p0 $0x5  }
0xbb: {  	_ =	swait.ge @!p0 [sflag:s0], s1  }
0xbc: {  	s1 =	ssub.s32 @!p0 $0x0, s1;
	[sflag:s0] =	ssyncset.done @!p0 $0x0  }
0xbd: {  	[sflag:s0] =	ssyncadd.s32 @!p0 s1  }
0xbe: {  	[bflag:$0x3] =	sbarrier.arrive $0xFFFF  }
0xbf: {  	_ =	shalt  }

</sc_bundles>
